<compile_context>
chip_gen: v7x
topology: tpu7x:2x2x1
jax: 0.10.2.dev20260603
libtpu: 0.0.44.dev20260713+nightly
codegen_flags: <defaults>
</compile_context>

<pallas_src>
import functools

import jax
import jax.numpy as jnp
from jax import lax
from jax.experimental import pallas as pl
from jax.experimental.pallas import tpu as pltpu
from jax.experimental.pallas import tpu_sc as plsc

N = 10000
E = 320000
D = 128
H = 128
L = 3
C = 2

NC = 2
NS = 16
NW = NC * NS
CHUNK = 128
ECHUNKS = E // CHUNK
MAINC = ECHUNKS // NW
XTRA = ECHUNKS - NW * MAINC
SLOTS = 80
NPASS = 2
PCHUNK = SLOTS // NPASS
P1C = MAINC - PCHUNK
RPT = 624
RTAIL = N - NS * RPT

BN = 2000
NB = N // BN

_PREC = lax.Precision.DEFAULT


def _mm(a, b):
    return lax.dot_general(a, b, (((1,), (0,)), ((), ())),
                           preferred_element_type=jnp.float32,
                           precision=_PREC)


def _mmT(a, b):
    return lax.dot_general(a, b, (((1,), (1,)), ((), ())),
                           preferred_element_type=jnp.float32,
                           precision=_PREC)


def _sc_segment_sum(m, src3, dst3, xsrc, xdst, zeros):
    mesh = plsc.VectorSubcoreMesh(core_axis_name="c", subcore_axis_name="s")

    @functools.partial(
        pl.kernel,
        out_type=jax.ShapeDtypeStruct((NC, N, H), jnp.float32),
        mesh=mesh,
        scratch_types=[
            pltpu.VMEM((PCHUNK, CHUNK), jnp.int32),
            pltpu.VMEM((PCHUNK, CHUNK), jnp.int32),
            pltpu.VMEM((CHUNK, H), jnp.float32),
            pltpu.VMEM((CHUNK, H), jnp.float32),
            pltpu.VMEM_SHARED((N, H), jnp.float32),
            pltpu.SemaphoreType.DMA,
            pltpu.SemaphoreType.DMA,
            pltpu.SemaphoreType.DMA,
        ],
    )
    def k(m_hbm, src_hbm, dst_hbm, xsrc_hbm, xdst_hbm, z_hbm, out_hbm,
          src_v, dst_v, rows0_v, rows1_v, acc_sh, sem0, sem1, semz):
        c = lax.axis_index("c")
        s = lax.axis_index("s")
        wid = c * NS + s
        pltpu.async_copy(z_hbm.at[pl.ds(s * RPT, RPT)],
                         acc_sh.at[pl.ds(s * RPT, RPT)], semz)

        @pl.when(s == NS - 1)
        def _():
            pltpu.async_copy(z_hbm.at[pl.ds(NS * RPT, RTAIL)],
                             acc_sh.at[pl.ds(NS * RPT, RTAIL)], semz)

        def run_pass(n_pairs):
            @pl.loop(0, n_pairs)
            def _(kk):
                k2 = 2 * kk
                pltpu.async_copy(m_hbm.at[src_v.at[k2 + 1]], rows1_v, sem1)
                pltpu.make_async_copy(m_hbm.at[src_v.at[0]], rows0_v,
                                      sem0).wait()
                pltpu.sync_copy(rows0_v, acc_sh.at[dst_v.at[k2]], add=True)

                @pl.when(kk + 1 < n_pairs)
                def _():
                    pltpu.async_copy(m_hbm.at[src_v.at[k2 + 2]], rows0_v,
                                     sem0)

                pltpu.make_async_copy(m_hbm.at[src_v.at[0]], rows1_v,
                                      sem1).wait()
                pltpu.sync_copy(rows1_v, acc_sh.at[dst_v.at[k2 + 1]],
                                add=True)

        pltpu.sync_copy(src_hbm.at[wid, pl.ds(0, PCHUNK)], src_v)
        pltpu.sync_copy(dst_hbm.at[wid, pl.ds(0, PCHUNK)], dst_v)
        pltpu.async_copy(m_hbm.at[src_v.at[0]], rows0_v, sem0)
        pltpu.make_async_copy(z_hbm.at[pl.ds(s * RPT, RPT)],
                              acc_sh.at[pl.ds(s * RPT, RPT)], semz).wait()

        @pl.when(s == NS - 1)
        def _():
            pltpu.make_async_copy(z_hbm.at[pl.ds(NS * RPT, RTAIL)],
                                  acc_sh.at[pl.ds(NS * RPT, RTAIL)],
                                  semz).wait()

        plsc.subcore_barrier()
        run_pass(PCHUNK // 2)
        pltpu.sync_copy(src_hbm.at[wid, pl.ds(PCHUNK, PCHUNK)], src_v)
        pltpu.sync_copy(dst_hbm.at[wid, pl.ds(PCHUNK, PCHUNK)], dst_v)
        pltpu.async_copy(m_hbm.at[src_v.at[0]], rows0_v, sem0)
        run_pass(P1C // 2)

        @pl.when(wid < XTRA)
        def _():
            pltpu.sync_copy(xsrc_hbm.at[wid], src_v.at[0])
            pltpu.sync_copy(xdst_hbm.at[wid], dst_v.at[0])
            pltpu.async_copy(m_hbm.at[src_v.at[0]], rows0_v, sem0).wait()
            pltpu.sync_copy(rows0_v, acc_sh.at[dst_v.at[0]], add=True)

        plsc.subcore_barrier()
        pltpu.sync_copy(acc_sh.at[pl.ds(s * RPT, RPT)],
                        out_hbm.at[c, pl.ds(s * RPT, RPT)])

        @pl.when(s == NS - 1)
        def _():
            pltpu.sync_copy(acc_sh.at[pl.ds(NS * RPT, RTAIL)],
                            out_hbm.at[c, pl.ds(NS * RPT, RTAIL)])

    return k(m, src3, dst3, xsrc, xdst, zeros)


def _pre_body(x_ref, win_ref, bin_ref, wg_ref, h_ref, m_ref):
    h = _mmT(x_ref[...], win_ref[...]) + bin_ref[...]
    h_ref[...] = h
    m_ref[...] = _mm(h, wg_ref[...])


def _gru(p_ref, h, wih_ref, bih_ref, whh_ref, bhh_ref):
    agg = p_ref[0] + p_ref[1]
    gi = _mmT(agg, wih_ref[...]) + bih_ref[...]
    gh = _mmT(h, whh_ref[...]) + bhh_ref[...]
    r = jax.nn.sigmoid(gi[:, :H] + gh[:, :H])
    z = jax.nn.sigmoid(gi[:, H:2 * H] + gh[:, H:2 * H])
    n = jnp.tanh(gi[:, 2 * H:] + r * gh[:, 2 * H:])
    return (1.0 - z) * n + z * h


def _mid_body(p_ref, h_ref, wih_ref, bih_ref, whh_ref, bhh_ref, wg_ref,
              h1_ref, m1_ref):
    h1 = _gru(p_ref, h_ref[...], wih_ref, bih_ref, whh_ref, bhh_ref)
    h1_ref[...] = h1
    m1_ref[...] = _mm(h1, wg_ref[...])


def _post_body(p_ref, h_ref, wih_ref, bih_ref, whh_ref, bhh_ref, w1_ref,
               b1_ref, w2_ref, b2_ref, out_ref, sum_sc, max_sc):
    i = pl.program_id(0)
    h1 = _gru(p_ref, h_ref[...], wih_ref, bih_ref, whh_ref, bhh_ref)
    bsum = jnp.sum(h1, axis=0, keepdims=True)
    bmax = jnp.max(h1, axis=0, keepdims=True)

    @pl.when(i == 0)
    def _():
        sum_sc[...] = bsum
        max_sc[...] = bmax

    @pl.when(i > 0)
    def _():
        sum_sc[...] += bsum
        max_sc[...] = jnp.maximum(max_sc[...], bmax)

    @pl.when(i == NB - 1)
    def _():
        feat = jnp.concatenate([sum_sc[...] / N, max_sc[...]], axis=1)
        hid = jax.nn.relu(_mmT(feat, w1_ref[...]) + b1_ref[...])
        out_ref[...] = _mmT(hid, w2_ref[...]) + b2_ref[...]


def _row_spec(width):
    return pl.BlockSpec((BN, width), lambda i: (i, 0))


def _full_spec(shape):
    return pl.BlockSpec(shape, lambda i: tuple(0 for _ in shape))


def kernel(x, edge_index, W_in, b_in, ggc_w, gru_wih, gru_whh, gru_bih,
           gru_bhh, W1, b1, W2, b2):
    nmain = NW * MAINC * CHUNK
    src3 = jnp.pad(
        edge_index[0][:nmain].reshape(NW, MAINC, CHUNK),
        ((0, 0), (0, SLOTS - MAINC), (0, 0)))
    dst3 = jnp.pad(
        edge_index[1][:nmain].reshape(NW, MAINC, CHUNK),
        ((0, 0), (0, SLOTS - MAINC), (0, 0)))
    xsrc = edge_index[0][nmain:].reshape(XTRA, CHUNK)
    xdst = edge_index[1][nmain:].reshape(XTRA, CHUNK)
    zeros = jnp.zeros((N, H), jnp.float32)
    b_in2 = b_in.reshape(1, H)
    bih2 = gru_bih.reshape(1, 3 * H)
    bhh2 = gru_bhh.reshape(1, 3 * H)
    b1_2 = b1.reshape(1, H)
    b2_2 = b2.reshape(1, C)

    h, m = pl.pallas_call(
        _pre_body,
        grid=(NB,),
        in_specs=[_row_spec(D)] + [_full_spec(s)
                                   for s in ((H, D), (1, H), (H, H))],
        out_specs=[_row_spec(H), _row_spec(H)],
        out_shape=[jax.ShapeDtypeStruct((N, H), jnp.float32),
                   jax.ShapeDtypeStruct((N, H), jnp.float32)],
    )(x, W_in, b_in2, ggc_w[0])

    gru_w_specs = [_full_spec(s) for s in
                   ((3 * H, H), (1, 3 * H), (3 * H, H), (1, 3 * H))]
    p_spec = pl.BlockSpec((NC, BN, H), lambda i: (0, i, 0))
    for r in range(L - 1):
        p = _sc_segment_sum(m, src3, dst3, xsrc, xdst, zeros)
        h, m = pl.pallas_call(
            _mid_body,
            grid=(NB,),
            in_specs=[p_spec, _row_spec(H)] + gru_w_specs
            + [_full_spec((H, H))],
            out_specs=[_row_spec(H), _row_spec(H)],
            out_shape=[jax.ShapeDtypeStruct((N, H), jnp.float32),
                       jax.ShapeDtypeStruct((N, H), jnp.float32)],
        )(p, h, gru_wih, bih2, gru_whh, bhh2, ggc_w[r + 1])

    p = _sc_segment_sum(m, src3, dst3, xsrc, xdst, zeros)
    out = pl.pallas_call(
        _post_body,
        grid=(NB,),
        in_specs=[p_spec, _row_spec(H)] + gru_w_specs
        + [_full_spec(s) for s in ((H, 2 * H), (1, H), (C, H), (1, C))],
        out_specs=pl.BlockSpec((1, C), lambda i: (0, 0)),
        out_shape=jax.ShapeDtypeStruct((1, C), jnp.float32),
        scratch_shapes=[pltpu.VMEM((1, H), jnp.float32),
                        pltpu.VMEM((1, H), jnp.float32)],
    )(p, h, gru_wih, bih2, gru_whh, bhh2, W1, b1_2, W2, b2_2)
    return out

# --- scband reference (transcript-rebuilt; emitter-appended) ---
"""Pipeline reference for scband-temporal-gnn-32925219291867 (READ-ONLY COPY).

The authoritative reference and input builder live on the scoring server;
editing this copy changes nothing except your own understanding.
"""

import jax, jax.numpy as jnp
import numpy as np

N = 10000
E = 320000
D = 128
H = 128
L = 3
C = 2

def setup_inputs(seed: int = 0) -> dict:
    key = jax.random.key(seed)
    ks = jax.random.split(key, 14)
    inp = {}
    inp["x"] = jax.random.normal(ks[0], (N, D), dtype=jnp.float32)
    inp["edge_index"] = jax.random.randint(ks[1], (2, E), 0, N, dtype=jnp.int32)
    s = 0.05
    inp["W_in"] = jax.random.normal(ks[2], (H, D), dtype=jnp.float32) * s
    inp["b_in"] = jnp.zeros((H,), dtype=jnp.float32)
    inp["ggc_w"] = jax.random.normal(ks[3], (L, H, H), dtype=jnp.float32) * s
    inp["gru_wih"] = jax.random.normal(ks[4], (3 * H, H), dtype=jnp.float32) * s
    inp["gru_whh"] = jax.random.normal(ks[5], (3 * H, H), dtype=jnp.float32) * s
    inp["gru_bih"] = jnp.zeros((3 * H,), dtype=jnp.float32)
    inp["gru_bhh"] = jnp.zeros((3 * H,), dtype=jnp.float32)
    inp["W1"] = jax.random.normal(ks[6], (H, 2 * H), dtype=jnp.float32) * s
    inp["b1"] = jnp.zeros((H,), dtype=jnp.float32)
    inp["W2"] = jax.random.normal(ks[7], (C, H), dtype=jnp.float32) * s
    inp["b2"] = jnp.zeros((C,), dtype=jnp.float32)
    return inp

def reference(x, edge_index, W_in, b_in, ggc_w, gru_wih, gru_whh, gru_bih, gru_bhh, W1, b1, W2, b2):
    # input_proj
    h = x @ W_in.T + b_in
    src = edge_index[0]
    dst = edge_index[1]
    # GatedGraphConv: L rounds of (linear -> scatter-add aggregate -> GRUCell)
    for i in range(L):
        m = h @ ggc_w[i]
        agg = jax.ops.segment_sum(m[src], dst, num_segments=N)
        gi = agg @ gru_wih.T + gru_bih
        gh = h @ gru_whh.T + gru_bhh
        i_r, i_z, i_n = jnp.split(gi, 3, axis=1)
        h_r, h_z, h_n = jnp.split(gh, 3, axis=1)
        r = jax.nn.sigmoid(i_r + h_r)
        z = jax.nn.sigmoid(i_z + h_z)
        n = jnp.tanh(i_n + r * h_n)
        h = (1.0 - z) * n + z * h
    # global readout (no batch vector): mean+max over all nodes
    x_mean = jnp.mean(h, axis=0, keepdims=True)
    x_max = jnp.max(h, axis=0, keepdims=True)
    feat = jnp.concatenate([x_mean, x_max], axis=1)
    # classifier (dropout is identity in eval)
    hid = jax.nn.relu(feat @ W1.T + b1)
    out = hid @ W2.T + b2
    return out

if __name__ == "__main__":
    import jax
    _d = setup_inputs()
    print(jax.jit(kernel)(*tuple(_d.values())))

</pallas_src>

<mosaic_0001>
#map = affine_map<(d0, d1) -> (0, 0)>
#map1 = affine_map<(d0, d1) -> (0, 0, 0)>
module attributes {stable_mosaic.version = 14 : i64} {
  func.func @k(%arg0: i32, %arg1: i32, %arg2: memref<10000x128xf32, #tpu.memory_space<hbm>>, %arg3: memref<32x80x128xi32, #tpu.memory_space<hbm>>, %arg4: memref<32x80x128xi32, #tpu.memory_space<hbm>>, %arg5: memref<4x128xi32, #tpu.memory_space<hbm>>, %arg6: memref<4x128xi32, #tpu.memory_space<hbm>>, %arg7: memref<10000x128xf32, #tpu.memory_space<hbm>>, %arg8: memref<2x10000x128xf32, #tpu.memory_space<hbm>>, %arg9: memref<40x128xi32, #tpu.memory_space<vmem>>, %arg10: memref<40x128xi32, #tpu.memory_space<vmem>>, %arg11: memref<128x128xf32, #tpu.memory_space<vmem>>, %arg12: memref<128x128xf32, #tpu.memory_space<vmem>>, %arg13: memref<10000x128xf32, #tpu.memory_space<vmem_shared>>, %arg14: memref<!tpu.dma_semaphore, #tpu.memory_space<semaphore_mem>>, %arg15: memref<!tpu.dma_semaphore, #tpu.memory_space<semaphore_mem>>, %arg16: memref<!tpu.dma_semaphore, #tpu.memory_space<semaphore_mem>>) attributes {dimension_semantics = [#tpu.dimension_semantics<core_parallel>, #tpu.dimension_semantics<subcore_parallel>], iteration_bounds = array<i64: 2, 16>, scalar_prefetch = 0 : i64, scratch_operands = 8 : i64, tpu.core_type = #tpu.core_type<sc_vector_subcore>, window_params = [{transform_indices = #map}, {transform_indices = #map1}, {transform_indices = #map1}, {transform_indices = #map}, {transform_indices = #map}, {transform_indices = #map}, {transform_indices = #map1}]} {
    %mul3A = arith.constant 16 : i32
    %mul3A_0 = arith.muli %arg0, %mul3A : i32
    %add3A = arith.addi %mul3A_0, %arg1 : i32
    %mul3A_1 = arith.constant 624 : i32
    %mul3A_2 = arith.muli %arg1, %mul3A_1 : i32
    %mul3A_3 = arith.constant 624 : i32
    %mul3A_4 = arith.muli %arg1, %mul3A_3 : i32
    %dma_start3A = arith.constant 0 : i32
    %dma_start3A_5 = tpu.memref_slice %arg13[%mul3A_4, %dma_start3A] : memref<10000x128xf32, #tpu.memory_space<vmem_shared>> -> memref<624x128xf32, #tpu.memory_space<vmem_shared>>
    %dma_start3A_6 = arith.constant 0 : i32
    %dma_start3A_7 = tpu.memref_slice %arg7[%mul3A_2, %dma_start3A_6] : memref<10000x128xf32, #tpu.memory_space<hbm>> -> memref<624x128xf32, #tpu.memory_space<hbm>>
    tpu.enqueue_dma source(%dma_start3A_7 : memref<624x128xf32, #tpu.memory_space<hbm>>) target(%dma_start3A_5 : memref<624x128xf32, #tpu.memory_space<vmem_shared>>) target_semaphore(%arg16 : memref<!tpu.dma_semaphore, #tpu.memory_space<semaphore_mem>>)
    %eq3A = arith.constant 15 : i32
    %eq3A_8 = arith.cmpi eq, %arg1, %eq3A : i32
    %convert_element_type3A = arith.extui %eq3A_8 : i1 to i32
    %cond3A = arith.constant 0 : i32
    %cond3A_9 = arith.cmpi ne, %convert_element_type3A, %cond3A : i32
    scf.if %cond3A_9 {
      %dma_start3A_59 = arith.constant 9984 : i32
      %dma_start3A_60 = arith.constant 0 : i32
      %dma_start3A_61 = tpu.memref_slice %arg13[%dma_start3A_59, %dma_start3A_60] : memref<10000x128xf32, #tpu.memory_space<vmem_shared>> -> memref<16x128xf32, #tpu.memory_space<vmem_shared>>
      %dma_start3A_62 = arith.constant 9984 : i32
      %dma_start3A_63 = arith.constant 0 : i32
      %dma_start3A_64 = tpu.memref_slice %arg7[%dma_start3A_62, %dma_start3A_63] : memref<10000x128xf32, #tpu.memory_space<hbm>> -> memref<16x128xf32, #tpu.memory_space<hbm>>
      tpu.enqueue_dma source(%dma_start3A_64 : memref<16x128xf32, #tpu.memory_space<hbm>>) target(%dma_start3A_61 : memref<16x128xf32, #tpu.memory_space<vmem_shared>>) target_semaphore(%arg16 : memref<!tpu.dma_semaphore, #tpu.memory_space<semaphore_mem>>)
    } else {
    }
    "tpu.region"() ({
      %run_scoped3A = tpu.sem_alloc : memref<!tpu.dma_semaphore, #tpu.memory_space<semaphore_mem>>
      %dma_start3A_59 = arith.constant 0 : i32
      %dma_start3A_60 = arith.constant 0 : i32
      %dma_start3A_61 = tpu.memref_slice %arg3[%add3A, %dma_start3A_59, %dma_start3A_60] : memref<32x80x128xi32, #tpu.memory_space<hbm>> -> memref<1x40x128xi32, #tpu.memory_space<hbm>>
      %dma_start3A_62 = tpu.memref_squeeze %dma_start3A_61 : memref<1x40x128xi32, #tpu.memory_space<hbm>> -> memref<40x128xi32, #tpu.memory_space<hbm>>
      %dma_start3A_63 = arith.constant 0 : i32
      %dma_start3A_64 = arith.constant 0 : i32
      %dma_start3A_65 = tpu.memref_slice %arg3[%add3A, %dma_start3A_63, %dma_start3A_64] : memref<32x80x128xi32, #tpu.memory_space<hbm>> -> memref<1x40x128xi32, #tpu.memory_space<hbm>>
      %dma_start3A_66 = tpu.memref_squeeze %dma_start3A_65 : memref<1x40x128xi32, #tpu.memory_space<hbm>> -> memref<40x128xi32, #tpu.memory_space<hbm>>
      tpu.enqueue_dma source(%dma_start3A_66 : memref<40x128xi32, #tpu.memory_space<hbm>>) target(%arg9 : memref<40x128xi32, #tpu.memory_space<vmem>>) target_semaphore(%run_scoped3A : memref<!tpu.dma_semaphore, #tpu.memory_space<semaphore_mem>>)
      %dma_wait3A_67 = arith.constant 0 : i32
      %dma_wait3A_68 = arith.constant 0 : i32
      %dma_wait3A_69 = tpu.memref_slice %arg3[%add3A, %dma_wait3A_67, %dma_wait3A_68] : memref<32x80x128xi32, #tpu.memory_space<hbm>> -> memref<1x40x128xi32, #tpu.memory_space<hbm>>
      %dma_wait3A_70 = tpu.memref_squeeze %dma_wait3A_69 : memref<1x40x128xi32, #tpu.memory_space<hbm>> -> memref<40x128xi32, #tpu.memory_space<hbm>>
      %dma_wait3A_71 = arith.constant 0 : i32
      %dma_wait3A_72 = arith.constant 0 : i32
      %dma_wait3A_73 = tpu.memref_slice %arg3[%add3A, %dma_wait3A_71, %dma_wait3A_72] : memref<32x80x128xi32, #tpu.memory_space<hbm>> -> memref<1x40x128xi32, #tpu.memory_space<hbm>>
      %dma_wait3A_74 = tpu.memref_squeeze %dma_wait3A_73 : memref<1x40x128xi32, #tpu.memory_space<hbm>> -> memref<40x128xi32, #tpu.memory_space<hbm>>
      tpu.wait_dma2 semaphore(%run_scoped3A : memref<!tpu.dma_semaphore, #tpu.memory_space<semaphore_mem>>) src(%dma_wait3A_74 : memref<40x128xi32, #tpu.memory_space<hbm>>) dst(%arg9 : memref<40x128xi32, #tpu.memory_space<vmem>>)
      tpu.yield
    }) : () -> ()
    "tpu.region"() ({
      %run_scoped3A = tpu.sem_alloc : memref<!tpu.dma_semaphore, #tpu.memory_space<semaphore_mem>>
      %dma_start3A_59 = arith.constant 0 : i32
      %dma_start3A_60 = arith.constant 0 : i32
      %dma_start3A_61 = tpu.memref_slice %arg4[%add3A, %dma_start3A_59, %dma_start3A_60] : memref<32x80x128xi32, #tpu.memory_space<hbm>> -> memref<1x40x128xi32, #tpu.memory_space<hbm>>
      %dma_start3A_62 = tpu.memref_squeeze %dma_start3A_61 : memref<1x40x128xi32, #tpu.memory_space<hbm>> -> memref<40x128xi32, #tpu.memory_space<hbm>>
      %dma_start3A_63 = arith.constant 0 : i32
      %dma_start3A_64 = arith.constant 0 : i32
      %dma_start3A_65 = tpu.memref_slice %arg4[%add3A, %dma_start3A_63, %dma_start3A_64] : memref<32x80x128xi32, #tpu.memory_space<hbm>> -> memref<1x40x128xi32, #tpu.memory_space<hbm>>
      %dma_start3A_66 = tpu.memref_squeeze %dma_start3A_65 : memref<1x40x128xi32, #tpu.memory_space<hbm>> -> memref<40x128xi32, #tpu.memory_space<hbm>>
      tpu.enqueue_dma source(%dma_start3A_66 : memref<40x128xi32, #tpu.memory_space<hbm>>) target(%arg10 : memref<40x128xi32, #tpu.memory_space<vmem>>) target_semaphore(%run_scoped3A : memref<!tpu.dma_semaphore, #tpu.memory_space<semaphore_mem>>)
      %dma_wait3A_67 = arith.constant 0 : i32
      %dma_wait3A_68 = arith.constant 0 : i32
      %dma_wait3A_69 = tpu.memref_slice %arg4[%add3A, %dma_wait3A_67, %dma_wait3A_68] : memref<32x80x128xi32, #tpu.memory_space<hbm>> -> memref<1x40x128xi32, #tpu.memory_space<hbm>>
      %dma_wait3A_70 = tpu.memref_squeeze %dma_wait3A_69 : memref<1x40x128xi32, #tpu.memory_space<hbm>> -> memref<40x128xi32, #tpu.memory_space<hbm>>
      %dma_wait3A_71 = arith.constant 0 : i32
      %dma_wait3A_72 = arith.constant 0 : i32
      %dma_wait3A_73 = tpu.memref_slice %arg4[%add3A, %dma_wait3A_71, %dma_wait3A_72] : memref<32x80x128xi32, #tpu.memory_space<hbm>> -> memref<1x40x128xi32, #tpu.memory_space<hbm>>
      %dma_wait3A_74 = tpu.memref_squeeze %dma_wait3A_73 : memref<1x40x128xi32, #tpu.memory_space<hbm>> -> memref<40x128xi32, #tpu.memory_space<hbm>>
      tpu.wait_dma2 semaphore(%run_scoped3A : memref<!tpu.dma_semaphore, #tpu.memory_space<semaphore_mem>>) src(%dma_wait3A_74 : memref<40x128xi32, #tpu.memory_space<hbm>>) dst(%arg10 : memref<40x128xi32, #tpu.memory_space<vmem>>)
      tpu.yield
    }) : () -> ()
    %dma_start3A_10 = arith.constant 0 : i32
    %dma_start3A_11 = arith.constant 0 : i32
    %dma_start3A_12 = tpu.memref_slice %arg9[%dma_start3A_10, %dma_start3A_11] : memref<40x128xi32, #tpu.memory_space<vmem>> -> memref<1x128xi32, #tpu.memory_space<vmem>>
    %dma_start3A_13 = tpu.memref_squeeze %dma_start3A_12 : memref<1x128xi32, #tpu.memory_space<vmem>> -> memref<128xi32, #tpu.memory_space<vmem>>
    %dma_start3A_14 = arith.constant 0 : i32
    %dma_start3A_15 = arith.constant 0 : i32
    %dma_start3A_16 = tpu.memref_slice %arg2[%dma_start3A_14, %dma_start3A_15] : memref<10000x128xf32, #tpu.memory_space<hbm>> -> memref<10000x128xf32, #tpu.memory_space<hbm>>
    tpu.enqueue_indirect_dma source(%dma_start3A_16 : memref<10000x128xf32, #tpu.memory_space<hbm>>) target(%arg11 : memref<128x128xf32, #tpu.memory_space<vmem>>) offsets(%dma_start3A_13 : memref<128xi32, #tpu.memory_space<vmem>>) semaphore(%arg14 : memref<!tpu.dma_semaphore, #tpu.memory_space<semaphore_mem>>)
    %mul3A_17 = arith.constant 624 : i32
    %mul3A_18 = arith.muli %arg1, %mul3A_17 : i32
    %mul3A_19 = arith.constant 624 : i32
    %mul3A_20 = arith.muli %arg1, %mul3A_19 : i32
    %dma_wait3A = arith.constant 0 : i32
    %dma_wait3A_21 = tpu.memref_slice %arg13[%mul3A_20, %dma_wait3A] : memref<10000x128xf32, #tpu.memory_space<vmem_shared>> -> memref<624x128xf32, #tpu.memory_space<vmem_shared>>
    %dma_wait3A_22 = arith.constant 0 : i32
    %dma_wait3A_23 = tpu.memref_slice %arg7[%mul3A_18, %dma_wait3A_22] : memref<10000x128xf32, #tpu.memory_space<hbm>> -> memref<624x128xf32, #tpu.memory_space<hbm>>
    tpu.wait_dma2 semaphore(%arg16 : memref<!tpu.dma_semaphore, #tpu.memory_space<semaphore_mem>>) src(%dma_wait3A_23 : memref<624x128xf32, #tpu.memory_space<hbm>>) dst(%dma_wait3A_21 : memref<624x128xf32, #tpu.memory_space<vmem_shared>>)
    %eq3A_24 = arith.constant 15 : i32
    %eq3A_25 = arith.cmpi eq, %arg1, %eq3A_24 : i32
    %convert_element_type3A_26 = arith.extui %eq3A_25 : i1 to i32
    %cond3A_27 = arith.constant 0 : i32
    %cond3A_28 = arith.cmpi ne, %convert_element_type3A_26, %cond3A_27 : i32
    scf.if %cond3A_28 {
      %dma_wait3A_59 = arith.constant 9984 : i32
      %dma_wait3A_60 = arith.constant 0 : i32
      %dma_wait3A_61 = tpu.memref_slice %arg13[%dma_wait3A_59, %dma_wait3A_60] : memref<10000x128xf32, #tpu.memory_space<vmem_shared>> -> memref<16x128xf32, #tpu.memory_space<vmem_shared>>
      %dma_wait3A_62 = arith.constant 9984 : i32
      %dma_wait3A_63 = arith.constant 0 : i32
      %dma_wait3A_64 = tpu.memref_slice %arg7[%dma_wait3A_62, %dma_wait3A_63] : memref<10000x128xf32, #tpu.memory_space<hbm>> -> memref<16x128xf32, #tpu.memory_space<hbm>>
      tpu.wait_dma2 semaphore(%arg16 : memref<!tpu.dma_semaphore, #tpu.memory_space<semaphore_mem>>) src(%dma_wait3A_64 : memref<16x128xf32, #tpu.memory_space<hbm>>) dst(%dma_wait3A_61 : memref<16x128xf32, #tpu.memory_space<vmem_shared>>)
    } else {
    }
    %barrier3A = arith.constant 0 : index
    tpu.barrier barrier_id(%barrier3A)
    %scan3A = arith.constant 0 : i32
    %scan3A_29 = arith.constant 20 : i32
    %scan3A_30 = arith.addi %scan3A, %scan3A_29 : i32
    %scan3A_31 = arith.constant 1 : i32
    scf.for %scan3A_59 = %scan3A to %scan3A_30 step %scan3A_31  : i32 {
      %mul3A_60 = arith.constant 1 : i32
      %mul3A_61 = arith.muli %scan3A_59, %mul3A_60 : i32
      %add3A_62 = arith.constant 0 : i32
      %add3A_63 = arith.addi %add3A_62, %mul3A_61 : i32
      %mul3A_64 = arith.constant 2 : i32
      %mul3A_65 = arith.muli %mul3A_64, %add3A_63 : i32
      %add3A_66 = arith.constant 1 : i32
      %add3A_67 = arith.addi %mul3A_65, %add3A_66 : i32
      %dma_start3A_68 = arith.constant 0 : i32
      %dma_start3A_69 = tpu.memref_slice %arg9[%add3A_67, %dma_start3A_68] : memref<40x128xi32, #tpu.memory_space<vmem>> -> memref<1x128xi32, #tpu.memory_space<vmem>>
      %dma_start3A_70 = tpu.memref_squeeze %dma_start3A_69 : memref<1x128xi32, #tpu.memory_space<vmem>> -> memref<128xi32, #tpu.memory_space<vmem>>
      %dma_start3A_71 = arith.constant 0 : i32
      %dma_start3A_72 = arith.constant 0 : i32
      %dma_start3A_73 = tpu.memref_slice %arg2[%dma_start3A_71, %dma_start3A_72] : memref<10000x128xf32, #tpu.memory_space<hbm>> -> memref<10000x128xf32, #tpu.memory_space<hbm>>
      tpu.enqueue_indirect_dma source(%dma_start3A_73 : memref<10000x128xf32, #tpu.memory_space<hbm>>) target(%arg12 : memref<128x128xf32, #tpu.memory_space<vmem>>) offsets(%dma_start3A_70 : memref<128xi32, #tpu.memory_space<vmem>>) semaphore(%arg15 : memref<!tpu.dma_semaphore, #tpu.memory_space<semaphore_mem>>)
      %dma_wait3A_74 = arith.constant 0 : i32
      %dma_wait3A_75 = arith.constant 0 : i32
      %dma_wait3A_76 = tpu.memref_slice %arg9[%dma_wait3A_74, %dma_wait3A_75] : memref<40x128xi32, #tpu.memory_space<vmem>> -> memref<1x128xi32, #tpu.memory_space<vmem>>
      %dma_wait3A_77 = tpu.memref_squeeze %dma_wait3A_76 : memref<1x128xi32, #tpu.memory_space<vmem>> -> memref<128xi32, #tpu.memory_space<vmem>>
      %dma_wait3A_78 = arith.constant 0 : i32
      %dma_wait3A_79 = arith.constant 0 : i32
      %dma_wait3A_80 = tpu.memref_slice %arg2[%dma_wait3A_78, %dma_wait3A_79] : memref<10000x128xf32, #tpu.memory_space<hbm>> -> memref<10000x128xf32, #tpu.memory_space<hbm>>
      tpu.wait_indirect_dma semaphore(%arg14 : memref<!tpu.dma_semaphore, #tpu.memory_space<semaphore_mem>>) src(%dma_wait3A_80 : memref<10000x128xf32, #tpu.memory_space<hbm>>) dst(%arg11 : memref<128x128xf32, #tpu.memory_space<vmem>>)
      "tpu.region"() ({
        %run_scoped3A = tpu.sem_alloc : memref<!tpu.dma_semaphore, #tpu.memory_space<semaphore_mem>>
        %dma_start3A_97 = arith.constant 0 : i32
        %dma_start3A_98 = tpu.memref_slice %arg10[%mul3A_65, %dma_start3A_97] : memref<40x128xi32, #tpu.memory_space<vmem>> -> memref<1x128xi32, #tpu.memory_space<vmem>>
        %dma_start3A_99 = tpu.memref_squeeze %dma_start3A_98 : memref<1x128xi32, #tpu.memory_space<vmem>> -> memref<128xi32, #tpu.memory_space<vmem>>
        %dma_start3A_100 = arith.constant 0 : i32
        %dma_start3A_101 = arith.constant 0 : i32
        %dma_start3A_102 = tpu.memref_slice %arg13[%dma_start3A_100, %dma_start3A_101] : memref<10000x128xf32, #tpu.memory_space<vmem_shared>> -> memref<10000x128xf32, #tpu.memory_space<vmem_shared>>
        tpu.enqueue_indirect_dma source(%arg11 : memref<128x128xf32, #tpu.memory_space<vmem>>) target(%dma_start3A_102 : memref<10000x128xf32, #tpu.memory_space<vmem_shared>>) offsets(%dma_start3A_99 : memref<128xi32, #tpu.memory_space<vmem>>) semaphore(%run_scoped3A : memref<!tpu.dma_semaphore, #tpu.memory_space<semaphore_mem>>) {add = true}
        %dma_wait3A_103 = arith.constant 0 : i32
        %dma_wait3A_104 = tpu.memref_slice %arg10[%mul3A_65, %dma_wait3A_103] : memref<40x128xi32, #tpu.memory_space<vmem>> -> memref<1x128xi32, #tpu.memory_space<vmem>>
        %dma_wait3A_105 = tpu.memref_squeeze %dma_wait3A_104 : memref<1x128xi32, #tpu.memory_space<vmem>> -> memref<128xi32, #tpu.memory_space<vmem>>
        %dma_wait3A_106 = arith.constant 0 : i32
        %dma_wait3A_107 = arith.constant 0 : i32
        %dma_wait3A_108 = tpu.memref_slice %arg13[%dma_wait3A_106, %dma_wait3A_107] : memref<10000x128xf32, #tpu.memory_space<vmem_shared>> -> memref<10000x128xf32, #tpu.memory_space<vmem_shared>>
        tpu.wait_indirect_dma semaphore(%run_scoped3A : memref<!tpu.dma_semaphore, #tpu.memory_space<semaphore_mem>>) src(%arg11 : memref<128x128xf32, #tpu.memory_space<vmem>>) dst(%dma_wait3A_108 : memref<10000x128xf32, #tpu.memory_space<vmem_shared>>)
        tpu.yield
      }) : () -> ()
      %add3A_81 = arith.constant 1 : i32
      %add3A_82 = arith.addi %add3A_63, %add3A_81 : i32
      %lt3A_83 = arith.constant 20 : i32
      %lt3A_84 = arith.cmpi slt, %add3A_82, %lt3A_83 : i32
      %convert_element_type3A_85 = arith.extui %lt3A_84 : i1 to i32
      %cond3A_86 = arith.constant 0 : i32
      %cond3A_87 = arith.cmpi ne, %convert_element_type3A_85, %cond3A_86 : i32
      scf.if %cond3A_87 {
        %add3A_97 = arith.constant 2 : i32
        %add3A_98 = arith.addi %mul3A_65, %add3A_97 : i32
        %dma_start3A_99 = arith.constant 0 : i32
        %dma_start3A_100 = tpu.memref_slice %arg9[%add3A_98, %dma_start3A_99] : memref<40x128xi32, #tpu.memory_space<vmem>> -> memref<1x128xi32, #tpu.memory_space<vmem>>
        %dma_start3A_101 = tpu.memref_squeeze %dma_start3A_100 : memref<1x128xi32, #tpu.memory_space<vmem>> -> memref<128xi32, #tpu.memory_space<vmem>>
        %dma_start3A_102 = arith.constant 0 : i32
        %dma_start3A_103 = arith.constant 0 : i32
        %dma_start3A_104 = tpu.memref_slice %arg2[%dma_start3A_102, %dma_start3A_103] : memref<10000x128xf32, #tpu.memory_space<hbm>> -> memref<10000x128xf32, #tpu.memory_space<hbm>>
        tpu.enqueue_indirect_dma source(%dma_start3A_104 : memref<10000x128xf32, #tpu.memory_space<hbm>>) target(%arg11 : memref<128x128xf32, #tpu.memory_space<vmem>>) offsets(%dma_start3A_101 : memref<128xi32, #tpu.memory_space<vmem>>) semaphore(%arg14 : memref<!tpu.dma_semaphore, #tpu.memory_space<semaphore_mem>>)
      } else {
      }
      %dma_wait3A_88 = arith.constant 0 : i32
      %dma_wait3A_89 = arith.constant 0 : i32
      %dma_wait3A_90 = tpu.memref_slice %arg9[%dma_wait3A_88, %dma_wait3A_89] : memref<40x128xi32, #tpu.memory_space<vmem>> -> memref<1x128xi32, #tpu.memory_space<vmem>>
      %dma_wait3A_91 = tpu.memref_squeeze %dma_wait3A_90 : memref<1x128xi32, #tpu.memory_space<vmem>> -> memref<128xi32, #tpu.memory_space<vmem>>
      %dma_wait3A_92 = arith.constant 0 : i32
      %dma_wait3A_93 = arith.constant 0 : i32
      %dma_wait3A_94 = tpu.memref_slice %arg2[%dma_wait3A_92, %dma_wait3A_93] : memref<10000x128xf32, #tpu.memory_space<hbm>> -> memref<10000x128xf32, #tpu.memory_space<hbm>>
      tpu.wait_indirect_dma semaphore(%arg15 : memref<!tpu.dma_semaphore, #tpu.memory_space<semaphore_mem>>) src(%dma_wait3A_94 : memref<10000x128xf32, #tpu.memory_space<hbm>>) dst(%arg12 : memref<128x128xf32, #tpu.memory_space<vmem>>)
      %add3A_95 = arith.constant 1 : i32
      %add3A_96 = arith.addi %mul3A_65, %add3A_95 : i32
      "tpu.region"() ({
        %run_scoped3A = tpu.sem_alloc : memref<!tpu.dma_semaphore, #tpu.memory_space<semaphore_mem>>
        %dma_start3A_97 = arith.constant 0 : i32
        %dma_start3A_98 = tpu.memref_slice %arg10[%add3A_96, %dma_start3A_97] : memref<40x128xi32, #tpu.memory_space<vmem>> -> memref<1x128xi32, #tpu.memory_space<vmem>>
        %dma_start3A_99 = tpu.memref_squeeze %dma_start3A_98 : memref<1x128xi32, #tpu.memory_space<vmem>> -> memref<128xi32, #tpu.memory_space<vmem>>
        %dma_start3A_100 = arith.constant 0 : i32
        %dma_start3A_101 = arith.constant 0 : i32
        %dma_start3A_102 = tpu.memref_slice %arg13[%dma_start3A_100, %dma_start3A_101] : memref<10000x128xf32, #tpu.memory_space<vmem_shared>> -> memref<10000x128xf32, #tpu.memory_space<vmem_shared>>
        tpu.enqueue_indirect_dma source(%arg12 : memref<128x128xf32, #tpu.memory_space<vmem>>) target(%dma_start3A_102 : memref<10000x128xf32, #tpu.memory_space<vmem_shared>>) offsets(%dma_start3A_99 : memref<128xi32, #tpu.memory_space<vmem>>) semaphore(%run_scoped3A : memref<!tpu.dma_semaphore, #tpu.memory_space<semaphore_mem>>) {add = true}
        %dma_wait3A_103 = arith.constant 0 : i32
        %dma_wait3A_104 = tpu.memref_slice %arg10[%add3A_96, %dma_wait3A_103] : memref<40x128xi32, #tpu.memory_space<vmem>> -> memref<1x128xi32, #tpu.memory_space<vmem>>
        %dma_wait3A_105 = tpu.memref_squeeze %dma_wait3A_104 : memref<1x128xi32, #tpu.memory_space<vmem>> -> memref<128xi32, #tpu.memory_space<vmem>>
        %dma_wait3A_106 = arith.constant 0 : i32
        %dma_wait3A_107 = arith.constant 0 : i32
        %dma_wait3A_108 = tpu.memref_slice %arg13[%dma_wait3A_106, %dma_wait3A_107] : memref<10000x128xf32, #tpu.memory_space<vmem_shared>> -> memref<10000x128xf32, #tpu.memory_space<vmem_shared>>
        tpu.wait_indirect_dma semaphore(%run_scoped3A : memref<!tpu.dma_semaphore, #tpu.memory_space<semaphore_mem>>) src(%arg12 : memref<128x128xf32, #tpu.memory_space<vmem>>) dst(%dma_wait3A_108 : memref<10000x128xf32, #tpu.memory_space<vmem_shared>>)
        tpu.yield
      }) : () -> ()
    }
    %scan3A_32 = arith.constant 20 : i32
    "tpu.region"() ({
      %run_scoped3A = tpu.sem_alloc : memref<!tpu.dma_semaphore, #tpu.memory_space<semaphore_mem>>
      %dma_start3A_59 = arith.constant 40 : i32
      %dma_start3A_60 = arith.constant 0 : i32
      %dma_start3A_61 = tpu.memref_slice %arg3[%add3A, %dma_start3A_59, %dma_start3A_60] : memref<32x80x128xi32, #tpu.memory_space<hbm>> -> memref<1x40x128xi32, #tpu.memory_space<hbm>>
      %dma_start3A_62 = tpu.memref_squeeze %dma_start3A_61 : memref<1x40x128xi32, #tpu.memory_space<hbm>> -> memref<40x128xi32, #tpu.memory_space<hbm>>
      %dma_start3A_63 = arith.constant 40 : i32
      %dma_start3A_64 = arith.constant 0 : i32
      %dma_start3A_65 = tpu.memref_slice %arg3[%add3A, %dma_start3A_63, %dma_start3A_64] : memref<32x80x128xi32, #tpu.memory_space<hbm>> -> memref<1x40x128xi32, #tpu.memory_space<hbm>>
      %dma_start3A_66 = tpu.memref_squeeze %dma_start3A_65 : memref<1x40x128xi32, #tpu.memory_space<hbm>> -> memref<40x128xi32, #tpu.memory_space<hbm>>
      tpu.enqueue_dma source(%dma_start3A_66 : memref<40x128xi32, #tpu.memory_space<hbm>>) target(%arg9 : memref<40x128xi32, #tpu.memory_space<vmem>>) target_semaphore(%run_scoped3A : memref<!tpu.dma_semaphore, #tpu.memory_space<semaphore_mem>>)
      %dma_wait3A_67 = arith.constant 40 : i32
      %dma_wait3A_68 = arith.constant 0 : i32
      %dma_wait3A_69 = tpu.memref_slice %arg3[%add3A, %dma_wait3A_67, %dma_wait3A_68] : memref<32x80x128xi32, #tpu.memory_space<hbm>> -> memref<1x40x128xi32, #tpu.memory_space<hbm>>
      %dma_wait3A_70 = tpu.memref_squeeze %dma_wait3A_69 : memref<1x40x128xi32, #tpu.memory_space<hbm>> -> memref<40x128xi32, #tpu.memory_space<hbm>>
      %dma_wait3A_71 = arith.constant 40 : i32
      %dma_wait3A_72 = arith.constant 0 : i32
      %dma_wait3A_73 = tpu.memref_slice %arg3[%add3A, %dma_wait3A_71, %dma_wait3A_72] : memref<32x80x128xi32, #tpu.memory_space<hbm>> -> memref<1x40x128xi32, #tpu.memory_space<hbm>>
      %dma_wait3A_74 = tpu.memref_squeeze %dma_wait3A_73 : memref<1x40x128xi32, #tpu.memory_space<hbm>> -> memref<40x128xi32, #tpu.memory_space<hbm>>
      tpu.wait_dma2 semaphore(%run_scoped3A : memref<!tpu.dma_semaphore, #tpu.memory_space<semaphore_mem>>) src(%dma_wait3A_74 : memref<40x128xi32, #tpu.memory_space<hbm>>) dst(%arg9 : memref<40x128xi32, #tpu.memory_space<vmem>>)
      tpu.yield
    }) : () -> ()
    "tpu.region"() ({
      %run_scoped3A = tpu.sem_alloc : memref<!tpu.dma_semaphore, #tpu.memory_space<semaphore_mem>>
      %dma_start3A_59 = arith.constant 40 : i32
      %dma_start3A_60 = arith.constant 0 : i32
      %dma_start3A_61 = tpu.memref_slice %arg4[%add3A, %dma_start3A_59, %dma_start3A_60] : memref<32x80x128xi32, #tpu.memory_space<hbm>> -> memref<1x40x128xi32, #tpu.memory_space<hbm>>
      %dma_start3A_62 = tpu.memref_squeeze %dma_start3A_61 : memref<1x40x128xi32, #tpu.memory_space<hbm>> -> memref<40x128xi32, #tpu.memory_space<hbm>>
      %dma_start3A_63 = arith.constant 40 : i32
      %dma_start3A_64 = arith.constant 0 : i32
      %dma_start3A_65 = tpu.memref_slice %arg4[%add3A, %dma_start3A_63, %dma_start3A_64] : memref<32x80x128xi32, #tpu.memory_space<hbm>> -> memref<1x40x128xi32, #tpu.memory_space<hbm>>
      %dma_start3A_66 = tpu.memref_squeeze %dma_start3A_65 : memref<1x40x128xi32, #tpu.memory_space<hbm>> -> memref<40x128xi32, #tpu.memory_space<hbm>>
      tpu.enqueue_dma source(%dma_start3A_66 : memref<40x128xi32, #tpu.memory_space<hbm>>) target(%arg10 : memref<40x128xi32, #tpu.memory_space<vmem>>) target_semaphore(%run_scoped3A : memref<!tpu.dma_semaphore, #tpu.memory_space<semaphore_mem>>)
      %dma_wait3A_67 = arith.constant 40 : i32
      %dma_wait3A_68 = arith.constant 0 : i32
      %dma_wait3A_69 = tpu.memref_slice %arg4[%add3A, %dma_wait3A_67, %dma_wait3A_68] : memref<32x80x128xi32, #tpu.memory_space<hbm>> -> memref<1x40x128xi32, #tpu.memory_space<hbm>>
      %dma_wait3A_70 = tpu.memref_squeeze %dma_wait3A_69 : memref<1x40x128xi32, #tpu.memory_space<hbm>> -> memref<40x128xi32, #tpu.memory_space<hbm>>
      %dma_wait3A_71 = arith.constant 40 : i32
      %dma_wait3A_72 = arith.constant 0 : i32
      %dma_wait3A_73 = tpu.memref_slice %arg4[%add3A, %dma_wait3A_71, %dma_wait3A_72] : memref<32x80x128xi32, #tpu.memory_space<hbm>> -> memref<1x40x128xi32, #tpu.memory_space<hbm>>
      %dma_wait3A_74 = tpu.memref_squeeze %dma_wait3A_73 : memref<1x40x128xi32, #tpu.memory_space<hbm>> -> memref<40x128xi32, #tpu.memory_space<hbm>>
      tpu.wait_dma2 semaphore(%run_scoped3A : memref<!tpu.dma_semaphore, #tpu.memory_space<semaphore_mem>>) src(%dma_wait3A_74 : memref<40x128xi32, #tpu.memory_space<hbm>>) dst(%arg10 : memref<40x128xi32, #tpu.memory_space<vmem>>)
      tpu.yield
    }) : () -> ()
    %dma_start3A_33 = arith.constant 0 : i32
    %dma_start3A_34 = arith.constant 0 : i32
    %dma_start3A_35 = tpu.memref_slice %arg9[%dma_start3A_33, %dma_start3A_34] : memref<40x128xi32, #tpu.memory_space<vmem>> -> memref<1x128xi32, #tpu.memory_space<vmem>>
    %dma_start3A_36 = tpu.memref_squeeze %dma_start3A_35 : memref<1x128xi32, #tpu.memory_space<vmem>> -> memref<128xi32, #tpu.memory_space<vmem>>
    %dma_start3A_37 = arith.constant 0 : i32
    %dma_start3A_38 = arith.constant 0 : i32
    %dma_start3A_39 = tpu.memref_slice %arg2[%dma_start3A_37, %dma_start3A_38] : memref<10000x128xf32, #tpu.memory_space<hbm>> -> memref<10000x128xf32, #tpu.memory_space<hbm>>
    tpu.enqueue_indirect_dma source(%dma_start3A_39 : memref<10000x128xf32, #tpu.memory_space<hbm>>) target(%arg11 : memref<128x128xf32, #tpu.memory_space<vmem>>) offsets(%dma_start3A_36 : memref<128xi32, #tpu.memory_space<vmem>>) semaphore(%arg14 : memref<!tpu.dma_semaphore, #tpu.memory_space<semaphore_mem>>)
    %scan3A_40 = arith.constant 0 : i32
    %scan3A_41 = arith.constant 19 : i32
    %scan3A_42 = arith.addi %scan3A_40, %scan3A_41 : i32
    %scan3A_43 = arith.constant 1 : i32
    scf.for %scan3A_59 = %scan3A_40 to %scan3A_42 step %scan3A_43  : i32 {
      %mul3A_60 = arith.constant 1 : i32
      %mul3A_61 = arith.muli %scan3A_59, %mul3A_60 : i32
      %add3A_62 = arith.constant 0 : i32
      %add3A_63 = arith.addi %add3A_62, %mul3A_61 : i32
      %mul3A_64 = arith.constant 2 : i32
      %mul3A_65 = arith.muli %mul3A_64, %add3A_63 : i32
      %add3A_66 = arith.constant 1 : i32
      %add3A_67 = arith.addi %mul3A_65, %add3A_66 : i32
      %dma_start3A_68 = arith.constant 0 : i32
      %dma_start3A_69 = tpu.memref_slice %arg9[%add3A_67, %dma_start3A_68] : memref<40x128xi32, #tpu.memory_space<vmem>> -> memref<1x128xi32, #tpu.memory_space<vmem>>
      %dma_start3A_70 = tpu.memref_squeeze %dma_start3A_69 : memref<1x128xi32, #tpu.memory_space<vmem>> -> memref<128xi32, #tpu.memory_space<vmem>>
      %dma_start3A_71 = arith.constant 0 : i32
      %dma_start3A_72 = arith.constant 0 : i32
      %dma_start3A_73 = tpu.memref_slice %arg2[%dma_start3A_71, %dma_start3A_72] : memref<10000x128xf32, #tpu.memory_space<hbm>> -> memref<10000x128xf32, #tpu.memory_space<hbm>>
      tpu.enqueue_indirect_dma source(%dma_start3A_73 : memref<10000x128xf32, #tpu.memory_space<hbm>>) target(%arg12 : memref<128x128xf32, #tpu.memory_space<vmem>>) offsets(%dma_start3A_70 : memref<128xi32, #tpu.memory_space<vmem>>) semaphore(%arg15 : memref<!tpu.dma_semaphore, #tpu.memory_space<semaphore_mem>>)
      %dma_wait3A_74 = arith.constant 0 : i32
      %dma_wait3A_75 = arith.constant 0 : i32
      %dma_wait3A_76 = tpu.memref_slice %arg9[%dma_wait3A_74, %dma_wait3A_75] : memref<40x128xi32, #tpu.memory_space<vmem>> -> memref<1x128xi32, #tpu.memory_space<vmem>>
      %dma_wait3A_77 = tpu.memref_squeeze %dma_wait3A_76 : memref<1x128xi32, #tpu.memory_space<vmem>> -> memref<128xi32, #tpu.memory_space<vmem>>
      %dma_wait3A_78 = arith.constant 0 : i32
      %dma_wait3A_79 = arith.constant 0 : i32
      %dma_wait3A_80 = tpu.memref_slice %arg2[%dma_wait3A_78, %dma_wait3A_79] : memref<10000x128xf32, #tpu.memory_space<hbm>> -> memref<10000x128xf32, #tpu.memory_space<hbm>>
      tpu.wait_indirect_dma semaphore(%arg14 : memref<!tpu.dma_semaphore, #tpu.memory_space<semaphore_mem>>) src(%dma_wait3A_80 : memref<10000x128xf32, #tpu.memory_space<hbm>>) dst(%arg11 : memref<128x128xf32, #tpu.memory_space<vmem>>)
      "tpu.region"() ({
        %run_scoped3A = tpu.sem_alloc : memref<!tpu.dma_semaphore, #tpu.memory_space<semaphore_mem>>
        %dma_start3A_97 = arith.constant 0 : i32
        %dma_start3A_98 = tpu.memref_slice %arg10[%mul3A_65, %dma_start3A_97] : memref<40x128xi32, #tpu.memory_space<vmem>> -> memref<1x128xi32, #tpu.memory_space<vmem>>
        %dma_start3A_99 = tpu.memref_squeeze %dma_start3A_98 : memref<1x128xi32, #tpu.memory_space<vmem>> -> memref<128xi32, #tpu.memory_space<vmem>>
        %dma_start3A_100 = arith.constant 0 : i32
        %dma_start3A_101 = arith.constant 0 : i32
        %dma_start3A_102 = tpu.memref_slice %arg13[%dma_start3A_100, %dma_start3A_101] : memref<10000x128xf32, #tpu.memory_space<vmem_shared>> -> memref<10000x128xf32, #tpu.memory_space<vmem_shared>>
        tpu.enqueue_indirect_dma source(%arg11 : memref<128x128xf32, #tpu.memory_space<vmem>>) target(%dma_start3A_102 : memref<10000x128xf32, #tpu.memory_space<vmem_shared>>) offsets(%dma_start3A_99 : memref<128xi32, #tpu.memory_space<vmem>>) semaphore(%run_scoped3A : memref<!tpu.dma_semaphore, #tpu.memory_space<semaphore_mem>>) {add = true}
        %dma_wait3A_103 = arith.constant 0 : i32
        %dma_wait3A_104 = tpu.memref_slice %arg10[%mul3A_65, %dma_wait3A_103] : memref<40x128xi32, #tpu.memory_space<vmem>> -> memref<1x128xi32, #tpu.memory_space<vmem>>
        %dma_wait3A_105 = tpu.memref_squeeze %dma_wait3A_104 : memref<1x128xi32, #tpu.memory_space<vmem>> -> memref<128xi32, #tpu.memory_space<vmem>>
        %dma_wait3A_106 = arith.constant 0 : i32
        %dma_wait3A_107 = arith.constant 0 : i32
        %dma_wait3A_108 = tpu.memref_slice %arg13[%dma_wait3A_106, %dma_wait3A_107] : memref<10000x128xf32, #tpu.memory_space<vmem_shared>> -> memref<10000x128xf32, #tpu.memory_space<vmem_shared>>
        tpu.wait_indirect_dma semaphore(%run_scoped3A : memref<!tpu.dma_semaphore, #tpu.memory_space<semaphore_mem>>) src(%arg11 : memref<128x128xf32, #tpu.memory_space<vmem>>) dst(%dma_wait3A_108 : memref<10000x128xf32, #tpu.memory_space<vmem_shared>>)
        tpu.yield
      }) : () -> ()
      %add3A_81 = arith.constant 1 : i32
      %add3A_82 = arith.addi %add3A_63, %add3A_81 : i32
      %lt3A_83 = arith.constant 19 : i32
      %lt3A_84 = arith.cmpi slt, %add3A_82, %lt3A_83 : i32
      %convert_element_type3A_85 = arith.extui %lt3A_84 : i1 to i32
      %cond3A_86 = arith.constant 0 : i32
      %cond3A_87 = arith.cmpi ne, %convert_element_type3A_85, %cond3A_86 : i32
      scf.if %cond3A_87 {
        %add3A_97 = arith.constant 2 : i32
        %add3A_98 = arith.addi %mul3A_65, %add3A_97 : i32
        %dma_start3A_99 = arith.constant 0 : i32
        %dma_start3A_100 = tpu.memref_slice %arg9[%add3A_98, %dma_start3A_99] : memref<40x128xi32, #tpu.memory_space<vmem>> -> memref<1x128xi32, #tpu.memory_space<vmem>>
        %dma_start3A_101 = tpu.memref_squeeze %dma_start3A_100 : memref<1x128xi32, #tpu.memory_space<vmem>> -> memref<128xi32, #tpu.memory_space<vmem>>
        %dma_start3A_102 = arith.constant 0 : i32
        %dma_start3A_103 = arith.constant 0 : i32
        %dma_start3A_104 = tpu.memref_slice %arg2[%dma_start3A_102, %dma_start3A_103] : memref<10000x128xf32, #tpu.memory_space<hbm>> -> memref<10000x128xf32, #tpu.memory_space<hbm>>
        tpu.enqueue_indirect_dma source(%dma_start3A_104 : memref<10000x128xf32, #tpu.memory_space<hbm>>) target(%arg11 : memref<128x128xf32, #tpu.memory_space<vmem>>) offsets(%dma_start3A_101 : memref<128xi32, #tpu.memory_space<vmem>>) semaphore(%arg14 : memref<!tpu.dma_semaphore, #tpu.memory_space<semaphore_mem>>)
      } else {
      }
      %dma_wait3A_88 = arith.constant 0 : i32
      %dma_wait3A_89 = arith.constant 0 : i32
      %dma_wait3A_90 = tpu.memref_slice %arg9[%dma_wait3A_88, %dma_wait3A_89] : memref<40x128xi32, #tpu.memory_space<vmem>> -> memref<1x128xi32, #tpu.memory_space<vmem>>
      %dma_wait3A_91 = tpu.memref_squeeze %dma_wait3A_90 : memref<1x128xi32, #tpu.memory_space<vmem>> -> memref<128xi32, #tpu.memory_space<vmem>>
      %dma_wait3A_92 = arith.constant 0 : i32
      %dma_wait3A_93 = arith.constant 0 : i32
      %dma_wait3A_94 = tpu.memref_slice %arg2[%dma_wait3A_92, %dma_wait3A_93] : memref<10000x128xf32, #tpu.memory_space<hbm>> -> memref<10000x128xf32, #tpu.memory_space<hbm>>
      tpu.wait_indirect_dma semaphore(%arg15 : memref<!tpu.dma_semaphore, #tpu.memory_space<semaphore_mem>>) src(%dma_wait3A_94 : memref<10000x128xf32, #tpu.memory_space<hbm>>) dst(%arg12 : memref<128x128xf32, #tpu.memory_space<vmem>>)
      %add3A_95 = arith.constant 1 : i32
      %add3A_96 = arith.addi %mul3A_65, %add3A_95 : i32
      "tpu.region"() ({
        %run_scoped3A = tpu.sem_alloc : memref<!tpu.dma_semaphore, #tpu.memory_space<semaphore_mem>>
        %dma_start3A_97 = arith.constant 0 : i32
        %dma_start3A_98 = tpu.memref_slice %arg10[%add3A_96, %dma_start3A_97] : memref<40x128xi32, #tpu.memory_space<vmem>> -> memref<1x128xi32, #tpu.memory_space<vmem>>
        %dma_start3A_99 = tpu.memref_squeeze %dma_start3A_98 : memref<1x128xi32, #tpu.memory_space<vmem>> -> memref<128xi32, #tpu.memory_space<vmem>>
        %dma_start3A_100 = arith.constant 0 : i32
        %dma_start3A_101 = arith.constant 0 : i32
        %dma_start3A_102 = tpu.memref_slice %arg13[%dma_start3A_100, %dma_start3A_101] : memref<10000x128xf32, #tpu.memory_space<vmem_shared>> -> memref<10000x128xf32, #tpu.memory_space<vmem_shared>>
        tpu.enqueue_indirect_dma source(%arg12 : memref<128x128xf32, #tpu.memory_space<vmem>>) target(%dma_start3A_102 : memref<10000x128xf32, #tpu.memory_space<vmem_shared>>) offsets(%dma_start3A_99 : memref<128xi32, #tpu.memory_space<vmem>>) semaphore(%run_scoped3A : memref<!tpu.dma_semaphore, #tpu.memory_space<semaphore_mem>>) {add = true}
        %dma_wait3A_103 = arith.constant 0 : i32
        %dma_wait3A_104 = tpu.memref_slice %arg10[%add3A_96, %dma_wait3A_103] : memref<40x128xi32, #tpu.memory_space<vmem>> -> memref<1x128xi32, #tpu.memory_space<vmem>>
        %dma_wait3A_105 = tpu.memref_squeeze %dma_wait3A_104 : memref<1x128xi32, #tpu.memory_space<vmem>> -> memref<128xi32, #tpu.memory_space<vmem>>
        %dma_wait3A_106 = arith.constant 0 : i32
        %dma_wait3A_107 = arith.constant 0 : i32
        %dma_wait3A_108 = tpu.memref_slice %arg13[%dma_wait3A_106, %dma_wait3A_107] : memref<10000x128xf32, #tpu.memory_space<vmem_shared>> -> memref<10000x128xf32, #tpu.memory_space<vmem_shared>>
        tpu.wait_indirect_dma semaphore(%run_scoped3A : memref<!tpu.dma_semaphore, #tpu.memory_space<semaphore_mem>>) src(%arg12 : memref<128x128xf32, #tpu.memory_space<vmem>>) dst(%dma_wait3A_108 : memref<10000x128xf32, #tpu.memory_space<vmem_shared>>)
        tpu.yield
      }) : () -> ()
    }
    %scan3A_44 = arith.constant 19 : i32
    %lt3A = arith.constant 4 : i32
    %lt3A_45 = arith.cmpi slt, %add3A, %lt3A : i32
    %convert_element_type3A_46 = arith.extui %lt3A_45 : i1 to i32
    %cond3A_47 = arith.constant 0 : i32
    %cond3A_48 = arith.cmpi ne, %convert_element_type3A_46, %cond3A_47 : i32
    scf.if %cond3A_48 {
      %run_scoped3A = arith.constant 0 : i32
      "tpu.region"() ({
        %run_scoped3A_75 = tpu.sem_alloc : memref<!tpu.dma_semaphore, #tpu.memory_space<semaphore_mem>>
        %dma_start3A_76 = arith.constant 0 : i32
        %dma_start3A_77 = tpu.memref_slice %arg9[%run_scoped3A, %dma_start3A_76] : memref<40x128xi32, #tpu.memory_space<vmem>> -> memref<1x128xi32, #tpu.memory_space<vmem>>
        %dma_start3A_78 = tpu.memref_squeeze %dma_start3A_77 : memref<1x128xi32, #tpu.memory_space<vmem>> -> memref<128xi32, #tpu.memory_space<vmem>>
        %dma_start3A_79 = arith.constant 0 : i32
        %dma_start3A_80 = tpu.memref_slice %arg5[%add3A, %dma_start3A_79] : memref<4x128xi32, #tpu.memory_space<hbm>> -> memref<1x128xi32, #tpu.memory_space<hbm>>
        %dma_start3A_81 = tpu.memref_squeeze %dma_start3A_80 : memref<1x128xi32, #tpu.memory_space<hbm>> -> memref<128xi32, #tpu.memory_space<hbm>>
        %dma_start3A_82 = arith.constant 0 : i32
        %dma_start3A_83 = tpu.memref_slice %arg9[%run_scoped3A, %dma_start3A_82] : memref<40x128xi32, #tpu.memory_space<vmem>> -> memref<1x128xi32, #tpu.memory_space<vmem>>
        %dma_start3A_84 = tpu.memref_squeeze %dma_start3A_83 : memref<1x128xi32, #tpu.memory_space<vmem>> -> memref<128xi32, #tpu.memory_space<vmem>>
        %dma_start3A_85 = arith.constant 0 : i32
        %dma_start3A_86 = tpu.memref_slice %arg5[%add3A, %dma_start3A_85] : memref<4x128xi32, #tpu.memory_space<hbm>> -> memref<1x128xi32, #tpu.memory_space<hbm>>
        %dma_start3A_87 = tpu.memref_squeeze %dma_start3A_86 : memref<1x128xi32, #tpu.memory_space<hbm>> -> memref<128xi32, #tpu.memory_space<hbm>>
        tpu.enqueue_dma source(%dma_start3A_87 : memref<128xi32, #tpu.memory_space<hbm>>) target(%dma_start3A_84 : memref<128xi32, #tpu.memory_space<vmem>>) target_semaphore(%run_scoped3A_75 : memref<!tpu.dma_semaphore, #tpu.memory_space<semaphore_mem>>)
        %dma_wait3A_88 = arith.constant 0 : i32
        %dma_wait3A_89 = tpu.memref_slice %arg9[%run_scoped3A, %dma_wait3A_88] : memref<40x128xi32, #tpu.memory_space<vmem>> -> memref<1x128xi32, #tpu.memory_space<vmem>>
        %dma_wait3A_90 = tpu.memref_squeeze %dma_wait3A_89 : memref<1x128xi32, #tpu.memory_space<vmem>> -> memref<128xi32, #tpu.memory_space<vmem>>
        %dma_wait3A_91 = arith.constant 0 : i32
        %dma_wait3A_92 = tpu.memref_slice %arg5[%add3A, %dma_wait3A_91] : memref<4x128xi32, #tpu.memory_space<hbm>> -> memref<1x128xi32, #tpu.memory_space<hbm>>
        %dma_wait3A_93 = tpu.memref_squeeze %dma_wait3A_92 : memref<1x128xi32, #tpu.memory_space<hbm>> -> memref<128xi32, #tpu.memory_space<hbm>>
        %dma_wait3A_94 = arith.constant 0 : i32
        %dma_wait3A_95 = tpu.memref_slice %arg9[%run_scoped3A, %dma_wait3A_94] : memref<40x128xi32, #tpu.memory_space<vmem>> -> memref<1x128xi32, #tpu.memory_space<vmem>>
        %dma_wait3A_96 = tpu.memref_squeeze %dma_wait3A_95 : memref<1x128xi32, #tpu.memory_space<vmem>> -> memref<128xi32, #tpu.memory_space<vmem>>
        %dma_wait3A_97 = arith.constant 0 : i32
        %dma_wait3A_98 = tpu.memref_slice %arg5[%add3A, %dma_wait3A_97] : memref<4x128xi32, #tpu.memory_space<hbm>> -> memref<1x128xi32, #tpu.memory_space<hbm>>
        %dma_wait3A_99 = tpu.memref_squeeze %dma_wait3A_98 : memref<1x128xi32, #tpu.memory_space<hbm>> -> memref<128xi32, #tpu.memory_space<hbm>>
        tpu.wait_dma2 semaphore(%run_scoped3A_75 : memref<!tpu.dma_semaphore, #tpu.memory_space<semaphore_mem>>) src(%dma_wait3A_99 : memref<128xi32, #tpu.memory_space<hbm>>) dst(%dma_wait3A_96 : memref<128xi32, #tpu.memory_space<vmem>>)
        tpu.yield
      }) : () -> ()
      %run_scoped3A_59 = arith.constant 0 : i32
      "tpu.region"() ({
        %run_scoped3A_75 = tpu.sem_alloc : memref<!tpu.dma_semaphore, #tpu.memory_space<semaphore_mem>>
        %dma_start3A_76 = arith.constant 0 : i32
        %dma_start3A_77 = tpu.memref_slice %arg10[%run_scoped3A_59, %dma_start3A_76] : memref<40x128xi32, #tpu.memory_space<vmem>> -> memref<1x128xi32, #tpu.memory_space<vmem>>
        %dma_start3A_78 = tpu.memref_squeeze %dma_start3A_77 : memref<1x128xi32, #tpu.memory_space<vmem>> -> memref<128xi32, #tpu.memory_space<vmem>>
        %dma_start3A_79 = arith.constant 0 : i32
        %dma_start3A_80 = tpu.memref_slice %arg6[%add3A, %dma_start3A_79] : memref<4x128xi32, #tpu.memory_space<hbm>> -> memref<1x128xi32, #tpu.memory_space<hbm>>
        %dma_start3A_81 = tpu.memref_squeeze %dma_start3A_80 : memref<1x128xi32, #tpu.memory_space<hbm>> -> memref<128xi32, #tpu.memory_space<hbm>>
        %dma_start3A_82 = arith.constant 0 : i32
        %dma_start3A_83 = tpu.memref_slice %arg10[%run_scoped3A_59, %dma_start3A_82] : memref<40x128xi32, #tpu.memory_space<vmem>> -> memref<1x128xi32, #tpu.memory_space<vmem>>
        %dma_start3A_84 = tpu.memref_squeeze %dma_start3A_83 : memref<1x128xi32, #tpu.memory_space<vmem>> -> memref<128xi32, #tpu.memory_space<vmem>>
        %dma_start3A_85 = arith.constant 0 : i32
        %dma_start3A_86 = tpu.memref_slice %arg6[%add3A, %dma_start3A_85] : memref<4x128xi32, #tpu.memory_space<hbm>> -> memref<1x128xi32, #tpu.memory_space<hbm>>
        %dma_start3A_87 = tpu.memref_squeeze %dma_start3A_86 : memref<1x128xi32, #tpu.memory_space<hbm>> -> memref<128xi32, #tpu.memory_space<hbm>>
        tpu.enqueue_dma source(%dma_start3A_87 : memref<128xi32, #tpu.memory_space<hbm>>) target(%dma_start3A_84 : memref<128xi32, #tpu.memory_space<vmem>>) target_semaphore(%run_scoped3A_75 : memref<!tpu.dma_semaphore, #tpu.memory_space<semaphore_mem>>)
        %dma_wait3A_88 = arith.constant 0 : i32
        %dma_wait3A_89 = tpu.memref_slice %arg10[%run_scoped3A_59, %dma_wait3A_88] : memref<40x128xi32, #tpu.memory_space<vmem>> -> memref<1x128xi32, #tpu.memory_space<vmem>>
        %dma_wait3A_90 = tpu.memref_squeeze %dma_wait3A_89 : memref<1x128xi32, #tpu.memory_space<vmem>> -> memref<128xi32, #tpu.memory_space<vmem>>
        %dma_wait3A_91 = arith.constant 0 : i32
        %dma_wait3A_92 = tpu.memref_slice %arg6[%add3A, %dma_wait3A_91] : memref<4x128xi32, #tpu.memory_space<hbm>> -> memref<1x128xi32, #tpu.memory_space<hbm>>
        %dma_wait3A_93 = tpu.memref_squeeze %dma_wait3A_92 : memref<1x128xi32, #tpu.memory_space<hbm>> -> memref<128xi32, #tpu.memory_space<hbm>>
        %dma_wait3A_94 = arith.constant 0 : i32
        %dma_wait3A_95 = tpu.memref_slice %arg10[%run_scoped3A_59, %dma_wait3A_94] : memref<40x128xi32, #tpu.memory_space<vmem>> -> memref<1x128xi32, #tpu.memory_space<vmem>>
        %dma_wait3A_96 = tpu.memref_squeeze %dma_wait3A_95 : memref<1x128xi32, #tpu.memory_space<vmem>> -> memref<128xi32, #tpu.memory_space<vmem>>
        %dma_wait3A_97 = arith.constant 0 : i32
        %dma_wait3A_98 = tpu.memref_slice %arg6[%add3A, %dma_wait3A_97] : memref<4x128xi32, #tpu.memory_space<hbm>> -> memref<1x128xi32, #tpu.memory_space<hbm>>
        %dma_wait3A_99 = tpu.memref_squeeze %dma_wait3A_98 : memref<1x128xi32, #tpu.memory_space<hbm>> -> memref<128xi32, #tpu.memory_space<hbm>>
        tpu.wait_dma2 semaphore(%run_scoped3A_75 : memref<!tpu.dma_semaphore, #tpu.memory_space<semaphore_mem>>) src(%dma_wait3A_99 : memref<128xi32, #tpu.memory_space<hbm>>) dst(%dma_wait3A_96 : memref<128xi32, #tpu.memory_space<vmem>>)
        tpu.yield
      }) : () -> ()
      %dma_start3A_60 = arith.constant 0 : i32
      %dma_start3A_61 = arith.constant 0 : i32
      %dma_start3A_62 = tpu.memref_slice %arg9[%dma_start3A_60, %dma_start3A_61] : memref<40x128xi32, #tpu.memory_space<vmem>> -> memref<1x128xi32, #tpu.memory_space<vmem>>
      %dma_start3A_63 = tpu.memref_squeeze %dma_start3A_62 : memref<1x128xi32, #tpu.memory_space<vmem>> -> memref<128xi32, #tpu.memory_space<vmem>>
      %dma_start3A_64 = arith.constant 0 : i32
      %dma_start3A_65 = arith.constant 0 : i32
      %dma_start3A_66 = tpu.memref_slice %arg2[%dma_start3A_64, %dma_start3A_65] : memref<10000x128xf32, #tpu.memory_space<hbm>> -> memref<10000x128xf32, #tpu.memory_space<hbm>>
      tpu.enqueue_indirect_dma source(%dma_start3A_66 : memref<10000x128xf32, #tpu.memory_space<hbm>>) target(%arg11 : memref<128x128xf32, #tpu.memory_space<vmem>>) offsets(%dma_start3A_63 : memref<128xi32, #tpu.memory_space<vmem>>) semaphore(%arg14 : memref<!tpu.dma_semaphore, #tpu.memory_space<semaphore_mem>>)
      %dma_wait3A_67 = arith.constant 0 : i32
      %dma_wait3A_68 = arith.constant 0 : i32
      %dma_wait3A_69 = tpu.memref_slice %arg9[%dma_wait3A_67, %dma_wait3A_68] : memref<40x128xi32, #tpu.memory_space<vmem>> -> memref<1x128xi32, #tpu.memory_space<vmem>>
      %dma_wait3A_70 = tpu.memref_squeeze %dma_wait3A_69 : memref<1x128xi32, #tpu.memory_space<vmem>> -> memref<128xi32, #tpu.memory_space<vmem>>
      %dma_wait3A_71 = arith.constant 0 : i32
      %dma_wait3A_72 = arith.constant 0 : i32
      %dma_wait3A_73 = tpu.memref_slice %arg2[%dma_wait3A_71, %dma_wait3A_72] : memref<10000x128xf32, #tpu.memory_space<hbm>> -> memref<10000x128xf32, #tpu.memory_space<hbm>>
      tpu.wait_indirect_dma semaphore(%arg14 : memref<!tpu.dma_semaphore, #tpu.memory_space<semaphore_mem>>) src(%dma_wait3A_73 : memref<10000x128xf32, #tpu.memory_space<hbm>>) dst(%arg11 : memref<128x128xf32, #tpu.memory_space<vmem>>)
      %run_scoped3A_74 = arith.constant 0 : i32
      "tpu.region"() ({
        %run_scoped3A_75 = tpu.sem_alloc : memref<!tpu.dma_semaphore, #tpu.memory_space<semaphore_mem>>
        %dma_start3A_76 = arith.constant 0 : i32
        %dma_start3A_77 = tpu.memref_slice %arg10[%run_scoped3A_74, %dma_start3A_76] : memref<40x128xi32, #tpu.memory_space<vmem>> -> memref<1x128xi32, #tpu.memory_space<vmem>>
        %dma_start3A_78 = tpu.memref_squeeze %dma_start3A_77 : memref<1x128xi32, #tpu.memory_space<vmem>> -> memref<128xi32, #tpu.memory_space<vmem>>
        %dma_start3A_79 = arith.constant 0 : i32
        %dma_start3A_80 = arith.constant 0 : i32
        %dma_start3A_81 = tpu.memref_slice %arg13[%dma_start3A_79, %dma_start3A_80] : memref<10000x128xf32, #tpu.memory_space<vmem_shared>> -> memref<10000x128xf32, #tpu.memory_space<vmem_shared>>
        tpu.enqueue_indirect_dma source(%arg11 : memref<128x128xf32, #tpu.memory_space<vmem>>) target(%dma_start3A_81 : memref<10000x128xf32, #tpu.memory_space<vmem_shared>>) offsets(%dma_start3A_78 : memref<128xi32, #tpu.memory_space<vmem>>) semaphore(%run_scoped3A_75 : memref<!tpu.dma_semaphore, #tpu.memory_space<semaphore_mem>>) {add = true}
        %dma_wait3A_82 = arith.constant 0 : i32
        %dma_wait3A_83 = tpu.memref_slice %arg10[%run_scoped3A_74, %dma_wait3A_82] : memref<40x128xi32, #tpu.memory_space<vmem>> -> memref<1x128xi32, #tpu.memory_space<vmem>>
        %dma_wait3A_84 = tpu.memref_squeeze %dma_wait3A_83 : memref<1x128xi32, #tpu.memory_space<vmem>> -> memref<128xi32, #tpu.memory_space<vmem>>
        %dma_wait3A_85 = arith.constant 0 : i32
        %dma_wait3A_86 = arith.constant 0 : i32
        %dma_wait3A_87 = tpu.memref_slice %arg13[%dma_wait3A_85, %dma_wait3A_86] : memref<10000x128xf32, #tpu.memory_space<vmem_shared>> -> memref<10000x128xf32, #tpu.memory_space<vmem_shared>>
        tpu.wait_indirect_dma semaphore(%run_scoped3A_75 : memref<!tpu.dma_semaphore, #tpu.memory_space<semaphore_mem>>) src(%arg11 : memref<128x128xf32, #tpu.memory_space<vmem>>) dst(%dma_wait3A_87 : memref<10000x128xf32, #tpu.memory_space<vmem_shared>>)
        tpu.yield
      }) : () -> ()
    } else {
    }
    %barrier3A_49 = arith.constant 0 : index
    tpu.barrier barrier_id(%barrier3A_49)
    %mul3A_50 = arith.constant 624 : i32
    %mul3A_51 = arith.muli %arg1, %mul3A_50 : i32
    %mul3A_52 = arith.constant 624 : i32
    %mul3A_53 = arith.muli %arg1, %mul3A_52 : i32
    "tpu.region"() ({
      %run_scoped3A = tpu.sem_alloc : memref<!tpu.dma_semaphore, #tpu.memory_space<semaphore_mem>>
      %dma_start3A_59 = arith.constant 0 : i32
      %dma_start3A_60 = tpu.memref_slice %arg8[%arg0, %mul3A_53, %dma_start3A_59] : memref<2x10000x128xf32, #tpu.memory_space<hbm>> -> memref<1x624x128xf32, #tpu.memory_space<hbm>>
      %dma_start3A_61 = tpu.memref_squeeze %dma_start3A_60 : memref<1x624x128xf32, #tpu.memory_space<hbm>> -> memref<624x128xf32, #tpu.memory_space<hbm>>
      %dma_start3A_62 = arith.constant 0 : i32
      %dma_start3A_63 = tpu.memref_slice %arg13[%mul3A_51, %dma_start3A_62] : memref<10000x128xf32, #tpu.memory_space<vmem_shared>> -> memref<624x128xf32, #tpu.memory_space<vmem_shared>>
      tpu.enqueue_dma source(%dma_start3A_63 : memref<624x128xf32, #tpu.memory_space<vmem_shared>>) target(%dma_start3A_61 : memref<624x128xf32, #tpu.memory_space<hbm>>) target_semaphore(%run_scoped3A : memref<!tpu.dma_semaphore, #tpu.memory_space<semaphore_mem>>)
      %dma_wait3A_64 = arith.constant 0 : i32
      %dma_wait3A_65 = tpu.memref_slice %arg8[%arg0, %mul3A_53, %dma_wait3A_64] : memref<2x10000x128xf32, #tpu.memory_space<hbm>> -> memref<1x624x128xf32, #tpu.memory_space<hbm>>
      %dma_wait3A_66 = tpu.memref_squeeze %dma_wait3A_65 : memref<1x624x128xf32, #tpu.memory_space<hbm>> -> memref<624x128xf32, #tpu.memory_space<hbm>>
      %dma_wait3A_67 = arith.constant 0 : i32
      %dma_wait3A_68 = tpu.memref_slice %arg13[%mul3A_51, %dma_wait3A_67] : memref<10000x128xf32, #tpu.memory_space<vmem_shared>> -> memref<624x128xf32, #tpu.memory_space<vmem_shared>>
      tpu.wait_dma2 semaphore(%run_scoped3A : memref<!tpu.dma_semaphore, #tpu.memory_space<semaphore_mem>>) src(%dma_wait3A_68 : memref<624x128xf32, #tpu.memory_space<vmem_shared>>) dst(%dma_wait3A_66 : memref<624x128xf32, #tpu.memory_space<hbm>>)
      tpu.yield
    }) : () -> ()
    %eq3A_54 = arith.constant 15 : i32
    %eq3A_55 = arith.cmpi eq, %arg1, %eq3A_54 : i32
    %convert_element_type3A_56 = arith.extui %eq3A_55 : i1 to i32
    %cond3A_57 = arith.constant 0 : i32
    %cond3A_58 = arith.cmpi ne, %convert_element_type3A_56, %cond3A_57 : i32
    scf.if %cond3A_58 {
      "tpu.region"() ({
        %run_scoped3A = tpu.sem_alloc : memref<!tpu.dma_semaphore, #tpu.memory_space<semaphore_mem>>
        %dma_start3A_59 = arith.constant 9984 : i32
        %dma_start3A_60 = arith.constant 0 : i32
        %dma_start3A_61 = tpu.memref_slice %arg8[%arg0, %dma_start3A_59, %dma_start3A_60] : memref<2x10000x128xf32, #tpu.memory_space<hbm>> -> memref<1x16x128xf32, #tpu.memory_space<hbm>>
        %dma_start3A_62 = tpu.memref_squeeze %dma_start3A_61 : memref<1x16x128xf32, #tpu.memory_space<hbm>> -> memref<16x128xf32, #tpu.memory_space<hbm>>
        %dma_start3A_63 = arith.constant 9984 : i32
        %dma_start3A_64 = arith.constant 0 : i32
        %dma_start3A_65 = tpu.memref_slice %arg13[%dma_start3A_63, %dma_start3A_64] : memref<10000x128xf32, #tpu.memory_space<vmem_shared>> -> memref<16x128xf32, #tpu.memory_space<vmem_shared>>
        tpu.enqueue_dma source(%dma_start3A_65 : memref<16x128xf32, #tpu.memory_space<vmem_shared>>) target(%dma_start3A_62 : memref<16x128xf32, #tpu.memory_space<hbm>>) target_semaphore(%run_scoped3A : memref<!tpu.dma_semaphore, #tpu.memory_space<semaphore_mem>>)
        %dma_wait3A_66 = arith.constant 9984 : i32
        %dma_wait3A_67 = arith.constant 0 : i32
        %dma_wait3A_68 = tpu.memref_slice %arg8[%arg0, %dma_wait3A_66, %dma_wait3A_67] : memref<2x10000x128xf32, #tpu.memory_space<hbm>> -> memref<1x16x128xf32, #tpu.memory_space<hbm>>
        %dma_wait3A_69 = tpu.memref_squeeze %dma_wait3A_68 : memref<1x16x128xf32, #tpu.memory_space<hbm>> -> memref<16x128xf32, #tpu.memory_space<hbm>>
        %dma_wait3A_70 = arith.constant 9984 : i32
        %dma_wait3A_71 = arith.constant 0 : i32
        %dma_wait3A_72 = tpu.memref_slice %arg13[%dma_wait3A_70, %dma_wait3A_71] : memref<10000x128xf32, #tpu.memory_space<vmem_shared>> -> memref<16x128xf32, #tpu.memory_space<vmem_shared>>
        tpu.wait_dma2 semaphore(%run_scoped3A : memref<!tpu.dma_semaphore, #tpu.memory_space<semaphore_mem>>) src(%dma_wait3A_72 : memref<16x128xf32, #tpu.memory_space<vmem_shared>>) dst(%dma_wait3A_69 : memref<16x128xf32, #tpu.memory_space<hbm>>)
        tpu.yield
      }) : () -> ()
    } else {
    }
    return
  }
}

#map = affine_map<(d0, d1) -> (0, 0)>
#map1 = affine_map<(d0, d1) -> (0, 0, 0)>
module attributes {stable_mosaic.version = 14 : i64} {
  func.func @k(%arg0: i32, %arg1: i32, %arg2: memref<10000x128xf32, #tpu.memory_space<hbm>>, %arg3: memref<32x80x128xi32, #tpu.memory_space<hbm>>, %arg4: memref<32x80x128xi32, #tpu.memory_space<hbm>>, %arg5: memref<4x128xi32, #tpu.memory_space<hbm>>, %arg6: memref<4x128xi32, #tpu.memory_space<hbm>>, %arg7: memref<10000x128xf32, #tpu.memory_space<hbm>>, %arg8: memref<2x10000x128xf32, #tpu.memory_space<hbm>>, %arg9: memref<40x128xi32, #tpu.memory_space<vmem>>, %arg10: memref<40x128xi32, #tpu.memory_space<vmem>>, %arg11: memref<128x128xf32, #tpu.memory_space<vmem>>, %arg12: memref<128x128xf32, #tpu.memory_space<vmem>>, %arg13: memref<10000x128xf32, #tpu.memory_space<vmem_shared>>, %arg14: memref<!tpu.dma_semaphore, #tpu.memory_space<semaphore_mem>>, %arg15: memref<!tpu.dma_semaphore, #tpu.memory_space<semaphore_mem>>, %arg16: memref<!tpu.dma_semaphore, #tpu.memory_space<semaphore_mem>>) attributes {dimension_semantics = [#tpu.dimension_semantics<core_parallel>, #tpu.dimension_semantics<subcore_parallel>], iteration_bounds = array<i64: 2, 16>, scalar_prefetch = 0 : i64, scratch_operands = 8 : i64, tpu.core_type = #tpu.core_type<sc_vector_subcore>, window_params = [{transform_indices = #map}, {transform_indices = #map1}, {transform_indices = #map1}, {transform_indices = #map}, {transform_indices = #map}, {transform_indices = #map}, {transform_indices = #map1}]} {
    %mul3A = arith.constant 16 : i32
    %mul3A_0 = arith.muli %arg0, %mul3A : i32
    %add3A = arith.addi %mul3A_0, %arg1 : i32
    %mul3A_1 = arith.constant 624 : i32
    %mul3A_2 = arith.muli %arg1, %mul3A_1 : i32
    %mul3A_3 = arith.constant 624 : i32
    %mul3A_4 = arith.muli %arg1, %mul3A_3 : i32
    %dma_start3A = arith.constant 0 : i32
    %dma_start3A_5 = tpu.memref_slice %arg13[%mul3A_4, %dma_start3A] : memref<10000x128xf32, #tpu.memory_space<vmem_shared>> -> memref<624x128xf32, #tpu.memory_space<vmem_shared>>
    %dma_start3A_6 = arith.constant 0 : i32
    %dma_start3A_7 = tpu.memref_slice %arg7[%mul3A_2, %dma_start3A_6] : memref<10000x128xf32, #tpu.memory_space<hbm>> -> memref<624x128xf32, #tpu.memory_space<hbm>>
    tpu.enqueue_dma source(%dma_start3A_7 : memref<624x128xf32, #tpu.memory_space<hbm>>) target(%dma_start3A_5 : memref<624x128xf32, #tpu.memory_space<vmem_shared>>) target_semaphore(%arg16 : memref<!tpu.dma_semaphore, #tpu.memory_space<semaphore_mem>>)
    %eq3A = arith.constant 15 : i32
    %eq3A_8 = arith.cmpi eq, %arg1, %eq3A : i32
    %convert_element_type3A = arith.extui %eq3A_8 : i1 to i32
    %cond3A = arith.constant 0 : i32
    %cond3A_9 = arith.cmpi ne, %convert_element_type3A, %cond3A : i32
    scf.if %cond3A_9 {
      %dma_start3A_59 = arith.constant 9984 : i32
      %dma_start3A_60 = arith.constant 0 : i32
      %dma_start3A_61 = tpu.memref_slice %arg13[%dma_start3A_59, %dma_start3A_60] : memref<10000x128xf32, #tpu.memory_space<vmem_shared>> -> memref<16x128xf32, #tpu.memory_space<vmem_shared>>
      %dma_start3A_62 = arith.constant 9984 : i32
      %dma_start3A_63 = arith.constant 0 : i32
      %dma_start3A_64 = tpu.memref_slice %arg7[%dma_start3A_62, %dma_start3A_63] : memref<10000x128xf32, #tpu.memory_space<hbm>> -> memref<16x128xf32, #tpu.memory_space<hbm>>
      tpu.enqueue_dma source(%dma_start3A_64 : memref<16x128xf32, #tpu.memory_space<hbm>>) target(%dma_start3A_61 : memref<16x128xf32, #tpu.memory_space<vmem_shared>>) target_semaphore(%arg16 : memref<!tpu.dma_semaphore, #tpu.memory_space<semaphore_mem>>)
    } else {
    }
    "tpu.region"() ({
      %run_scoped3A = tpu.sem_alloc : memref<!tpu.dma_semaphore, #tpu.memory_space<semaphore_mem>>
      %dma_start3A_59 = arith.constant 0 : i32
      %dma_start3A_60 = arith.constant 0 : i32
      %dma_start3A_61 = tpu.memref_slice %arg3[%add3A, %dma_start3A_59, %dma_start3A_60] : memref<32x80x128xi32, #tpu.memory_space<hbm>> -> memref<1x40x128xi32, #tpu.memory_space<hbm>>
      %dma_start3A_62 = tpu.memref_squeeze %dma_start3A_61 : memref<1x40x128xi32, #tpu.memory_space<hbm>> -> memref<40x128xi32, #tpu.memory_space<hbm>>
      %dma_start3A_63 = arith.constant 0 : i32
      %dma_start3A_64 = arith.constant 0 : i32
      %dma_start3A_65 = tpu.memref_slice %arg3[%add3A, %dma_start3A_63, %dma_start3A_64] : memref<32x80x128xi32, #tpu.memory_space<hbm>> -> memref<1x40x128xi32, #tpu.memory_space<hbm>>
      %dma_start3A_66 = tpu.memref_squeeze %dma_start3A_65 : memref<1x40x128xi32, #tpu.memory_space<hbm>> -> memref<40x128xi32, #tpu.memory_space<hbm>>
      tpu.enqueue_dma source(%dma_start3A_66 : memref<40x128xi32, #tpu.memory_space<hbm>>) target(%arg9 : memref<40x128xi32, #tpu.memory_space<vmem>>) target_semaphore(%run_scoped3A : memref<!tpu.dma_semaphore, #tpu.memory_space<semaphore_mem>>)
      %dma_wait3A_67 = arith.constant 0 : i32
      %dma_wait3A_68 = arith.constant 0 : i32
      %dma_wait3A_69 = tpu.memref_slice %arg3[%add3A, %dma_wait3A_67, %dma_wait3A_68] : memref<32x80x128xi32, #tpu.memory_space<hbm>> -> memref<1x40x128xi32, #tpu.memory_space<hbm>>
      %dma_wait3A_70 = tpu.memref_squeeze %dma_wait3A_69 : memref<1x40x128xi32, #tpu.memory_space<hbm>> -> memref<40x128xi32, #tpu.memory_space<hbm>>
      %dma_wait3A_71 = arith.constant 0 : i32
      %dma_wait3A_72 = arith.constant 0 : i32
      %dma_wait3A_73 = tpu.memref_slice %arg3[%add3A, %dma_wait3A_71, %dma_wait3A_72] : memref<32x80x128xi32, #tpu.memory_space<hbm>> -> memref<1x40x128xi32, #tpu.memory_space<hbm>>
      %dma_wait3A_74 = tpu.memref_squeeze %dma_wait3A_73 : memref<1x40x128xi32, #tpu.memory_space<hbm>> -> memref<40x128xi32, #tpu.memory_space<hbm>>
      tpu.wait_dma2 semaphore(%run_scoped3A : memref<!tpu.dma_semaphore, #tpu.memory_space<semaphore_mem>>) src(%dma_wait3A_74 : memref<40x128xi32, #tpu.memory_space<hbm>>) dst(%arg9 : memref<40x128xi32, #tpu.memory_space<vmem>>)
      tpu.yield
    }) : () -> ()
    "tpu.region"() ({
      %run_scoped3A = tpu.sem_alloc : memref<!tpu.dma_semaphore, #tpu.memory_space<semaphore_mem>>
      %dma_start3A_59 = arith.constant 0 : i32
      %dma_start3A_60 = arith.constant 0 : i32
      %dma_start3A_61 = tpu.memref_slice %arg4[%add3A, %dma_start3A_59, %dma_start3A_60] : memref<32x80x128xi32, #tpu.memory_space<hbm>> -> memref<1x40x128xi32, #tpu.memory_space<hbm>>
      %dma_start3A_62 = tpu.memref_squeeze %dma_start3A_61 : memref<1x40x128xi32, #tpu.memory_space<hbm>> -> memref<40x128xi32, #tpu.memory_space<hbm>>
      %dma_start3A_63 = arith.constant 0 : i32
      %dma_start3A_64 = arith.constant 0 : i32
      %dma_start3A_65 = tpu.memref_slice %arg4[%add3A, %dma_start3A_63, %dma_start3A_64] : memref<32x80x128xi32, #tpu.memory_space<hbm>> -> memref<1x40x128xi32, #tpu.memory_space<hbm>>
      %dma_start3A_66 = tpu.memref_squeeze %dma_start3A_65 : memref<1x40x128xi32, #tpu.memory_space<hbm>> -> memref<40x128xi32, #tpu.memory_space<hbm>>
      tpu.enqueue_dma source(%dma_start3A_66 : memref<40x128xi32, #tpu.memory_space<hbm>>) target(%arg10 : memref<40x128xi32, #tpu.memory_space<vmem>>) target_semaphore(%run_scoped3A : memref<!tpu.dma_semaphore, #tpu.memory_space<semaphore_mem>>)
      %dma_wait3A_67 = arith.constant 0 : i32
      %dma_wait3A_68 = arith.constant 0 : i32
      %dma_wait3A_69 = tpu.memref_slice %arg4[%add3A, %dma_wait3A_67, %dma_wait3A_68] : memref<32x80x128xi32, #tpu.memory_space<hbm>> -> memref<1x40x128xi32, #tpu.memory_space<hbm>>
      %dma_wait3A_70 = tpu.memref_squeeze %dma_wait3A_69 : memref<1x40x128xi32, #tpu.memory_space<hbm>> -> memref<40x128xi32, #tpu.memory_space<hbm>>
      %dma_wait3A_71 = arith.constant 0 : i32
      %dma_wait3A_72 = arith.constant 0 : i32
      %dma_wait3A_73 = tpu.memref_slice %arg4[%add3A, %dma_wait3A_71, %dma_wait3A_72] : memref<32x80x128xi32, #tpu.memory_space<hbm>> -> memref<1x40x128xi32, #tpu.memory_space<hbm>>
      %dma_wait3A_74 = tpu.memref_squeeze %dma_wait3A_73 : memref<1x40x128xi32, #tpu.memory_space<hbm>> -> memref<40x128xi32, #tpu.memory_space<hbm>>
      tpu.wait_dma2 semaphore(%run_scoped3A : memref<!tpu.dma_semaphore, #tpu.memory_space<semaphore_mem>>) src(%dma_wait3A_74 : memref<40x128xi32, #tpu.memory_space<hbm>>) dst(%arg10 : memref<40x128xi32, #tpu.memory_space<vmem>>)
      tpu.yield
    }) : () -> ()
    %dma_start3A_10 = arith.constant 0 : i32
    %dma_start3A_11 = arith.constant 0 : i32
    %dma_start3A_12 = tpu.memref_slice %arg9[%dma_start3A_10, %dma_start3A_11] : memref<40x128xi32, #tpu.memory_space<vmem>> -> memref<1x128xi32, #tpu.memory_space<vmem>>
    %dma_start3A_13 = tpu.memref_squeeze %dma_start3A_12 : memref<1x128xi32, #tpu.memory_space<vmem>> -> memref<128xi32, #tpu.memory_space<vmem>>
    %dma_start3A_14 = arith.constant 0 : i32
    %dma_start3A_15 = arith.constant 0 : i32
    %dma_start3A_16 = tpu.memref_slice %arg2[%dma_start3A_14, %dma_start3A_15] : memref<10000x128xf32, #tpu.memory_space<hbm>> -> memref<10000x128xf32, #tpu.memory_space<hbm>>
    tpu.enqueue_indirect_dma source(%dma_start3A_16 : memref<10000x128xf32, #tpu.memory_space<hbm>>) target(%arg11 : memref<128x128xf32, #tpu.memory_space<vmem>>) offsets(%dma_start3A_13 : memref<128xi32, #tpu.memory_space<vmem>>) semaphore(%arg14 : memref<!tpu.dma_semaphore, #tpu.memory_space<semaphore_mem>>)
    %mul3A_17 = arith.constant 624 : i32
    %mul3A_18 = arith.muli %arg1, %mul3A_17 : i32
    %mul3A_19 = arith.constant 624 : i32
    %mul3A_20 = arith.muli %arg1, %mul3A_19 : i32
    %dma_wait3A = arith.constant 0 : i32
    %dma_wait3A_21 = tpu.memref_slice %arg13[%mul3A_20, %dma_wait3A] : memref<10000x128xf32, #tpu.memory_space<vmem_shared>> -> memref<624x128xf32, #tpu.memory_space<vmem_shared>>
    %dma_wait3A_22 = arith.constant 0 : i32
    %dma_wait3A_23 = tpu.memref_slice %arg7[%mul3A_18, %dma_wait3A_22] : memref<10000x128xf32, #tpu.memory_space<hbm>> -> memref<624x128xf32, #tpu.memory_space<hbm>>
    tpu.wait_dma2 semaphore(%arg16 : memref<!tpu.dma_semaphore, #tpu.memory_space<semaphore_mem>>) src(%dma_wait3A_23 : memref<624x128xf32, #tpu.memory_space<hbm>>) dst(%dma_wait3A_21 : memref<624x128xf32, #tpu.memory_space<vmem_shared>>)
    %eq3A_24 = arith.constant 15 : i32
    %eq3A_25 = arith.cmpi eq, %arg1, %eq3A_24 : i32
    %convert_element_type3A_26 = arith.extui %eq3A_25 : i1 to i32
    %cond3A_27 = arith.constant 0 : i32
    %cond3A_28 = arith.cmpi ne, %convert_element_type3A_26, %cond3A_27 : i32
    scf.if %cond3A_28 {
      %dma_wait3A_59 = arith.constant 9984 : i32
      %dma_wait3A_60 = arith.constant 0 : i32
      %dma_wait3A_61 = tpu.memref_slice %arg13[%dma_wait3A_59, %dma_wait3A_60] : memref<10000x128xf32, #tpu.memory_space<vmem_shared>> -> memref<16x128xf32, #tpu.memory_space<vmem_shared>>
      %dma_wait3A_62 = arith.constant 9984 : i32
      %dma_wait3A_63 = arith.constant 0 : i32
      %dma_wait3A_64 = tpu.memref_slice %arg7[%dma_wait3A_62, %dma_wait3A_63] : memref<10000x128xf32, #tpu.memory_space<hbm>> -> memref<16x128xf32, #tpu.memory_space<hbm>>
      tpu.wait_dma2 semaphore(%arg16 : memref<!tpu.dma_semaphore, #tpu.memory_space<semaphore_mem>>) src(%dma_wait3A_64 : memref<16x128xf32, #tpu.memory_space<hbm>>) dst(%dma_wait3A_61 : memref<16x128xf32, #tpu.memory_space<vmem_shared>>)
    } else {
    }
    %barrier3A = arith.constant 0 : index
    tpu.barrier barrier_id(%barrier3A)
    %scan3A = arith.constant 0 : i32
    %scan3A_29 = arith.constant 20 : i32
    %scan3A_30 = arith.addi %scan3A, %scan3A_29 : i32
    %scan3A_31 = arith.constant 1 : i32
    scf.for %scan3A_59 = %scan3A to %scan3A_30 step %scan3A_31  : i32 {
      %mul3A_60 = arith.constant 1 : i32
      %mul3A_61 = arith.muli %scan3A_59, %mul3A_60 : i32
      %add3A_62 = arith.constant 0 : i32
      %add3A_63 = arith.addi %add3A_62, %mul3A_61 : i32
      %mul3A_64 = arith.constant 2 : i32
      %mul3A_65 = arith.muli %mul3A_64, %add3A_63 : i32
      %add3A_66 = arith.constant 1 : i32
      %add3A_67 = arith.addi %mul3A_65, %add3A_66 : i32
      %dma_start3A_68 = arith.constant 0 : i32
      %dma_start3A_69 = tpu.memref_slice %arg9[%add3A_67, %dma_start3A_68] : memref<40x128xi32, #tpu.memory_space<vmem>> -> memref<1x128xi32, #tpu.memory_space<vmem>>
      %dma_start3A_70 = tpu.memref_squeeze %dma_start3A_69 : memref<1x128xi32, #tpu.memory_space<vmem>> -> memref<128xi32, #tpu.memory_space<vmem>>
      %dma_start3A_71 = arith.constant 0 : i32
      %dma_start3A_72 = arith.constant 0 : i32
      %dma_start3A_73 = tpu.memref_slice %arg2[%dma_start3A_71, %dma_start3A_72] : memref<10000x128xf32, #tpu.memory_space<hbm>> -> memref<10000x128xf32, #tpu.memory_space<hbm>>
      tpu.enqueue_indirect_dma source(%dma_start3A_73 : memref<10000x128xf32, #tpu.memory_space<hbm>>) target(%arg12 : memref<128x128xf32, #tpu.memory_space<vmem>>) offsets(%dma_start3A_70 : memref<128xi32, #tpu.memory_space<vmem>>) semaphore(%arg15 : memref<!tpu.dma_semaphore, #tpu.memory_space<semaphore_mem>>)
      %dma_wait3A_74 = arith.constant 0 : i32
      %dma_wait3A_75 = arith.constant 0 : i32
      %dma_wait3A_76 = tpu.memref_slice %arg9[%dma_wait3A_74, %dma_wait3A_75] : memref<40x128xi32, #tpu.memory_space<vmem>> -> memref<1x128xi32, #tpu.memory_space<vmem>>
      %dma_wait3A_77 = tpu.memref_squeeze %dma_wait3A_76 : memref<1x128xi32, #tpu.memory_space<vmem>> -> memref<128xi32, #tpu.memory_space<vmem>>
      %dma_wait3A_78 = arith.constant 0 : i32
      %dma_wait3A_79 = arith.constant 0 : i32
      %dma_wait3A_80 = tpu.memref_slice %arg2[%dma_wait3A_78, %dma_wait3A_79] : memref<10000x128xf32, #tpu.memory_space<hbm>> -> memref<10000x128xf32, #tpu.memory_space<hbm>>
      tpu.wait_indirect_dma semaphore(%arg14 : memref<!tpu.dma_semaphore, #tpu.memory_space<semaphore_mem>>) src(%dma_wait3A_80 : memref<10000x128xf32, #tpu.memory_space<hbm>>) dst(%arg11 : memref<128x128xf32, #tpu.memory_space<vmem>>)
      "tpu.region"() ({
        %run_scoped3A = tpu.sem_alloc : memref<!tpu.dma_semaphore, #tpu.memory_space<semaphore_mem>>
        %dma_start3A_97 = arith.constant 0 : i32
        %dma_start3A_98 = tpu.memref_slice %arg10[%mul3A_65, %dma_start3A_97] : memref<40x128xi32, #tpu.memory_space<vmem>> -> memref<1x128xi32, #tpu.memory_space<vmem>>
        %dma_start3A_99 = tpu.memref_squeeze %dma_start3A_98 : memref<1x128xi32, #tpu.memory_space<vmem>> -> memref<128xi32, #tpu.memory_space<vmem>>
        %dma_start3A_100 = arith.constant 0 : i32
        %dma_start3A_101 = arith.constant 0 : i32
        %dma_start3A_102 = tpu.memref_slice %arg13[%dma_start3A_100, %dma_start3A_101] : memref<10000x128xf32, #tpu.memory_space<vmem_shared>> -> memref<10000x128xf32, #tpu.memory_space<vmem_shared>>
        tpu.enqueue_indirect_dma source(%arg11 : memref<128x128xf32, #tpu.memory_space<vmem>>) target(%dma_start3A_102 : memref<10000x128xf32, #tpu.memory_space<vmem_shared>>) offsets(%dma_start3A_99 : memref<128xi32, #tpu.memory_space<vmem>>) semaphore(%run_scoped3A : memref<!tpu.dma_semaphore, #tpu.memory_space<semaphore_mem>>) {add = true}
        %dma_wait3A_103 = arith.constant 0 : i32
        %dma_wait3A_104 = tpu.memref_slice %arg10[%mul3A_65, %dma_wait3A_103] : memref<40x128xi32, #tpu.memory_space<vmem>> -> memref<1x128xi32, #tpu.memory_space<vmem>>
        %dma_wait3A_105 = tpu.memref_squeeze %dma_wait3A_104 : memref<1x128xi32, #tpu.memory_space<vmem>> -> memref<128xi32, #tpu.memory_space<vmem>>
        %dma_wait3A_106 = arith.constant 0 : i32
        %dma_wait3A_107 = arith.constant 0 : i32
        %dma_wait3A_108 = tpu.memref_slice %arg13[%dma_wait3A_106, %dma_wait3A_107] : memref<10000x128xf32, #tpu.memory_space<vmem_shared>> -> memref<10000x128xf32, #tpu.memory_space<vmem_shared>>
        tpu.wait_indirect_dma semaphore(%run_scoped3A : memref<!tpu.dma_semaphore, #tpu.memory_space<semaphore_mem>>) src(%arg11 : memref<128x128xf32, #tpu.memory_space<vmem>>) dst(%dma_wait3A_108 : memref<10000x128xf32, #tpu.memory_space<vmem_shared>>)
        tpu.yield
      }) : () -> ()
      %add3A_81 = arith.constant 1 : i32
      %add3A_82 = arith.addi %add3A_63, %add3A_81 : i32
      %lt3A_83 = arith.constant 20 : i32
      %lt3A_84 = arith.cmpi slt, %add3A_82, %lt3A_83 : i32
      %convert_element_type3A_85 = arith.extui %lt3A_84 : i1 to i32
      %cond3A_86 = arith.constant 0 : i32
      %cond3A_87 = arith.cmpi ne, %convert_element_type3A_85, %cond3A_86 : i32
      scf.if %cond3A_87 {
        %add3A_97 = arith.constant 2 : i32
        %add3A_98 = arith.addi %mul3A_65, %add3A_97 : i32
        %dma_start3A_99 = arith.constant 0 : i32
        %dma_start3A_100 = tpu.memref_slice %arg9[%add3A_98, %dma_start3A_99] : memref<40x128xi32, #tpu.memory_space<vmem>> -> memref<1x128xi32, #tpu.memory_space<vmem>>
        %dma_start3A_101 = tpu.memref_squeeze %dma_start3A_100 : memref<1x128xi32, #tpu.memory_space<vmem>> -> memref<128xi32, #tpu.memory_space<vmem>>
        %dma_start3A_102 = arith.constant 0 : i32
        %dma_start3A_103 = arith.constant 0 : i32
        %dma_start3A_104 = tpu.memref_slice %arg2[%dma_start3A_102, %dma_start3A_103] : memref<10000x128xf32, #tpu.memory_space<hbm>> -> memref<10000x128xf32, #tpu.memory_space<hbm>>
        tpu.enqueue_indirect_dma source(%dma_start3A_104 : memref<10000x128xf32, #tpu.memory_space<hbm>>) target(%arg11 : memref<128x128xf32, #tpu.memory_space<vmem>>) offsets(%dma_start3A_101 : memref<128xi32, #tpu.memory_space<vmem>>) semaphore(%arg14 : memref<!tpu.dma_semaphore, #tpu.memory_space<semaphore_mem>>)
      } else {
      }
      %dma_wait3A_88 = arith.constant 0 : i32
      %dma_wait3A_89 = arith.constant 0 : i32
      %dma_wait3A_90 = tpu.memref_slice %arg9[%dma_wait3A_88, %dma_wait3A_89] : memref<40x128xi32, #tpu.memory_space<vmem>> -> memref<1x128xi32, #tpu.memory_space<vmem>>
      %dma_wait3A_91 = tpu.memref_squeeze %dma_wait3A_90 : memref<1x128xi32, #tpu.memory_space<vmem>> -> memref<128xi32, #tpu.memory_space<vmem>>
      %dma_wait3A_92 = arith.constant 0 : i32
      %dma_wait3A_93 = arith.constant 0 : i32
      %dma_wait3A_94 = tpu.memref_slice %arg2[%dma_wait3A_92, %dma_wait3A_93] : memref<10000x128xf32, #tpu.memory_space<hbm>> -> memref<10000x128xf32, #tpu.memory_space<hbm>>
      tpu.wait_indirect_dma semaphore(%arg15 : memref<!tpu.dma_semaphore, #tpu.memory_space<semaphore_mem>>) src(%dma_wait3A_94 : memref<10000x128xf32, #tpu.memory_space<hbm>>) dst(%arg12 : memref<128x128xf32, #tpu.memory_space<vmem>>)
      %add3A_95 = arith.constant 1 : i32
      %add3A_96 = arith.addi %mul3A_65, %add3A_95 : i32
      "tpu.region"() ({
        %run_scoped3A = tpu.sem_alloc : memref<!tpu.dma_semaphore, #tpu.memory_space<semaphore_mem>>
        %dma_start3A_97 = arith.constant 0 : i32
        %dma_start3A_98 = tpu.memref_slice %arg10[%add3A_96, %dma_start3A_97] : memref<40x128xi32, #tpu.memory_space<vmem>> -> memref<1x128xi32, #tpu.memory_space<vmem>>
        %dma_start3A_99 = tpu.memref_squeeze %dma_start3A_98 : memref<1x128xi32, #tpu.memory_space<vmem>> -> memref<128xi32, #tpu.memory_space<vmem>>
        %dma_start3A_100 = arith.constant 0 : i32
        %dma_start3A_101 = arith.constant 0 : i32
        %dma_start3A_102 = tpu.memref_slice %arg13[%dma_start3A_100, %dma_start3A_101] : memref<10000x128xf32, #tpu.memory_space<vmem_shared>> -> memref<10000x128xf32, #tpu.memory_space<vmem_shared>>
        tpu.enqueue_indirect_dma source(%arg12 : memref<128x128xf32, #tpu.memory_space<vmem>>) target(%dma_start3A_102 : memref<10000x128xf32, #tpu.memory_space<vmem_shared>>) offsets(%dma_start3A_99 : memref<128xi32, #tpu.memory_space<vmem>>) semaphore(%run_scoped3A : memref<!tpu.dma_semaphore, #tpu.memory_space<semaphore_mem>>) {add = true}
        %dma_wait3A_103 = arith.constant 0 : i32
        %dma_wait3A_104 = tpu.memref_slice %arg10[%add3A_96, %dma_wait3A_103] : memref<40x128xi32, #tpu.memory_space<vmem>> -> memref<1x128xi32, #tpu.memory_space<vmem>>
        %dma_wait3A_105 = tpu.memref_squeeze %dma_wait3A_104 : memref<1x128xi32, #tpu.memory_space<vmem>> -> memref<128xi32, #tpu.memory_space<vmem>>
        %dma_wait3A_106 = arith.constant 0 : i32
        %dma_wait3A_107 = arith.constant 0 : i32
        %dma_wait3A_108 = tpu.memref_slice %arg13[%dma_wait3A_106, %dma_wait3A_107] : memref<10000x128xf32, #tpu.memory_space<vmem_shared>> -> memref<10000x128xf32, #tpu.memory_space<vmem_shared>>
        tpu.wait_indirect_dma semaphore(%run_scoped3A : memref<!tpu.dma_semaphore, #tpu.memory_space<semaphore_mem>>) src(%arg12 : memref<128x128xf32, #tpu.memory_space<vmem>>) dst(%dma_wait3A_108 : memref<10000x128xf32, #tpu.memory_space<vmem_shared>>)
        tpu.yield
      }) : () -> ()
    }
    %scan3A_32 = arith.constant 20 : i32
    "tpu.region"() ({
      %run_scoped3A = tpu.sem_alloc : memref<!tpu.dma_semaphore, #tpu.memory_space<semaphore_mem>>
      %dma_start3A_59 = arith.constant 40 : i32
      %dma_start3A_60 = arith.constant 0 : i32
      %dma_start3A_61 = tpu.memref_slice %arg3[%add3A, %dma_start3A_59, %dma_start3A_60] : memref<32x80x128xi32, #tpu.memory_space<hbm>> -> memref<1x40x128xi32, #tpu.memory_space<hbm>>
      %dma_start3A_62 = tpu.memref_squeeze %dma_start3A_61 : memref<1x40x128xi32, #tpu.memory_space<hbm>> -> memref<40x128xi32, #tpu.memory_space<hbm>>
      %dma_start3A_63 = arith.constant 40 : i32
      %dma_start3A_64 = arith.constant 0 : i32
      %dma_start3A_65 = tpu.memref_slice %arg3[%add3A, %dma_start3A_63, %dma_start3A_64] : memref<32x80x128xi32, #tpu.memory_space<hbm>> -> memref<1x40x128xi32, #tpu.memory_space<hbm>>
      %dma_start3A_66 = tpu.memref_squeeze %dma_start3A_65 : memref<1x40x128xi32, #tpu.memory_space<hbm>> -> memref<40x128xi32, #tpu.memory_space<hbm>>
      tpu.enqueue_dma source(%dma_start3A_66 : memref<40x128xi32, #tpu.memory_space<hbm>>) target(%arg9 : memref<40x128xi32, #tpu.memory_space<vmem>>) target_semaphore(%run_scoped3A : memref<!tpu.dma_semaphore, #tpu.memory_space<semaphore_mem>>)
      %dma_wait3A_67 = arith.constant 40 : i32
      %dma_wait3A_68 = arith.constant 0 : i32
      %dma_wait3A_69 = tpu.memref_slice %arg3[%add3A, %dma_wait3A_67, %dma_wait3A_68] : memref<32x80x128xi32, #tpu.memory_space<hbm>> -> memref<1x40x128xi32, #tpu.memory_space<hbm>>
      %dma_wait3A_70 = tpu.memref_squeeze %dma_wait3A_69 : memref<1x40x128xi32, #tpu.memory_space<hbm>> -> memref<40x128xi32, #tpu.memory_space<hbm>>
      %dma_wait3A_71 = arith.constant 40 : i32
      %dma_wait3A_72 = arith.constant 0 : i32
      %dma_wait3A_73 = tpu.memref_slice %arg3[%add3A, %dma_wait3A_71, %dma_wait3A_72] : memref<32x80x128xi32, #tpu.memory_space<hbm>> -> memref<1x40x128xi32, #tpu.memory_space<hbm>>
      %dma_wait3A_74 = tpu.memref_squeeze %dma_wait3A_73 : memref<1x40x128xi32, #tpu.memory_space<hbm>> -> memref<40x128xi32, #tpu.memory_space<hbm>>
      tpu.wait_dma2 semaphore(%run_scoped3A : memref<!tpu.dma_semaphore, #tpu.memory_space<semaphore_mem>>) src(%dma_wait3A_74 : memref<40x128xi32, #tpu.memory_space<hbm>>) dst(%arg9 : memref<40x128xi32, #tpu.memory_space<vmem>>)
      tpu.yield
    }) : () -> ()
    "tpu.region"() ({
      %run_scoped3A = tpu.sem_alloc : memref<!tpu.dma_semaphore, #tpu.memory_space<semaphore_mem>>
      %dma_start3A_59 = arith.constant 40 : i32
      %dma_start3A_60 = arith.constant 0 : i32
      %dma_start3A_61 = tpu.memref_slice %arg4[%add3A, %dma_start3A_59, %dma_start3A_60] : memref<32x80x128xi32, #tpu.memory_space<hbm>> -> memref<1x40x128xi32, #tpu.memory_space<hbm>>
      %dma_start3A_62 = tpu.memref_squeeze %dma_start3A_61 : memref<1x40x128xi32, #tpu.memory_space<hbm>> -> memref<40x128xi32, #tpu.memory_space<hbm>>
      %dma_start3A_63 = arith.constant 40 : i32
      %dma_start3A_64 = arith.constant 0 : i32
      %dma_start3A_65 = tpu.memref_slice %arg4[%add3A, %dma_start3A_63, %dma_start3A_64] : memref<32x80x128xi32, #tpu.memory_space<hbm>> -> memref<1x40x128xi32, #tpu.memory_space<hbm>>
      %dma_start3A_66 = tpu.memref_squeeze %dma_start3A_65 : memref<1x40x128xi32, #tpu.memory_space<hbm>> -> memref<40x128xi32, #tpu.memory_space<hbm>>
      tpu.enqueue_dma source(%dma_start3A_66 : memref<40x128xi32, #tpu.memory_space<hbm>>) target(%arg10 : memref<40x128xi32, #tpu.memory_space<vmem>>) target_semaphore(%run_scoped3A : memref<!tpu.dma_semaphore, #tpu.memory_space<semaphore_mem>>)
      %dma_wait3A_67 = arith.constant 40 : i32
      %dma_wait3A_68 = arith.constant 0 : i32
      %dma_wait3A_69 = tpu.memref_slice %arg4[%add3A, %dma_wait3A_67, %dma_wait3A_68] : memref<32x80x128xi32, #tpu.memory_space<hbm>> -> memref<1x40x128xi32, #tpu.memory_space<hbm>>
      %dma_wait3A_70 = tpu.memref_squeeze %dma_wait3A_69 : memref<1x40x128xi32, #tpu.memory_space<hbm>> -> memref<40x128xi32, #tpu.memory_space<hbm>>
      %dma_wait3A_71 = arith.constant 40 : i32
      %dma_wait3A_72 = arith.constant 0 : i32
      %dma_wait3A_73 = tpu.memref_slice %arg4[%add3A, %dma_wait3A_71, %dma_wait3A_72] : memref<32x80x128xi32, #tpu.memory_space<hbm>> -> memref<1x40x128xi32, #tpu.memory_space<hbm>>
      %dma_wait3A_74 = tpu.memref_squeeze %dma_wait3A_73 : memref<1x40x128xi32, #tpu.memory_space<hbm>> -> memref<40x128xi32, #tpu.memory_space<hbm>>
      tpu.wait_dma2 semaphore(%run_scoped3A : memref<!tpu.dma_semaphore, #tpu.memory_space<semaphore_mem>>) src(%dma_wait3A_74 : memref<40x128xi32, #tpu.memory_space<hbm>>) dst(%arg10 : memref<40x128xi32, #tpu.memory_space<vmem>>)
      tpu.yield
    }) : () -> ()
    %dma_start3A_33 = arith.constant 0 : i32
    %dma_start3A_34 = arith.constant 0 : i32
    %dma_start3A_35 = tpu.memref_slice %arg9[%dma_start3A_33, %dma_start3A_34] : memref<40x128xi32, #tpu.memory_space<vmem>> -> memref<1x128xi32, #tpu.memory_space<vmem>>
    %dma_start3A_36 = tpu.memref_squeeze %dma_start3A_35 : memref<1x128xi32, #tpu.memory_space<vmem>> -> memref<128xi32, #tpu.memory_space<vmem>>
    %dma_start3A_37 = arith.constant 0 : i32
    %dma_start3A_38 = arith.constant 0 : i32
    %dma_start3A_39 = tpu.memref_slice %arg2[%dma_start3A_37, %dma_start3A_38] : memref<10000x128xf32, #tpu.memory_space<hbm>> -> memref<10000x128xf32, #tpu.memory_space<hbm>>
    tpu.enqueue_indirect_dma source(%dma_start3A_39 : memref<10000x128xf32, #tpu.memory_space<hbm>>) target(%arg11 : memref<128x128xf32, #tpu.memory_space<vmem>>) offsets(%dma_start3A_36 : memref<128xi32, #tpu.memory_space<vmem>>) semaphore(%arg14 : memref<!tpu.dma_semaphore, #tpu.memory_space<semaphore_mem>>)
    %scan3A_40 = arith.constant 0 : i32
    %scan3A_41 = arith.constant 19 : i32
    %scan3A_42 = arith.addi %scan3A_40, %scan3A_41 : i32
    %scan3A_43 = arith.constant 1 : i32
    scf.for %scan3A_59 = %scan3A_40 to %scan3A_42 step %scan3A_43  : i32 {
      %mul3A_60 = arith.constant 1 : i32
      %mul3A_61 = arith.muli %scan3A_59, %mul3A_60 : i32
      %add3A_62 = arith.constant 0 : i32
      %add3A_63 = arith.addi %add3A_62, %mul3A_61 : i32
      %mul3A_64 = arith.constant 2 : i32
      %mul3A_65 = arith.muli %mul3A_64, %add3A_63 : i32
      %add3A_66 = arith.constant 1 : i32
      %add3A_67 = arith.addi %mul3A_65, %add3A_66 : i32
      %dma_start3A_68 = arith.constant 0 : i32
      %dma_start3A_69 = tpu.memref_slice %arg9[%add3A_67, %dma_start3A_68] : memref<40x128xi32, #tpu.memory_space<vmem>> -> memref<1x128xi32, #tpu.memory_space<vmem>>
      %dma_start3A_70 = tpu.memref_squeeze %dma_start3A_69 : memref<1x128xi32, #tpu.memory_space<vmem>> -> memref<128xi32, #tpu.memory_space<vmem>>
      %dma_start3A_71 = arith.constant 0 : i32
      %dma_start3A_72 = arith.constant 0 : i32
      %dma_start3A_73 = tpu.memref_slice %arg2[%dma_start3A_71, %dma_start3A_72] : memref<10000x128xf32, #tpu.memory_space<hbm>> -> memref<10000x128xf32, #tpu.memory_space<hbm>>
      tpu.enqueue_indirect_dma source(%dma_start3A_73 : memref<10000x128xf32, #tpu.memory_space<hbm>>) target(%arg12 : memref<128x128xf32, #tpu.memory_space<vmem>>) offsets(%dma_start3A_70 : memref<128xi32, #tpu.memory_space<vmem>>) semaphore(%arg15 : memref<!tpu.dma_semaphore, #tpu.memory_space<semaphore_mem>>)
      %dma_wait3A_74 = arith.constant 0 : i32
      %dma_wait3A_75 = arith.constant 0 : i32
      %dma_wait3A_76 = tpu.memref_slice %arg9[%dma_wait3A_74, %dma_wait3A_75] : memref<40x128xi32, #tpu.memory_space<vmem>> -> memref<1x128xi32, #tpu.memory_space<vmem>>
      %dma_wait3A_77 = tpu.memref_squeeze %dma_wait3A_76 : memref<1x128xi32, #tpu.memory_space<vmem>> -> memref<128xi32, #tpu.memory_space<vmem>>
      %dma_wait3A_78 = arith.constant 0 : i32
      %dma_wait3A_79 = arith.constant 0 : i32
      %dma_wait3A_80 = tpu.memref_slice %arg2[%dma_wait3A_78, %dma_wait3A_79] : memref<10000x128xf32, #tpu.memory_space<hbm>> -> memref<10000x128xf32, #tpu.memory_space<hbm>>
      tpu.wait_indirect_dma semaphore(%arg14 : memref<!tpu.dma_semaphore, #tpu.memory_space<semaphore_mem>>) src(%dma_wait3A_80 : memref<10000x128xf32, #tpu.memory_space<hbm>>) dst(%arg11 : memref<128x128xf32, #tpu.memory_space<vmem>>)
      "tpu.region"() ({
        %run_scoped3A = tpu.sem_alloc : memref<!tpu.dma_semaphore, #tpu.memory_space<semaphore_mem>>
        %dma_start3A_97 = arith.constant 0 : i32
        %dma_start3A_98 = tpu.memref_slice %arg10[%mul3A_65, %dma_start3A_97] : memref<40x128xi32, #tpu.memory_space<vmem>> -> memref<1x128xi32, #tpu.memory_space<vmem>>
        %dma_start3A_99 = tpu.memref_squeeze %dma_start3A_98 : memref<1x128xi32, #tpu.memory_space<vmem>> -> memref<128xi32, #tpu.memory_space<vmem>>
        %dma_start3A_100 = arith.constant 0 : i32
        %dma_start3A_101 = arith.constant 0 : i32
        %dma_start3A_102 = tpu.memref_slice %arg13[%dma_start3A_100, %dma_start3A_101] : memref<10000x128xf32, #tpu.memory_space<vmem_shared>> -> memref<10000x128xf32, #tpu.memory_space<vmem_shared>>
        tpu.enqueue_indirect_dma source(%arg11 : memref<128x128xf32, #tpu.memory_space<vmem>>) target(%dma_start3A_102 : memref<10000x128xf32, #tpu.memory_space<vmem_shared>>) offsets(%dma_start3A_99 : memref<128xi32, #tpu.memory_space<vmem>>) semaphore(%run_scoped3A : memref<!tpu.dma_semaphore, #tpu.memory_space<semaphore_mem>>) {add = true}
        %dma_wait3A_103 = arith.constant 0 : i32
        %dma_wait3A_104 = tpu.memref_slice %arg10[%mul3A_65, %dma_wait3A_103] : memref<40x128xi32, #tpu.memory_space<vmem>> -> memref<1x128xi32, #tpu.memory_space<vmem>>
        %dma_wait3A_105 = tpu.memref_squeeze %dma_wait3A_104 : memref<1x128xi32, #tpu.memory_space<vmem>> -> memref<128xi32, #tpu.memory_space<vmem>>
        %dma_wait3A_106 = arith.constant 0 : i32
        %dma_wait3A_107 = arith.constant 0 : i32
        %dma_wait3A_108 = tpu.memref_slice %arg13[%dma_wait3A_106, %dma_wait3A_107] : memref<10000x128xf32, #tpu.memory_space<vmem_shared>> -> memref<10000x128xf32, #tpu.memory_space<vmem_shared>>
        tpu.wait_indirect_dma semaphore(%run_scoped3A : memref<!tpu.dma_semaphore, #tpu.memory_space<semaphore_mem>>) src(%arg11 : memref<128x128xf32, #tpu.memory_space<vmem>>) dst(%dma_wait3A_108 : memref<10000x128xf32, #tpu.memory_space<vmem_shared>>)
        tpu.yield
      }) : () -> ()
      %add3A_81 = arith.constant 1 : i32
      %add3A_82 = arith.addi %add3A_63, %add3A_81 : i32
      %lt3A_83 = arith.constant 19 : i32
      %lt3A_84 = arith.cmpi slt, %add3A_82, %lt3A_83 : i32
      %convert_element_type3A_85 = arith.extui %lt3A_84 : i1 to i32
      %cond3A_86 = arith.constant 0 : i32
      %cond3A_87 = arith.cmpi ne, %convert_element_type3A_85, %cond3A_86 : i32
      scf.if %cond3A_87 {
        %add3A_97 = arith.constant 2 : i32
        %add3A_98 = arith.addi %mul3A_65, %add3A_97 : i32
        %dma_start3A_99 = arith.constant 0 : i32
        %dma_start3A_100 = tpu.memref_slice %arg9[%add3A_98, %dma_start3A_99] : memref<40x128xi32, #tpu.memory_space<vmem>> -> memref<1x128xi32, #tpu.memory_space<vmem>>
        %dma_start3A_101 = tpu.memref_squeeze %dma_start3A_100 : memref<1x128xi32, #tpu.memory_space<vmem>> -> memref<128xi32, #tpu.memory_space<vmem>>
        %dma_start3A_102 = arith.constant 0 : i32
        %dma_start3A_103 = arith.constant 0 : i32
        %dma_start3A_104 = tpu.memref_slice %arg2[%dma_start3A_102, %dma_start3A_103] : memref<10000x128xf32, #tpu.memory_space<hbm>> -> memref<10000x128xf32, #tpu.memory_space<hbm>>
        tpu.enqueue_indirect_dma source(%dma_start3A_104 : memref<10000x128xf32, #tpu.memory_space<hbm>>) target(%arg11 : memref<128x128xf32, #tpu.memory_space<vmem>>) offsets(%dma_start3A_101 : memref<128xi32, #tpu.memory_space<vmem>>) semaphore(%arg14 : memref<!tpu.dma_semaphore, #tpu.memory_space<semaphore_mem>>)
      } else {
      }
      %dma_wait3A_88 = arith.constant 0 : i32
      %dma_wait3A_89 = arith.constant 0 : i32
      %dma_wait3A_90 = tpu.memref_slice %arg9[%dma_wait3A_88, %dma_wait3A_89] : memref<40x128xi32, #tpu.memory_space<vmem>> -> memref<1x128xi32, #tpu.memory_space<vmem>>
      %dma_wait3A_91 = tpu.memref_squeeze %dma_wait3A_90 : memref<1x128xi32, #tpu.memory_space<vmem>> -> memref<128xi32, #tpu.memory_space<vmem>>
      %dma_wait3A_92 = arith.constant 0 : i32
      %dma_wait3A_93 = arith.constant 0 : i32
      %dma_wait3A_94 = tpu.memref_slice %arg2[%dma_wait3A_92, %dma_wait3A_93] : memref<10000x128xf32, #tpu.memory_space<hbm>> -> memref<10000x128xf32, #tpu.memory_space<hbm>>
      tpu.wait_indirect_dma semaphore(%arg15 : memref<!tpu.dma_semaphore, #tpu.memory_space<semaphore_mem>>) src(%dma_wait3A_94 : memref<10000x128xf32, #tpu.memory_space<hbm>>) dst(%arg12 : memref<128x128xf32, #tpu.memory_space<vmem>>)
      %add3A_95 = arith.constant 1 : i32
      %add3A_96 = arith.addi %mul3A_65, %add3A_95 : i32
      "tpu.region"() ({
        %run_scoped3A = tpu.sem_alloc : memref<!tpu.dma_semaphore, #tpu.memory_space<semaphore_mem>>
        %dma_start3A_97 = arith.constant 0 : i32
        %dma_start3A_98 = tpu.memref_slice %arg10[%add3A_96, %dma_start3A_97] : memref<40x128xi32, #tpu.memory_space<vmem>> -> memref<1x128xi32, #tpu.memory_space<vmem>>
        %dma_start3A_99 = tpu.memref_squeeze %dma_start3A_98 : memref<1x128xi32, #tpu.memory_space<vmem>> -> memref<128xi32, #tpu.memory_space<vmem>>
        %dma_start3A_100 = arith.constant 0 : i32
        %dma_start3A_101 = arith.constant 0 : i32
        %dma_start3A_102 = tpu.memref_slice %arg13[%dma_start3A_100, %dma_start3A_101] : memref<10000x128xf32, #tpu.memory_space<vmem_shared>> -> memref<10000x128xf32, #tpu.memory_space<vmem_shared>>
        tpu.enqueue_indirect_dma source(%arg12 : memref<128x128xf32, #tpu.memory_space<vmem>>) target(%dma_start3A_102 : memref<10000x128xf32, #tpu.memory_space<vmem_shared>>) offsets(%dma_start3A_99 : memref<128xi32, #tpu.memory_space<vmem>>) semaphore(%run_scoped3A : memref<!tpu.dma_semaphore, #tpu.memory_space<semaphore_mem>>) {add = true}
        %dma_wait3A_103 = arith.constant 0 : i32
        %dma_wait3A_104 = tpu.memref_slice %arg10[%add3A_96, %dma_wait3A_103] : memref<40x128xi32, #tpu.memory_space<vmem>> -> memref<1x128xi32, #tpu.memory_space<vmem>>
        %dma_wait3A_105 = tpu.memref_squeeze %dma_wait3A_104 : memref<1x128xi32, #tpu.memory_space<vmem>> -> memref<128xi32, #tpu.memory_space<vmem>>
        %dma_wait3A_106 = arith.constant 0 : i32
        %dma_wait3A_107 = arith.constant 0 : i32
        %dma_wait3A_108 = tpu.memref_slice %arg13[%dma_wait3A_106, %dma_wait3A_107] : memref<10000x128xf32, #tpu.memory_space<vmem_shared>> -> memref<10000x128xf32, #tpu.memory_space<vmem_shared>>
        tpu.wait_indirect_dma semaphore(%run_scoped3A : memref<!tpu.dma_semaphore, #tpu.memory_space<semaphore_mem>>) src(%arg12 : memref<128x128xf32, #tpu.memory_space<vmem>>) dst(%dma_wait3A_108 : memref<10000x128xf32, #tpu.memory_space<vmem_shared>>)
        tpu.yield
      }) : () -> ()
    }
    %scan3A_44 = arith.constant 19 : i32
    %lt3A = arith.constant 4 : i32
    %lt3A_45 = arith.cmpi slt, %add3A, %lt3A : i32
    %convert_element_type3A_46 = arith.extui %lt3A_45 : i1 to i32
    %cond3A_47 = arith.constant 0 : i32
    %cond3A_48 = arith.cmpi ne, %convert_element_type3A_46, %cond3A_47 : i32
    scf.if %cond3A_48 {
      %run_scoped3A = arith.constant 0 : i32
      "tpu.region"() ({
        %run_scoped3A_75 = tpu.sem_alloc : memref<!tpu.dma_semaphore, #tpu.memory_space<semaphore_mem>>
        %dma_start3A_76 = arith.constant 0 : i32
        %dma_start3A_77 = tpu.memref_slice %arg9[%run_scoped3A, %dma_start3A_76] : memref<40x128xi32, #tpu.memory_space<vmem>> -> memref<1x128xi32, #tpu.memory_space<vmem>>
        %dma_start3A_78 = tpu.memref_squeeze %dma_start3A_77 : memref<1x128xi32, #tpu.memory_space<vmem>> -> memref<128xi32, #tpu.memory_space<vmem>>
        %dma_start3A_79 = arith.constant 0 : i32
        %dma_start3A_80 = tpu.memref_slice %arg5[%add3A, %dma_start3A_79] : memref<4x128xi32, #tpu.memory_space<hbm>> -> memref<1x128xi32, #tpu.memory_space<hbm>>
        %dma_start3A_81 = tpu.memref_squeeze %dma_start3A_80 : memref<1x128xi32, #tpu.memory_space<hbm>> -> memref<128xi32, #tpu.memory_space<hbm>>
        %dma_start3A_82 = arith.constant 0 : i32
        %dma_start3A_83 = tpu.memref_slice %arg9[%run_scoped3A, %dma_start3A_82] : memref<40x128xi32, #tpu.memory_space<vmem>> -> memref<1x128xi32, #tpu.memory_space<vmem>>
        %dma_start3A_84 = tpu.memref_squeeze %dma_start3A_83 : memref<1x128xi32, #tpu.memory_space<vmem>> -> memref<128xi32, #tpu.memory_space<vmem>>
        %dma_start3A_85 = arith.constant 0 : i32
        %dma_start3A_86 = tpu.memref_slice %arg5[%add3A, %dma_start3A_85] : memref<4x128xi32, #tpu.memory_space<hbm>> -> memref<1x128xi32, #tpu.memory_space<hbm>>
        %dma_start3A_87 = tpu.memref_squeeze %dma_start3A_86 : memref<1x128xi32, #tpu.memory_space<hbm>> -> memref<128xi32, #tpu.memory_space<hbm>>
        tpu.enqueue_dma source(%dma_start3A_87 : memref<128xi32, #tpu.memory_space<hbm>>) target(%dma_start3A_84 : memref<128xi32, #tpu.memory_space<vmem>>) target_semaphore(%run_scoped3A_75 : memref<!tpu.dma_semaphore, #tpu.memory_space<semaphore_mem>>)
        %dma_wait3A_88 = arith.constant 0 : i32
        %dma_wait3A_89 = tpu.memref_slice %arg9[%run_scoped3A, %dma_wait3A_88] : memref<40x128xi32, #tpu.memory_space<vmem>> -> memref<1x128xi32, #tpu.memory_space<vmem>>
        %dma_wait3A_90 = tpu.memref_squeeze %dma_wait3A_89 : memref<1x128xi32, #tpu.memory_space<vmem>> -> memref<128xi32, #tpu.memory_space<vmem>>
        %dma_wait3A_91 = arith.constant 0 : i32
        %dma_wait3A_92 = tpu.memref_slice %arg5[%add3A, %dma_wait3A_91] : memref<4x128xi32, #tpu.memory_space<hbm>> -> memref<1x128xi32, #tpu.memory_space<hbm>>
        %dma_wait3A_93 = tpu.memref_squeeze %dma_wait3A_92 : memref<1x128xi32, #tpu.memory_space<hbm>> -> memref<128xi32, #tpu.memory_space<hbm>>
        %dma_wait3A_94 = arith.constant 0 : i32
        %dma_wait3A_95 = tpu.memref_slice %arg9[%run_scoped3A, %dma_wait3A_94] : memref<40x128xi32, #tpu.memory_space<vmem>> -> memref<1x128xi32, #tpu.memory_space<vmem>>
        %dma_wait3A_96 = tpu.memref_squeeze %dma_wait3A_95 : memref<1x128xi32, #tpu.memory_space<vmem>> -> memref<128xi32, #tpu.memory_space<vmem>>
        %dma_wait3A_97 = arith.constant 0 : i32
        %dma_wait3A_98 = tpu.memref_slice %arg5[%add3A, %dma_wait3A_97] : memref<4x128xi32, #tpu.memory_space<hbm>> -> memref<1x128xi32, #tpu.memory_space<hbm>>
        %dma_wait3A_99 = tpu.memref_squeeze %dma_wait3A_98 : memref<1x128xi32, #tpu.memory_space<hbm>> -> memref<128xi32, #tpu.memory_space<hbm>>
        tpu.wait_dma2 semaphore(%run_scoped3A_75 : memref<!tpu.dma_semaphore, #tpu.memory_space<semaphore_mem>>) src(%dma_wait3A_99 : memref<128xi32, #tpu.memory_space<hbm>>) dst(%dma_wait3A_96 : memref<128xi32, #tpu.memory_space<vmem>>)
        tpu.yield
      }) : () -> ()
      %run_scoped3A_59 = arith.constant 0 : i32
      "tpu.region"() ({
        %run_scoped3A_75 = tpu.sem_alloc : memref<!tpu.dma_semaphore, #tpu.memory_space<semaphore_mem>>
        %dma_start3A_76 = arith.constant 0 : i32
        %dma_start3A_77 = tpu.memref_slice %arg10[%run_scoped3A_59, %dma_start3A_76] : memref<40x128xi32, #tpu.memory_space<vmem>> -> memref<1x128xi32, #tpu.memory_space<vmem>>
        %dma_start3A_78 = tpu.memref_squeeze %dma_start3A_77 : memref<1x128xi32, #tpu.memory_space<vmem>> -> memref<128xi32, #tpu.memory_space<vmem>>
        %dma_start3A_79 = arith.constant 0 : i32
        %dma_start3A_80 = tpu.memref_slice %arg6[%add3A, %dma_start3A_79] : memref<4x128xi32, #tpu.memory_space<hbm>> -> memref<1x128xi32, #tpu.memory_space<hbm>>
        %dma_start3A_81 = tpu.memref_squeeze %dma_start3A_80 : memref<1x128xi32, #tpu.memory_space<hbm>> -> memref<128xi32, #tpu.memory_space<hbm>>
        %dma_start3A_82 = arith.constant 0 : i32
        %dma_start3A_83 = tpu.memref_slice %arg10[%run_scoped3A_59, %dma_start3A_82] : memref<40x128xi32, #tpu.memory_space<vmem>> -> memref<1x128xi32, #tpu.memory_space<vmem>>
        %dma_start3A_84 = tpu.memref_squeeze %dma_start3A_83 : memref<1x128xi32, #tpu.memory_space<vmem>> -> memref<128xi32, #tpu.memory_space<vmem>>
        %dma_start3A_85 = arith.constant 0 : i32
        %dma_start3A_86 = tpu.memref_slice %arg6[%add3A, %dma_start3A_85] : memref<4x128xi32, #tpu.memory_space<hbm>> -> memref<1x128xi32, #tpu.memory_space<hbm>>
        %dma_start3A_87 = tpu.memref_squeeze %dma_start3A_86 : memref<1x128xi32, #tpu.memory_space<hbm>> -> memref<128xi32, #tpu.memory_space<hbm>>
        tpu.enqueue_dma source(%dma_start3A_87 : memref<128xi32, #tpu.memory_space<hbm>>) target(%dma_start3A_84 : memref<128xi32, #tpu.memory_space<vmem>>) target_semaphore(%run_scoped3A_75 : memref<!tpu.dma_semaphore, #tpu.memory_space<semaphore_mem>>)
        %dma_wait3A_88 = arith.constant 0 : i32
        %dma_wait3A_89 = tpu.memref_slice %arg10[%run_scoped3A_59, %dma_wait3A_88] : memref<40x128xi32, #tpu.memory_space<vmem>> -> memref<1x128xi32, #tpu.memory_space<vmem>>
        %dma_wait3A_90 = tpu.memref_squeeze %dma_wait3A_89 : memref<1x128xi32, #tpu.memory_space<vmem>> -> memref<128xi32, #tpu.memory_space<vmem>>
        %dma_wait3A_91 = arith.constant 0 : i32
        %dma_wait3A_92 = tpu.memref_slice %arg6[%add3A, %dma_wait3A_91] : memref<4x128xi32, #tpu.memory_space<hbm>> -> memref<1x128xi32, #tpu.memory_space<hbm>>
        %dma_wait3A_93 = tpu.memref_squeeze %dma_wait3A_92 : memref<1x128xi32, #tpu.memory_space<hbm>> -> memref<128xi32, #tpu.memory_space<hbm>>
        %dma_wait3A_94 = arith.constant 0 : i32
        %dma_wait3A_95 = tpu.memref_slice %arg10[%run_scoped3A_59, %dma_wait3A_94] : memref<40x128xi32, #tpu.memory_space<vmem>> -> memref<1x128xi32, #tpu.memory_space<vmem>>
        %dma_wait3A_96 = tpu.memref_squeeze %dma_wait3A_95 : memref<1x128xi32, #tpu.memory_space<vmem>> -> memref<128xi32, #tpu.memory_space<vmem>>
        %dma_wait3A_97 = arith.constant 0 : i32
        %dma_wait3A_98 = tpu.memref_slice %arg6[%add3A, %dma_wait3A_97] : memref<4x128xi32, #tpu.memory_space<hbm>> -> memref<1x128xi32, #tpu.memory_space<hbm>>
        %dma_wait3A_99 = tpu.memref_squeeze %dma_wait3A_98 : memref<1x128xi32, #tpu.memory_space<hbm>> -> memref<128xi32, #tpu.memory_space<hbm>>
        tpu.wait_dma2 semaphore(%run_scoped3A_75 : memref<!tpu.dma_semaphore, #tpu.memory_space<semaphore_mem>>) src(%dma_wait3A_99 : memref<128xi32, #tpu.memory_space<hbm>>) dst(%dma_wait3A_96 : memref<128xi32, #tpu.memory_space<vmem>>)
        tpu.yield
      }) : () -> ()
      %dma_start3A_60 = arith.constant 0 : i32
      %dma_start3A_61 = arith.constant 0 : i32
      %dma_start3A_62 = tpu.memref_slice %arg9[%dma_start3A_60, %dma_start3A_61] : memref<40x128xi32, #tpu.memory_space<vmem>> -> memref<1x128xi32, #tpu.memory_space<vmem>>
      %dma_start3A_63 = tpu.memref_squeeze %dma_start3A_62 : memref<1x128xi32, #tpu.memory_space<vmem>> -> memref<128xi32, #tpu.memory_space<vmem>>
      %dma_start3A_64 = arith.constant 0 : i32
      %dma_start3A_65 = arith.constant 0 : i32
      %dma_start3A_66 = tpu.memref_slice %arg2[%dma_start3A_64, %dma_start3A_65] : memref<10000x128xf32, #tpu.memory_space<hbm>> -> memref<10000x128xf32, #tpu.memory_space<hbm>>
      tpu.enqueue_indirect_dma source(%dma_start3A_66 : memref<10000x128xf32, #tpu.memory_space<hbm>>) target(%arg11 : memref<128x128xf32, #tpu.memory_space<vmem>>) offsets(%dma_start3A_63 : memref<128xi32, #tpu.memory_space<vmem>>) semaphore(%arg14 : memref<!tpu.dma_semaphore, #tpu.memory_space<semaphore_mem>>)
      %dma_wait3A_67 = arith.constant 0 : i32
      %dma_wait3A_68 = arith.constant 0 : i32
      %dma_wait3A_69 = tpu.memref_slice %arg9[%dma_wait3A_67, %dma_wait3A_68] : memref<40x128xi32, #tpu.memory_space<vmem>> -> memref<1x128xi32, #tpu.memory_space<vmem>>
      %dma_wait3A_70 = tpu.memref_squeeze %dma_wait3A_69 : memref<1x128xi32, #tpu.memory_space<vmem>> -> memref<128xi32, #tpu.memory_space<vmem>>
      %dma_wait3A_71 = arith.constant 0 : i32
      %dma_wait3A_72 = arith.constant 0 : i32
      %dma_wait3A_73 = tpu.memref_slice %arg2[%dma_wait3A_71, %dma_wait3A_72] : memref<10000x128xf32, #tpu.memory_space<hbm>> -> memref<10000x128xf32, #tpu.memory_space<hbm>>
      tpu.wait_indirect_dma semaphore(%arg14 : memref<!tpu.dma_semaphore, #tpu.memory_space<semaphore_mem>>) src(%dma_wait3A_73 : memref<10000x128xf32, #tpu.memory_space<hbm>>) dst(%arg11 : memref<128x128xf32, #tpu.memory_space<vmem>>)
      %run_scoped3A_74 = arith.constant 0 : i32
      "tpu.region"() ({
        %run_scoped3A_75 = tpu.sem_alloc : memref<!tpu.dma_semaphore, #tpu.memory_space<semaphore_mem>>
        %dma_start3A_76 = arith.constant 0 : i32
        %dma_start3A_77 = tpu.memref_slice %arg10[%run_scoped3A_74, %dma_start3A_76] : memref<40x128xi32, #tpu.memory_space<vmem>> -> memref<1x128xi32, #tpu.memory_space<vmem>>
        %dma_start3A_78 = tpu.memref_squeeze %dma_start3A_77 : memref<1x128xi32, #tpu.memory_space<vmem>> -> memref<128xi32, #tpu.memory_space<vmem>>
        %dma_start3A_79 = arith.constant 0 : i32
        %dma_start3A_80 = arith.constant 0 : i32
        %dma_start3A_81 = tpu.memref_slice %arg13[%dma_start3A_79, %dma_start3A_80] : memref<10000x128xf32, #tpu.memory_space<vmem_shared>> -> memref<10000x128xf32, #tpu.memory_space<vmem_shared>>
        tpu.enqueue_indirect_dma source(%arg11 : memref<128x128xf32, #tpu.memory_space<vmem>>) target(%dma_start3A_81 : memref<10000x128xf32, #tpu.memory_space<vmem_shared>>) offsets(%dma_start3A_78 : memref<128xi32, #tpu.memory_space<vmem>>) semaphore(%run_scoped3A_75 : memref<!tpu.dma_semaphore, #tpu.memory_space<semaphore_mem>>) {add = true}
        %dma_wait3A_82 = arith.constant 0 : i32
        %dma_wait3A_83 = tpu.memref_slice %arg10[%run_scoped3A_74, %dma_wait3A_82] : memref<40x128xi32, #tpu.memory_space<vmem>> -> memref<1x128xi32, #tpu.memory_space<vmem>>
        %dma_wait3A_84 = tpu.memref_squeeze %dma_wait3A_83 : memref<1x128xi32, #tpu.memory_space<vmem>> -> memref<128xi32, #tpu.memory_space<vmem>>
        %dma_wait3A_85 = arith.constant 0 : i32
        %dma_wait3A_86 = arith.constant 0 : i32
        %dma_wait3A_87 = tpu.memref_slice %arg13[%dma_wait3A_85, %dma_wait3A_86] : memref<10000x128xf32, #tpu.memory_space<vmem_shared>> -> memref<10000x128xf32, #tpu.memory_space<vmem_shared>>
        tpu.wait_indirect_dma semaphore(%run_scoped3A_75 : memref<!tpu.dma_semaphore, #tpu.memory_space<semaphore_mem>>) src(%arg11 : memref<128x128xf32, #tpu.memory_space<vmem>>) dst(%dma_wait3A_87 : memref<10000x128xf32, #tpu.memory_space<vmem_shared>>)
        tpu.yield
      }) : () -> ()
    } else {
    }
    %barrier3A_49 = arith.constant 0 : index
    tpu.barrier barrier_id(%barrier3A_49)
    %mul3A_50 = arith.constant 624 : i32
    %mul3A_51 = arith.muli %arg1, %mul3A_50 : i32
    %mul3A_52 = arith.constant 624 : i32
    %mul3A_53 = arith.muli %arg1, %mul3A_52 : i32
    "tpu.region"() ({
      %run_scoped3A = tpu.sem_alloc : memref<!tpu.dma_semaphore, #tpu.memory_space<semaphore_mem>>
      %dma_start3A_59 = arith.constant 0 : i32
      %dma_start3A_60 = tpu.memref_slice %arg8[%arg0, %mul3A_53, %dma_start3A_59] : memref<2x10000x128xf32, #tpu.memory_space<hbm>> -> memref<1x624x128xf32, #tpu.memory_space<hbm>>
      %dma_start3A_61 = tpu.memref_squeeze %dma_start3A_60 : memref<1x624x128xf32, #tpu.memory_space<hbm>> -> memref<624x128xf32, #tpu.memory_space<hbm>>
      %dma_start3A_62 = arith.constant 0 : i32
      %dma_start3A_63 = tpu.memref_slice %arg13[%mul3A_51, %dma_start3A_62] : memref<10000x128xf32, #tpu.memory_space<vmem_shared>> -> memref<624x128xf32, #tpu.memory_space<vmem_shared>>
      tpu.enqueue_dma source(%dma_start3A_63 : memref<624x128xf32, #tpu.memory_space<vmem_shared>>) target(%dma_start3A_61 : memref<624x128xf32, #tpu.memory_space<hbm>>) target_semaphore(%run_scoped3A : memref<!tpu.dma_semaphore, #tpu.memory_space<semaphore_mem>>)
      %dma_wait3A_64 = arith.constant 0 : i32
      %dma_wait3A_65 = tpu.memref_slice %arg8[%arg0, %mul3A_53, %dma_wait3A_64] : memref<2x10000x128xf32, #tpu.memory_space<hbm>> -> memref<1x624x128xf32, #tpu.memory_space<hbm>>
      %dma_wait3A_66 = tpu.memref_squeeze %dma_wait3A_65 : memref<1x624x128xf32, #tpu.memory_space<hbm>> -> memref<624x128xf32, #tpu.memory_space<hbm>>
      %dma_wait3A_67 = arith.constant 0 : i32
      %dma_wait3A_68 = tpu.memref_slice %arg13[%mul3A_51, %dma_wait3A_67] : memref<10000x128xf32, #tpu.memory_space<vmem_shared>> -> memref<624x128xf32, #tpu.memory_space<vmem_shared>>
      tpu.wait_dma2 semaphore(%run_scoped3A : memref<!tpu.dma_semaphore, #tpu.memory_space<semaphore_mem>>) src(%dma_wait3A_68 : memref<624x128xf32, #tpu.memory_space<vmem_shared>>) dst(%dma_wait3A_66 : memref<624x128xf32, #tpu.memory_space<hbm>>)
      tpu.yield
    }) : () -> ()
    %eq3A_54 = arith.constant 15 : i32
    %eq3A_55 = arith.cmpi eq, %arg1, %eq3A_54 : i32
    %convert_element_type3A_56 = arith.extui %eq3A_55 : i1 to i32
    %cond3A_57 = arith.constant 0 : i32
    %cond3A_58 = arith.cmpi ne, %convert_element_type3A_56, %cond3A_57 : i32
    scf.if %cond3A_58 {
      "tpu.region"() ({
        %run_scoped3A = tpu.sem_alloc : memref<!tpu.dma_semaphore, #tpu.memory_space<semaphore_mem>>
        %dma_start3A_59 = arith.constant 9984 : i32
        %dma_start3A_60 = arith.constant 0 : i32
        %dma_start3A_61 = tpu.memref_slice %arg8[%arg0, %dma_start3A_59, %dma_start3A_60] : memref<2x10000x128xf32, #tpu.memory_space<hbm>> -> memref<1x16x128xf32, #tpu.memory_space<hbm>>
        %dma_start3A_62 = tpu.memref_squeeze %dma_start3A_61 : memref<1x16x128xf32, #tpu.memory_space<hbm>> -> memref<16x128xf32, #tpu.memory_space<hbm>>
        %dma_start3A_63 = arith.constant 9984 : i32
        %dma_start3A_64 = arith.constant 0 : i32
        %dma_start3A_65 = tpu.memref_slice %arg13[%dma_start3A_63, %dma_start3A_64] : memref<10000x128xf32, #tpu.memory_space<vmem_shared>> -> memref<16x128xf32, #tpu.memory_space<vmem_shared>>
        tpu.enqueue_dma source(%dma_start3A_65 : memref<16x128xf32, #tpu.memory_space<vmem_shared>>) target(%dma_start3A_62 : memref<16x128xf32, #tpu.memory_space<hbm>>) target_semaphore(%run_scoped3A : memref<!tpu.dma_semaphore, #tpu.memory_space<semaphore_mem>>)
        %dma_wait3A_66 = arith.constant 9984 : i32
        %dma_wait3A_67 = arith.constant 0 : i32
        %dma_wait3A_68 = tpu.memref_slice %arg8[%arg0, %dma_wait3A_66, %dma_wait3A_67] : memref<2x10000x128xf32, #tpu.memory_space<hbm>> -> memref<1x16x128xf32, #tpu.memory_space<hbm>>
        %dma_wait3A_69 = tpu.memref_squeeze %dma_wait3A_68 : memref<1x16x128xf32, #tpu.memory_space<hbm>> -> memref<16x128xf32, #tpu.memory_space<hbm>>
        %dma_wait3A_70 = arith.constant 9984 : i32
        %dma_wait3A_71 = arith.constant 0 : i32
        %dma_wait3A_72 = tpu.memref_slice %arg13[%dma_wait3A_70, %dma_wait3A_71] : memref<10000x128xf32, #tpu.memory_space<vmem_shared>> -> memref<16x128xf32, #tpu.memory_space<vmem_shared>>
        tpu.wait_dma2 semaphore(%run_scoped3A : memref<!tpu.dma_semaphore, #tpu.memory_space<semaphore_mem>>) src(%dma_wait3A_72 : memref<16x128xf32, #tpu.memory_space<vmem_shared>>) dst(%dma_wait3A_69 : memref<16x128xf32, #tpu.memory_space<hbm>>)
        tpu.yield
      }) : () -> ()
    } else {
    }
    return
  }
}

#map = affine_map<(d0, d1) -> (0, 0)>
#map1 = affine_map<(d0, d1) -> (0, 0, 0)>
module attributes {stable_mosaic.version = 14 : i64} {
  func.func @k(%arg0: i32, %arg1: i32, %arg2: memref<10000x128xf32, #tpu.memory_space<hbm>>, %arg3: memref<32x80x128xi32, #tpu.memory_space<hbm>>, %arg4: memref<32x80x128xi32, #tpu.memory_space<hbm>>, %arg5: memref<4x128xi32, #tpu.memory_space<hbm>>, %arg6: memref<4x128xi32, #tpu.memory_space<hbm>>, %arg7: memref<10000x128xf32, #tpu.memory_space<hbm>>, %arg8: memref<2x10000x128xf32, #tpu.memory_space<hbm>>, %arg9: memref<40x128xi32, #tpu.memory_space<vmem>>, %arg10: memref<40x128xi32, #tpu.memory_space<vmem>>, %arg11: memref<128x128xf32, #tpu.memory_space<vmem>>, %arg12: memref<128x128xf32, #tpu.memory_space<vmem>>, %arg13: memref<10000x128xf32, #tpu.memory_space<vmem_shared>>, %arg14: memref<!tpu.dma_semaphore, #tpu.memory_space<semaphore_mem>>, %arg15: memref<!tpu.dma_semaphore, #tpu.memory_space<semaphore_mem>>, %arg16: memref<!tpu.dma_semaphore, #tpu.memory_space<semaphore_mem>>) attributes {dimension_semantics = [#tpu.dimension_semantics<core_parallel>, #tpu.dimension_semantics<subcore_parallel>], iteration_bounds = array<i64: 2, 16>, scalar_prefetch = 0 : i64, scratch_operands = 8 : i64, tpu.core_type = #tpu.core_type<sc_vector_subcore>, window_params = [{transform_indices = #map}, {transform_indices = #map1}, {transform_indices = #map1}, {transform_indices = #map}, {transform_indices = #map}, {transform_indices = #map}, {transform_indices = #map1}]} {
    %mul3A = arith.constant 16 : i32
    %mul3A_0 = arith.muli %arg0, %mul3A : i32
    %add3A = arith.addi %mul3A_0, %arg1 : i32
    %mul3A_1 = arith.constant 624 : i32
    %mul3A_2 = arith.muli %arg1, %mul3A_1 : i32
    %mul3A_3 = arith.constant 624 : i32
    %mul3A_4 = arith.muli %arg1, %mul3A_3 : i32
    %dma_start3A = arith.constant 0 : i32
    %dma_start3A_5 = tpu.memref_slice %arg13[%mul3A_4, %dma_start3A] : memref<10000x128xf32, #tpu.memory_space<vmem_shared>> -> memref<624x128xf32, #tpu.memory_space<vmem_shared>>
    %dma_start3A_6 = arith.constant 0 : i32
    %dma_start3A_7 = tpu.memref_slice %arg7[%mul3A_2, %dma_start3A_6] : memref<10000x128xf32, #tpu.memory_space<hbm>> -> memref<624x128xf32, #tpu.memory_space<hbm>>
    tpu.enqueue_dma source(%dma_start3A_7 : memref<624x128xf32, #tpu.memory_space<hbm>>) target(%dma_start3A_5 : memref<624x128xf32, #tpu.memory_space<vmem_shared>>) target_semaphore(%arg16 : memref<!tpu.dma_semaphore, #tpu.memory_space<semaphore_mem>>)
    %eq3A = arith.constant 15 : i32
    %eq3A_8 = arith.cmpi eq, %arg1, %eq3A : i32
    %convert_element_type3A = arith.extui %eq3A_8 : i1 to i32
    %cond3A = arith.constant 0 : i32
    %cond3A_9 = arith.cmpi ne, %convert_element_type3A, %cond3A : i32
    scf.if %cond3A_9 {
      %dma_start3A_59 = arith.constant 9984 : i32
      %dma_start3A_60 = arith.constant 0 : i32
      %dma_start3A_61 = tpu.memref_slice %arg13[%dma_start3A_59, %dma_start3A_60] : memref<10000x128xf32, #tpu.memory_space<vmem_shared>> -> memref<16x128xf32, #tpu.memory_space<vmem_shared>>
      %dma_start3A_62 = arith.constant 9984 : i32
      %dma_start3A_63 = arith.constant 0 : i32
      %dma_start3A_64 = tpu.memref_slice %arg7[%dma_start3A_62, %dma_start3A_63] : memref<10000x128xf32, #tpu.memory_space<hbm>> -> memref<16x128xf32, #tpu.memory_space<hbm>>
      tpu.enqueue_dma source(%dma_start3A_64 : memref<16x128xf32, #tpu.memory_space<hbm>>) target(%dma_start3A_61 : memref<16x128xf32, #tpu.memory_space<vmem_shared>>) target_semaphore(%arg16 : memref<!tpu.dma_semaphore, #tpu.memory_space<semaphore_mem>>)
    } else {
    }
    "tpu.region"() ({
      %run_scoped3A = tpu.sem_alloc : memref<!tpu.dma_semaphore, #tpu.memory_space<semaphore_mem>>
      %dma_start3A_59 = arith.constant 0 : i32
      %dma_start3A_60 = arith.constant 0 : i32
      %dma_start3A_61 = tpu.memref_slice %arg3[%add3A, %dma_start3A_59, %dma_start3A_60] : memref<32x80x128xi32, #tpu.memory_space<hbm>> -> memref<1x40x128xi32, #tpu.memory_space<hbm>>
      %dma_start3A_62 = tpu.memref_squeeze %dma_start3A_61 : memref<1x40x128xi32, #tpu.memory_space<hbm>> -> memref<40x128xi32, #tpu.memory_space<hbm>>
      %dma_start3A_63 = arith.constant 0 : i32
      %dma_start3A_64 = arith.constant 0 : i32
      %dma_start3A_65 = tpu.memref_slice %arg3[%add3A, %dma_start3A_63, %dma_start3A_64] : memref<32x80x128xi32, #tpu.memory_space<hbm>> -> memref<1x40x128xi32, #tpu.memory_space<hbm>>
      %dma_start3A_66 = tpu.memref_squeeze %dma_start3A_65 : memref<1x40x128xi32, #tpu.memory_space<hbm>> -> memref<40x128xi32, #tpu.memory_space<hbm>>
      tpu.enqueue_dma source(%dma_start3A_66 : memref<40x128xi32, #tpu.memory_space<hbm>>) target(%arg9 : memref<40x128xi32, #tpu.memory_space<vmem>>) target_semaphore(%run_scoped3A : memref<!tpu.dma_semaphore, #tpu.memory_space<semaphore_mem>>)
      %dma_wait3A_67 = arith.constant 0 : i32
      %dma_wait3A_68 = arith.constant 0 : i32
      %dma_wait3A_69 = tpu.memref_slice %arg3[%add3A, %dma_wait3A_67, %dma_wait3A_68] : memref<32x80x128xi32, #tpu.memory_space<hbm>> -> memref<1x40x128xi32, #tpu.memory_space<hbm>>
      %dma_wait3A_70 = tpu.memref_squeeze %dma_wait3A_69 : memref<1x40x128xi32, #tpu.memory_space<hbm>> -> memref<40x128xi32, #tpu.memory_space<hbm>>
      %dma_wait3A_71 = arith.constant 0 : i32
      %dma_wait3A_72 = arith.constant 0 : i32
      %dma_wait3A_73 = tpu.memref_slice %arg3[%add3A, %dma_wait3A_71, %dma_wait3A_72] : memref<32x80x128xi32, #tpu.memory_space<hbm>> -> memref<1x40x128xi32, #tpu.memory_space<hbm>>
      %dma_wait3A_74 = tpu.memref_squeeze %dma_wait3A_73 : memref<1x40x128xi32, #tpu.memory_space<hbm>> -> memref<40x128xi32, #tpu.memory_space<hbm>>
      tpu.wait_dma2 semaphore(%run_scoped3A : memref<!tpu.dma_semaphore, #tpu.memory_space<semaphore_mem>>) src(%dma_wait3A_74 : memref<40x128xi32, #tpu.memory_space<hbm>>) dst(%arg9 : memref<40x128xi32, #tpu.memory_space<vmem>>)
      tpu.yield
    }) : () -> ()
    "tpu.region"() ({
      %run_scoped3A = tpu.sem_alloc : memref<!tpu.dma_semaphore, #tpu.memory_space<semaphore_mem>>
      %dma_start3A_59 = arith.constant 0 : i32
      %dma_start3A_60 = arith.constant 0 : i32
      %dma_start3A_61 = tpu.memref_slice %arg4[%add3A, %dma_start3A_59, %dma_start3A_60] : memref<32x80x128xi32, #tpu.memory_space<hbm>> -> memref<1x40x128xi32, #tpu.memory_space<hbm>>
      %dma_start3A_62 = tpu.memref_squeeze %dma_start3A_61 : memref<1x40x128xi32, #tpu.memory_space<hbm>> -> memref<40x128xi32, #tpu.memory_space<hbm>>
      %dma_start3A_63 = arith.constant 0 : i32
      %dma_start3A_64 = arith.constant 0 : i32
      %dma_start3A_65 = tpu.memref_slice %arg4[%add3A, %dma_start3A_63, %dma_start3A_64] : memref<32x80x128xi32, #tpu.memory_space<hbm>> -> memref<1x40x128xi32, #tpu.memory_space<hbm>>
      %dma_start3A_66 = tpu.memref_squeeze %dma_start3A_65 : memref<1x40x128xi32, #tpu.memory_space<hbm>> -> memref<40x128xi32, #tpu.memory_space<hbm>>
      tpu.enqueue_dma source(%dma_start3A_66 : memref<40x128xi32, #tpu.memory_space<hbm>>) target(%arg10 : memref<40x128xi32, #tpu.memory_space<vmem>>) target_semaphore(%run_scoped3A : memref<!tpu.dma_semaphore, #tpu.memory_space<semaphore_mem>>)
      %dma_wait3A_67 = arith.constant 0 : i32
      %dma_wait3A_68 = arith.constant 0 : i32
      %dma_wait3A_69 = tpu.memref_slice %arg4[%add3A, %dma_wait3A_67, %dma_wait3A_68] : memref<32x80x128xi32, #tpu.memory_space<hbm>> -> memref<1x40x128xi32, #tpu.memory_space<hbm>>
      %dma_wait3A_70 = tpu.memref_squeeze %dma_wait3A_69 : memref<1x40x128xi32, #tpu.memory_space<hbm>> -> memref<40x128xi32, #tpu.memory_space<hbm>>
      %dma_wait3A_71 = arith.constant 0 : i32
      %dma_wait3A_72 = arith.constant 0 : i32
      %dma_wait3A_73 = tpu.memref_slice %arg4[%add3A, %dma_wait3A_71, %dma_wait3A_72] : memref<32x80x128xi32, #tpu.memory_space<hbm>> -> memref<1x40x128xi32, #tpu.memory_space<hbm>>
      %dma_wait3A_74 = tpu.memref_squeeze %dma_wait3A_73 : memref<1x40x128xi32, #tpu.memory_space<hbm>> -> memref<40x128xi32, #tpu.memory_space<hbm>>
      tpu.wait_dma2 semaphore(%run_scoped3A : memref<!tpu.dma_semaphore, #tpu.memory_space<semaphore_mem>>) src(%dma_wait3A_74 : memref<40x128xi32, #tpu.memory_space<hbm>>) dst(%arg10 : memref<40x128xi32, #tpu.memory_space<vmem>>)
      tpu.yield
    }) : () -> ()
    %dma_start3A_10 = arith.constant 0 : i32
    %dma_start3A_11 = arith.constant 0 : i32
    %dma_start3A_12 = tpu.memref_slice %arg9[%dma_start3A_10, %dma_start3A_11] : memref<40x128xi32, #tpu.memory_space<vmem>> -> memref<1x128xi32, #tpu.memory_space<vmem>>
    %dma_start3A_13 = tpu.memref_squeeze %dma_start3A_12 : memref<1x128xi32, #tpu.memory_space<vmem>> -> memref<128xi32, #tpu.memory_space<vmem>>
    %dma_start3A_14 = arith.constant 0 : i32
    %dma_start3A_15 = arith.constant 0 : i32
    %dma_start3A_16 = tpu.memref_slice %arg2[%dma_start3A_14, %dma_start3A_15] : memref<10000x128xf32, #tpu.memory_space<hbm>> -> memref<10000x128xf32, #tpu.memory_space<hbm>>
    tpu.enqueue_indirect_dma source(%dma_start3A_16 : memref<10000x128xf32, #tpu.memory_space<hbm>>) target(%arg11 : memref<128x128xf32, #tpu.memory_space<vmem>>) offsets(%dma_start3A_13 : memref<128xi32, #tpu.memory_space<vmem>>) semaphore(%arg14 : memref<!tpu.dma_semaphore, #tpu.memory_space<semaphore_mem>>)
    %mul3A_17 = arith.constant 624 : i32
    %mul3A_18 = arith.muli %arg1, %mul3A_17 : i32
    %mul3A_19 = arith.constant 624 : i32
    %mul3A_20 = arith.muli %arg1, %mul3A_19 : i32
    %dma_wait3A = arith.constant 0 : i32
    %dma_wait3A_21 = tpu.memref_slice %arg13[%mul3A_20, %dma_wait3A] : memref<10000x128xf32, #tpu.memory_space<vmem_shared>> -> memref<624x128xf32, #tpu.memory_space<vmem_shared>>
    %dma_wait3A_22 = arith.constant 0 : i32
    %dma_wait3A_23 = tpu.memref_slice %arg7[%mul3A_18, %dma_wait3A_22] : memref<10000x128xf32, #tpu.memory_space<hbm>> -> memref<624x128xf32, #tpu.memory_space<hbm>>
    tpu.wait_dma2 semaphore(%arg16 : memref<!tpu.dma_semaphore, #tpu.memory_space<semaphore_mem>>) src(%dma_wait3A_23 : memref<624x128xf32, #tpu.memory_space<hbm>>) dst(%dma_wait3A_21 : memref<624x128xf32, #tpu.memory_space<vmem_shared>>)
    %eq3A_24 = arith.constant 15 : i32
    %eq3A_25 = arith.cmpi eq, %arg1, %eq3A_24 : i32
    %convert_element_type3A_26 = arith.extui %eq3A_25 : i1 to i32
    %cond3A_27 = arith.constant 0 : i32
    %cond3A_28 = arith.cmpi ne, %convert_element_type3A_26, %cond3A_27 : i32
    scf.if %cond3A_28 {
      %dma_wait3A_59 = arith.constant 9984 : i32
      %dma_wait3A_60 = arith.constant 0 : i32
      %dma_wait3A_61 = tpu.memref_slice %arg13[%dma_wait3A_59, %dma_wait3A_60] : memref<10000x128xf32, #tpu.memory_space<vmem_shared>> -> memref<16x128xf32, #tpu.memory_space<vmem_shared>>
      %dma_wait3A_62 = arith.constant 9984 : i32
      %dma_wait3A_63 = arith.constant 0 : i32
      %dma_wait3A_64 = tpu.memref_slice %arg7[%dma_wait3A_62, %dma_wait3A_63] : memref<10000x128xf32, #tpu.memory_space<hbm>> -> memref<16x128xf32, #tpu.memory_space<hbm>>
      tpu.wait_dma2 semaphore(%arg16 : memref<!tpu.dma_semaphore, #tpu.memory_space<semaphore_mem>>) src(%dma_wait3A_64 : memref<16x128xf32, #tpu.memory_space<hbm>>) dst(%dma_wait3A_61 : memref<16x128xf32, #tpu.memory_space<vmem_shared>>)
    } else {
    }
    %barrier3A = arith.constant 0 : index
    tpu.barrier barrier_id(%barrier3A)
    %scan3A = arith.constant 0 : i32
    %scan3A_29 = arith.constant 20 : i32
    %scan3A_30 = arith.addi %scan3A, %scan3A_29 : i32
    %scan3A_31 = arith.constant 1 : i32
    scf.for %scan3A_59 = %scan3A to %scan3A_30 step %scan3A_31  : i32 {
      %mul3A_60 = arith.constant 1 : i32
      %mul3A_61 = arith.muli %scan3A_59, %mul3A_60 : i32
      %add3A_62 = arith.constant 0 : i32
      %add3A_63 = arith.addi %add3A_62, %mul3A_61 : i32
      %mul3A_64 = arith.constant 2 : i32
      %mul3A_65 = arith.muli %mul3A_64, %add3A_63 : i32
      %add3A_66 = arith.constant 1 : i32
      %add3A_67 = arith.addi %mul3A_65, %add3A_66 : i32
      %dma_start3A_68 = arith.constant 0 : i32
      %dma_start3A_69 = tpu.memref_slice %arg9[%add3A_67, %dma_start3A_68] : memref<40x128xi32, #tpu.memory_space<vmem>> -> memref<1x128xi32, #tpu.memory_space<vmem>>
      %dma_start3A_70 = tpu.memref_squeeze %dma_start3A_69 : memref<1x128xi32, #tpu.memory_space<vmem>> -> memref<128xi32, #tpu.memory_space<vmem>>
      %dma_start3A_71 = arith.constant 0 : i32
      %dma_start3A_72 = arith.constant 0 : i32
      %dma_start3A_73 = tpu.memref_slice %arg2[%dma_start3A_71, %dma_start3A_72] : memref<10000x128xf32, #tpu.memory_space<hbm>> -> memref<10000x128xf32, #tpu.memory_space<hbm>>
      tpu.enqueue_indirect_dma source(%dma_start3A_73 : memref<10000x128xf32, #tpu.memory_space<hbm>>) target(%arg12 : memref<128x128xf32, #tpu.memory_space<vmem>>) offsets(%dma_start3A_70 : memref<128xi32, #tpu.memory_space<vmem>>) semaphore(%arg15 : memref<!tpu.dma_semaphore, #tpu.memory_space<semaphore_mem>>)
      %dma_wait3A_74 = arith.constant 0 : i32
      %dma_wait3A_75 = arith.constant 0 : i32
      %dma_wait3A_76 = tpu.memref_slice %arg9[%dma_wait3A_74, %dma_wait3A_75] : memref<40x128xi32, #tpu.memory_space<vmem>> -> memref<1x128xi32, #tpu.memory_space<vmem>>
      %dma_wait3A_77 = tpu.memref_squeeze %dma_wait3A_76 : memref<1x128xi32, #tpu.memory_space<vmem>> -> memref<128xi32, #tpu.memory_space<vmem>>
      %dma_wait3A_78 = arith.constant 0 : i32
      %dma_wait3A_79 = arith.constant 0 : i32
      %dma_wait3A_80 = tpu.memref_slice %arg2[%dma_wait3A_78, %dma_wait3A_79] : memref<10000x128xf32, #tpu.memory_space<hbm>> -> memref<10000x128xf32, #tpu.memory_space<hbm>>
      tpu.wait_indirect_dma semaphore(%arg14 : memref<!tpu.dma_semaphore, #tpu.memory_space<semaphore_mem>>) src(%dma_wait3A_80 : memref<10000x128xf32, #tpu.memory_space<hbm>>) dst(%arg11 : memref<128x128xf32, #tpu.memory_space<vmem>>)
      "tpu.region"() ({
        %run_scoped3A = tpu.sem_alloc : memref<!tpu.dma_semaphore, #tpu.memory_space<semaphore_mem>>
        %dma_start3A_97 = arith.constant 0 : i32
        %dma_start3A_98 = tpu.memref_slice %arg10[%mul3A_65, %dma_start3A_97] : memref<40x128xi32, #tpu.memory_space<vmem>> -> memref<1x128xi32, #tpu.memory_space<vmem>>
        %dma_start3A_99 = tpu.memref_squeeze %dma_start3A_98 : memref<1x128xi32, #tpu.memory_space<vmem>> -> memref<128xi32, #tpu.memory_space<vmem>>
        %dma_start3A_100 = arith.constant 0 : i32
        %dma_start3A_101 = arith.constant 0 : i32
        %dma_start3A_102 = tpu.memref_slice %arg13[%dma_start3A_100, %dma_start3A_101] : memref<10000x128xf32, #tpu.memory_space<vmem_shared>> -> memref<10000x128xf32, #tpu.memory_space<vmem_shared>>
        tpu.enqueue_indirect_dma source(%arg11 : memref<128x128xf32, #tpu.memory_space<vmem>>) target(%dma_start3A_102 : memref<10000x128xf32, #tpu.memory_space<vmem_shared>>) offsets(%dma_start3A_99 : memref<128xi32, #tpu.memory_space<vmem>>) semaphore(%run_scoped3A : memref<!tpu.dma_semaphore, #tpu.memory_space<semaphore_mem>>) {add = true}
        %dma_wait3A_103 = arith.constant 0 : i32
        %dma_wait3A_104 = tpu.memref_slice %arg10[%mul3A_65, %dma_wait3A_103] : memref<40x128xi32, #tpu.memory_space<vmem>> -> memref<1x128xi32, #tpu.memory_space<vmem>>
        %dma_wait3A_105 = tpu.memref_squeeze %dma_wait3A_104 : memref<1x128xi32, #tpu.memory_space<vmem>> -> memref<128xi32, #tpu.memory_space<vmem>>
        %dma_wait3A_106 = arith.constant 0 : i32
        %dma_wait3A_107 = arith.constant 0 : i32
        %dma_wait3A_108 = tpu.memref_slice %arg13[%dma_wait3A_106, %dma_wait3A_107] : memref<10000x128xf32, #tpu.memory_space<vmem_shared>> -> memref<10000x128xf32, #tpu.memory_space<vmem_shared>>
        tpu.wait_indirect_dma semaphore(%run_scoped3A : memref<!tpu.dma_semaphore, #tpu.memory_space<semaphore_mem>>) src(%arg11 : memref<128x128xf32, #tpu.memory_space<vmem>>) dst(%dma_wait3A_108 : memref<10000x128xf32, #tpu.memory_space<vmem_shared>>)
        tpu.yield
      }) : () -> ()
      %add3A_81 = arith.constant 1 : i32
      %add3A_82 = arith.addi %add3A_63, %add3A_81 : i32
      %lt3A_83 = arith.constant 20 : i32
      %lt3A_84 = arith.cmpi slt, %add3A_82, %lt3A_83 : i32
      %convert_element_type3A_85 = arith.extui %lt3A_84 : i1 to i32
      %cond3A_86 = arith.constant 0 : i32
      %cond3A_87 = arith.cmpi ne, %convert_element_type3A_85, %cond3A_86 : i32
      scf.if %cond3A_87 {
        %add3A_97 = arith.constant 2 : i32
        %add3A_98 = arith.addi %mul3A_65, %add3A_97 : i32
        %dma_start3A_99 = arith.constant 0 : i32
        %dma_start3A_100 = tpu.memref_slice %arg9[%add3A_98, %dma_start3A_99] : memref<40x128xi32, #tpu.memory_space<vmem>> -> memref<1x128xi32, #tpu.memory_space<vmem>>
        %dma_start3A_101 = tpu.memref_squeeze %dma_start3A_100 : memref<1x128xi32, #tpu.memory_space<vmem>> -> memref<128xi32, #tpu.memory_space<vmem>>
        %dma_start3A_102 = arith.constant 0 : i32
        %dma_start3A_103 = arith.constant 0 : i32
        %dma_start3A_104 = tpu.memref_slice %arg2[%dma_start3A_102, %dma_start3A_103] : memref<10000x128xf32, #tpu.memory_space<hbm>> -> memref<10000x128xf32, #tpu.memory_space<hbm>>
        tpu.enqueue_indirect_dma source(%dma_start3A_104 : memref<10000x128xf32, #tpu.memory_space<hbm>>) target(%arg11 : memref<128x128xf32, #tpu.memory_space<vmem>>) offsets(%dma_start3A_101 : memref<128xi32, #tpu.memory_space<vmem>>) semaphore(%arg14 : memref<!tpu.dma_semaphore, #tpu.memory_space<semaphore_mem>>)
      } else {
      }
      %dma_wait3A_88 = arith.constant 0 : i32
      %dma_wait3A_89 = arith.constant 0 : i32
      %dma_wait3A_90 = tpu.memref_slice %arg9[%dma_wait3A_88, %dma_wait3A_89] : memref<40x128xi32, #tpu.memory_space<vmem>> -> memref<1x128xi32, #tpu.memory_space<vmem>>
      %dma_wait3A_91 = tpu.memref_squeeze %dma_wait3A_90 : memref<1x128xi32, #tpu.memory_space<vmem>> -> memref<128xi32, #tpu.memory_space<vmem>>
      %dma_wait3A_92 = arith.constant 0 : i32
      %dma_wait3A_93 = arith.constant 0 : i32
      %dma_wait3A_94 = tpu.memref_slice %arg2[%dma_wait3A_92, %dma_wait3A_93] : memref<10000x128xf32, #tpu.memory_space<hbm>> -> memref<10000x128xf32, #tpu.memory_space<hbm>>
      tpu.wait_indirect_dma semaphore(%arg15 : memref<!tpu.dma_semaphore, #tpu.memory_space<semaphore_mem>>) src(%dma_wait3A_94 : memref<10000x128xf32, #tpu.memory_space<hbm>>) dst(%arg12 : memref<128x128xf32, #tpu.memory_space<vmem>>)
      %add3A_95 = arith.constant 1 : i32
      %add3A_96 = arith.addi %mul3A_65, %add3A_95 : i32
      "tpu.region"() ({
        %run_scoped3A = tpu.sem_alloc : memref<!tpu.dma_semaphore, #tpu.memory_space<semaphore_mem>>
        %dma_start3A_97 = arith.constant 0 : i32
        %dma_start3A_98 = tpu.memref_slice %arg10[%add3A_96, %dma_start3A_97] : memref<40x128xi32, #tpu.memory_space<vmem>> -> memref<1x128xi32, #tpu.memory_space<vmem>>
        %dma_start3A_99 = tpu.memref_squeeze %dma_start3A_98 : memref<1x128xi32, #tpu.memory_space<vmem>> -> memref<128xi32, #tpu.memory_space<vmem>>
        %dma_start3A_100 = arith.constant 0 : i32
        %dma_start3A_101 = arith.constant 0 : i32
        %dma_start3A_102 = tpu.memref_slice %arg13[%dma_start3A_100, %dma_start3A_101] : memref<10000x128xf32, #tpu.memory_space<vmem_shared>> -> memref<10000x128xf32, #tpu.memory_space<vmem_shared>>
        tpu.enqueue_indirect_dma source(%arg12 : memref<128x128xf32, #tpu.memory_space<vmem>>) target(%dma_start3A_102 : memref<10000x128xf32, #tpu.memory_space<vmem_shared>>) offsets(%dma_start3A_99 : memref<128xi32, #tpu.memory_space<vmem>>) semaphore(%run_scoped3A : memref<!tpu.dma_semaphore, #tpu.memory_space<semaphore_mem>>) {add = true}
        %dma_wait3A_103 = arith.constant 0 : i32
        %dma_wait3A_104 = tpu.memref_slice %arg10[%add3A_96, %dma_wait3A_103] : memref<40x128xi32, #tpu.memory_space<vmem>> -> memref<1x128xi32, #tpu.memory_space<vmem>>
        %dma_wait3A_105 = tpu.memref_squeeze %dma_wait3A_104 : memref<1x128xi32, #tpu.memory_space<vmem>> -> memref<128xi32, #tpu.memory_space<vmem>>
        %dma_wait3A_106 = arith.constant 0 : i32
        %dma_wait3A_107 = arith.constant 0 : i32
        %dma_wait3A_108 = tpu.memref_slice %arg13[%dma_wait3A_106, %dma_wait3A_107] : memref<10000x128xf32, #tpu.memory_space<vmem_shared>> -> memref<10000x128xf32, #tpu.memory_space<vmem_shared>>
        tpu.wait_indirect_dma semaphore(%run_scoped3A : memref<!tpu.dma_semaphore, #tpu.memory_space<semaphore_mem>>) src(%arg12 : memref<128x128xf32, #tpu.memory_space<vmem>>) dst(%dma_wait3A_108 : memref<10000x128xf32, #tpu.memory_space<vmem_shared>>)
        tpu.yield
      }) : () -> ()
    }
    %scan3A_32 = arith.constant 20 : i32
    "tpu.region"() ({
      %run_scoped3A = tpu.sem_alloc : memref<!tpu.dma_semaphore, #tpu.memory_space<semaphore_mem>>
      %dma_start3A_59 = arith.constant 40 : i32
      %dma_start3A_60 = arith.constant 0 : i32
      %dma_start3A_61 = tpu.memref_slice %arg3[%add3A, %dma_start3A_59, %dma_start3A_60] : memref<32x80x128xi32, #tpu.memory_space<hbm>> -> memref<1x40x128xi32, #tpu.memory_space<hbm>>
      %dma_start3A_62 = tpu.memref_squeeze %dma_start3A_61 : memref<1x40x128xi32, #tpu.memory_space<hbm>> -> memref<40x128xi32, #tpu.memory_space<hbm>>
      %dma_start3A_63 = arith.constant 40 : i32
      %dma_start3A_64 = arith.constant 0 : i32
      %dma_start3A_65 = tpu.memref_slice %arg3[%add3A, %dma_start3A_63, %dma_start3A_64] : memref<32x80x128xi32, #tpu.memory_space<hbm>> -> memref<1x40x128xi32, #tpu.memory_space<hbm>>
      %dma_start3A_66 = tpu.memref_squeeze %dma_start3A_65 : memref<1x40x128xi32, #tpu.memory_space<hbm>> -> memref<40x128xi32, #tpu.memory_space<hbm>>
      tpu.enqueue_dma source(%dma_start3A_66 : memref<40x128xi32, #tpu.memory_space<hbm>>) target(%arg9 : memref<40x128xi32, #tpu.memory_space<vmem>>) target_semaphore(%run_scoped3A : memref<!tpu.dma_semaphore, #tpu.memory_space<semaphore_mem>>)
      %dma_wait3A_67 = arith.constant 40 : i32
      %dma_wait3A_68 = arith.constant 0 : i32
      %dma_wait3A_69 = tpu.memref_slice %arg3[%add3A, %dma_wait3A_67, %dma_wait3A_68] : memref<32x80x128xi32, #tpu.memory_space<hbm>> -> memref<1x40x128xi32, #tpu.memory_space<hbm>>
      %dma_wait3A_70 = tpu.memref_squeeze %dma_wait3A_69 : memref<1x40x128xi32, #tpu.memory_space<hbm>> -> memref<40x128xi32, #tpu.memory_space<hbm>>
      %dma_wait3A_71 = arith.constant 40 : i32
      %dma_wait3A_72 = arith.constant 0 : i32
      %dma_wait3A_73 = tpu.memref_slice %arg3[%add3A, %dma_wait3A_71, %dma_wait3A_72] : memref<32x80x128xi32, #tpu.memory_space<hbm>> -> memref<1x40x128xi32, #tpu.memory_space<hbm>>
      %dma_wait3A_74 = tpu.memref_squeeze %dma_wait3A_73 : memref<1x40x128xi32, #tpu.memory_space<hbm>> -> memref<40x128xi32, #tpu.memory_space<hbm>>
      tpu.wait_dma2 semaphore(%run_scoped3A : memref<!tpu.dma_semaphore, #tpu.memory_space<semaphore_mem>>) src(%dma_wait3A_74 : memref<40x128xi32, #tpu.memory_space<hbm>>) dst(%arg9 : memref<40x128xi32, #tpu.memory_space<vmem>>)
      tpu.yield
    }) : () -> ()
    "tpu.region"() ({
      %run_scoped3A = tpu.sem_alloc : memref<!tpu.dma_semaphore, #tpu.memory_space<semaphore_mem>>
      %dma_start3A_59 = arith.constant 40 : i32
      %dma_start3A_60 = arith.constant 0 : i32
      %dma_start3A_61 = tpu.memref_slice %arg4[%add3A, %dma_start3A_59, %dma_start3A_60] : memref<32x80x128xi32, #tpu.memory_space<hbm>> -> memref<1x40x128xi32, #tpu.memory_space<hbm>>
      %dma_start3A_62 = tpu.memref_squeeze %dma_start3A_61 : memref<1x40x128xi32, #tpu.memory_space<hbm>> -> memref<40x128xi32, #tpu.memory_space<hbm>>
      %dma_start3A_63 = arith.constant 40 : i32
      %dma_start3A_64 = arith.constant 0 : i32
      %dma_start3A_65 = tpu.memref_slice %arg4[%add3A, %dma_start3A_63, %dma_start3A_64] : memref<32x80x128xi32, #tpu.memory_space<hbm>> -> memref<1x40x128xi32, #tpu.memory_space<hbm>>
      %dma_start3A_66 = tpu.memref_squeeze %dma_start3A_65 : memref<1x40x128xi32, #tpu.memory_space<hbm>> -> memref<40x128xi32, #tpu.memory_space<hbm>>
      tpu.enqueue_dma source(%dma_start3A_66 : memref<40x128xi32, #tpu.memory_space<hbm>>) target(%arg10 : memref<40x128xi32, #tpu.memory_space<vmem>>) target_semaphore(%run_scoped3A : memref<!tpu.dma_semaphore, #tpu.memory_space<semaphore_mem>>)
      %dma_wait3A_67 = arith.constant 40 : i32
      %dma_wait3A_68 = arith.constant 0 : i32
      %dma_wait3A_69 = tpu.memref_slice %arg4[%add3A, %dma_wait3A_67, %dma_wait3A_68] : memref<32x80x128xi32, #tpu.memory_space<hbm>> -> memref<1x40x128xi32, #tpu.memory_space<hbm>>
      %dma_wait3A_70 = tpu.memref_squeeze %dma_wait3A_69 : memref<1x40x128xi32, #tpu.memory_space<hbm>> -> memref<40x128xi32, #tpu.memory_space<hbm>>
      %dma_wait3A_71 = arith.constant 40 : i32
      %dma_wait3A_72 = arith.constant 0 : i32
      %dma_wait3A_73 = tpu.memref_slice %arg4[%add3A, %dma_wait3A_71, %dma_wait3A_72] : memref<32x80x128xi32, #tpu.memory_space<hbm>> -> memref<1x40x128xi32, #tpu.memory_space<hbm>>
      %dma_wait3A_74 = tpu.memref_squeeze %dma_wait3A_73 : memref<1x40x128xi32, #tpu.memory_space<hbm>> -> memref<40x128xi32, #tpu.memory_space<hbm>>
      tpu.wait_dma2 semaphore(%run_scoped3A : memref<!tpu.dma_semaphore, #tpu.memory_space<semaphore_mem>>) src(%dma_wait3A_74 : memref<40x128xi32, #tpu.memory_space<hbm>>) dst(%arg10 : memref<40x128xi32, #tpu.memory_space<vmem>>)
      tpu.yield
    }) : () -> ()
    %dma_start3A_33 = arith.constant 0 : i32
    %dma_start3A_34 = arith.constant 0 : i32
    %dma_start3A_35 = tpu.memref_slice %arg9[%dma_start3A_33, %dma_start3A_34] : memref<40x128xi32, #tpu.memory_space<vmem>> -> memref<1x128xi32, #tpu.memory_space<vmem>>
    %dma_start3A_36 = tpu.memref_squeeze %dma_start3A_35 : memref<1x128xi32, #tpu.memory_space<vmem>> -> memref<128xi32, #tpu.memory_space<vmem>>
    %dma_start3A_37 = arith.constant 0 : i32
    %dma_start3A_38 = arith.constant 0 : i32
    %dma_start3A_39 = tpu.memref_slice %arg2[%dma_start3A_37, %dma_start3A_38] : memref<10000x128xf32, #tpu.memory_space<hbm>> -> memref<10000x128xf32, #tpu.memory_space<hbm>>
    tpu.enqueue_indirect_dma source(%dma_start3A_39 : memref<10000x128xf32, #tpu.memory_space<hbm>>) target(%arg11 : memref<128x128xf32, #tpu.memory_space<vmem>>) offsets(%dma_start3A_36 : memref<128xi32, #tpu.memory_space<vmem>>) semaphore(%arg14 : memref<!tpu.dma_semaphore, #tpu.memory_space<semaphore_mem>>)
    %scan3A_40 = arith.constant 0 : i32
    %scan3A_41 = arith.constant 19 : i32
    %scan3A_42 = arith.addi %scan3A_40, %scan3A_41 : i32
    %scan3A_43 = arith.constant 1 : i32
    scf.for %scan3A_59 = %scan3A_40 to %scan3A_42 step %scan3A_43  : i32 {
      %mul3A_60 = arith.constant 1 : i32
      %mul3A_61 = arith.muli %scan3A_59, %mul3A_60 : i32
      %add3A_62 = arith.constant 0 : i32
      %add3A_63 = arith.addi %add3A_62, %mul3A_61 : i32
      %mul3A_64 = arith.constant 2 : i32
      %mul3A_65 = arith.muli %mul3A_64, %add3A_63 : i32
      %add3A_66 = arith.constant 1 : i32
      %add3A_67 = arith.addi %mul3A_65, %add3A_66 : i32
      %dma_start3A_68 = arith.constant 0 : i32
      %dma_start3A_69 = tpu.memref_slice %arg9[%add3A_67, %dma_start3A_68] : memref<40x128xi32, #tpu.memory_space<vmem>> -> memref<1x128xi32, #tpu.memory_space<vmem>>
      %dma_start3A_70 = tpu.memref_squeeze %dma_start3A_69 : memref<1x128xi32, #tpu.memory_space<vmem>> -> memref<128xi32, #tpu.memory_space<vmem>>
      %dma_start3A_71 = arith.constant 0 : i32
      %dma_start3A_72 = arith.constant 0 : i32
      %dma_start3A_73 = tpu.memref_slice %arg2[%dma_start3A_71, %dma_start3A_72] : memref<10000x128xf32, #tpu.memory_space<hbm>> -> memref<10000x128xf32, #tpu.memory_space<hbm>>
      tpu.enqueue_indirect_dma source(%dma_start3A_73 : memref<10000x128xf32, #tpu.memory_space<hbm>>) target(%arg12 : memref<128x128xf32, #tpu.memory_space<vmem>>) offsets(%dma_start3A_70 : memref<128xi32, #tpu.memory_space<vmem>>) semaphore(%arg15 : memref<!tpu.dma_semaphore, #tpu.memory_space<semaphore_mem>>)
      %dma_wait3A_74 = arith.constant 0 : i32
      %dma_wait3A_75 = arith.constant 0 : i32
      %dma_wait3A_76 = tpu.memref_slice %arg9[%dma_wait3A_74, %dma_wait3A_75] : memref<40x128xi32, #tpu.memory_space<vmem>> -> memref<1x128xi32, #tpu.memory_space<vmem>>
      %dma_wait3A_77 = tpu.memref_squeeze %dma_wait3A_76 : memref<1x128xi32, #tpu.memory_space<vmem>> -> memref<128xi32, #tpu.memory_space<vmem>>
      %dma_wait3A_78 = arith.constant 0 : i32
      %dma_wait3A_79 = arith.constant 0 : i32
      %dma_wait3A_80 = tpu.memref_slice %arg2[%dma_wait3A_78, %dma_wait3A_79] : memref<10000x128xf32, #tpu.memory_space<hbm>> -> memref<10000x128xf32, #tpu.memory_space<hbm>>
      tpu.wait_indirect_dma semaphore(%arg14 : memref<!tpu.dma_semaphore, #tpu.memory_space<semaphore_mem>>) src(%dma_wait3A_80 : memref<10000x128xf32, #tpu.memory_space<hbm>>) dst(%arg11 : memref<128x128xf32, #tpu.memory_space<vmem>>)
      "tpu.region"() ({
        %run_scoped3A = tpu.sem_alloc : memref<!tpu.dma_semaphore, #tpu.memory_space<semaphore_mem>>
        %dma_start3A_97 = arith.constant 0 : i32
        %dma_start3A_98 = tpu.memref_slice %arg10[%mul3A_65, %dma_start3A_97] : memref<40x128xi32, #tpu.memory_space<vmem>> -> memref<1x128xi32, #tpu.memory_space<vmem>>
        %dma_start3A_99 = tpu.memref_squeeze %dma_start3A_98 : memref<1x128xi32, #tpu.memory_space<vmem>> -> memref<128xi32, #tpu.memory_space<vmem>>
        %dma_start3A_100 = arith.constant 0 : i32
        %dma_start3A_101 = arith.constant 0 : i32
        %dma_start3A_102 = tpu.memref_slice %arg13[%dma_start3A_100, %dma_start3A_101] : memref<10000x128xf32, #tpu.memory_space<vmem_shared>> -> memref<10000x128xf32, #tpu.memory_space<vmem_shared>>
        tpu.enqueue_indirect_dma source(%arg11 : memref<128x128xf32, #tpu.memory_space<vmem>>) target(%dma_start3A_102 : memref<10000x128xf32, #tpu.memory_space<vmem_shared>>) offsets(%dma_start3A_99 : memref<128xi32, #tpu.memory_space<vmem>>) semaphore(%run_scoped3A : memref<!tpu.dma_semaphore, #tpu.memory_space<semaphore_mem>>) {add = true}
        %dma_wait3A_103 = arith.constant 0 : i32
        %dma_wait3A_104 = tpu.memref_slice %arg10[%mul3A_65, %dma_wait3A_103] : memref<40x128xi32, #tpu.memory_space<vmem>> -> memref<1x128xi32, #tpu.memory_space<vmem>>
        %dma_wait3A_105 = tpu.memref_squeeze %dma_wait3A_104 : memref<1x128xi32, #tpu.memory_space<vmem>> -> memref<128xi32, #tpu.memory_space<vmem>>
        %dma_wait3A_106 = arith.constant 0 : i32
        %dma_wait3A_107 = arith.constant 0 : i32
        %dma_wait3A_108 = tpu.memref_slice %arg13[%dma_wait3A_106, %dma_wait3A_107] : memref<10000x128xf32, #tpu.memory_space<vmem_shared>> -> memref<10000x128xf32, #tpu.memory_space<vmem_shared>>
        tpu.wait_indirect_dma semaphore(%run_scoped3A : memref<!tpu.dma_semaphore, #tpu.memory_space<semaphore_mem>>) src(%arg11 : memref<128x128xf32, #tpu.memory_space<vmem>>) dst(%dma_wait3A_108 : memref<10000x128xf32, #tpu.memory_space<vmem_shared>>)
        tpu.yield
      }) : () -> ()
      %add3A_81 = arith.constant 1 : i32
      %add3A_82 = arith.addi %add3A_63, %add3A_81 : i32
      %lt3A_83 = arith.constant 19 : i32
      %lt3A_84 = arith.cmpi slt, %add3A_82, %lt3A_83 : i32
      %convert_element_type3A_85 = arith.extui %lt3A_84 : i1 to i32
      %cond3A_86 = arith.constant 0 : i32
      %cond3A_87 = arith.cmpi ne, %convert_element_type3A_85, %cond3A_86 : i32
      scf.if %cond3A_87 {
        %add3A_97 = arith.constant 2 : i32
        %add3A_98 = arith.addi %mul3A_65, %add3A_97 : i32
        %dma_start3A_99 = arith.constant 0 : i32
        %dma_start3A_100 = tpu.memref_slice %arg9[%add3A_98, %dma_start3A_99] : memref<40x128xi32, #tpu.memory_space<vmem>> -> memref<1x128xi32, #tpu.memory_space<vmem>>
        %dma_start3A_101 = tpu.memref_squeeze %dma_start3A_100 : memref<1x128xi32, #tpu.memory_space<vmem>> -> memref<128xi32, #tpu.memory_space<vmem>>
        %dma_start3A_102 = arith.constant 0 : i32
        %dma_start3A_103 = arith.constant 0 : i32
        %dma_start3A_104 = tpu.memref_slice %arg2[%dma_start3A_102, %dma_start3A_103] : memref<10000x128xf32, #tpu.memory_space<hbm>> -> memref<10000x128xf32, #tpu.memory_space<hbm>>
        tpu.enqueue_indirect_dma source(%dma_start3A_104 : memref<10000x128xf32, #tpu.memory_space<hbm>>) target(%arg11 : memref<128x128xf32, #tpu.memory_space<vmem>>) offsets(%dma_start3A_101 : memref<128xi32, #tpu.memory_space<vmem>>) semaphore(%arg14 : memref<!tpu.dma_semaphore, #tpu.memory_space<semaphore_mem>>)
      } else {
      }
      %dma_wait3A_88 = arith.constant 0 : i32
      %dma_wait3A_89 = arith.constant 0 : i32
      %dma_wait3A_90 = tpu.memref_slice %arg9[%dma_wait3A_88, %dma_wait3A_89] : memref<40x128xi32, #tpu.memory_space<vmem>> -> memref<1x128xi32, #tpu.memory_space<vmem>>
      %dma_wait3A_91 = tpu.memref_squeeze %dma_wait3A_90 : memref<1x128xi32, #tpu.memory_space<vmem>> -> memref<128xi32, #tpu.memory_space<vmem>>
      %dma_wait3A_92 = arith.constant 0 : i32
      %dma_wait3A_93 = arith.constant 0 : i32
      %dma_wait3A_94 = tpu.memref_slice %arg2[%dma_wait3A_92, %dma_wait3A_93] : memref<10000x128xf32, #tpu.memory_space<hbm>> -> memref<10000x128xf32, #tpu.memory_space<hbm>>
      tpu.wait_indirect_dma semaphore(%arg15 : memref<!tpu.dma_semaphore, #tpu.memory_space<semaphore_mem>>) src(%dma_wait3A_94 : memref<10000x128xf32, #tpu.memory_space<hbm>>) dst(%arg12 : memref<128x128xf32, #tpu.memory_space<vmem>>)
      %add3A_95 = arith.constant 1 : i32
      %add3A_96 = arith.addi %mul3A_65, %add3A_95 : i32
      "tpu.region"() ({
        %run_scoped3A = tpu.sem_alloc : memref<!tpu.dma_semaphore, #tpu.memory_space<semaphore_mem>>
        %dma_start3A_97 = arith.constant 0 : i32
        %dma_start3A_98 = tpu.memref_slice %arg10[%add3A_96, %dma_start3A_97] : memref<40x128xi32, #tpu.memory_space<vmem>> -> memref<1x128xi32, #tpu.memory_space<vmem>>
        %dma_start3A_99 = tpu.memref_squeeze %dma_start3A_98 : memref<1x128xi32, #tpu.memory_space<vmem>> -> memref<128xi32, #tpu.memory_space<vmem>>
        %dma_start3A_100 = arith.constant 0 : i32
        %dma_start3A_101 = arith.constant 0 : i32
        %dma_start3A_102 = tpu.memref_slice %arg13[%dma_start3A_100, %dma_start3A_101] : memref<10000x128xf32, #tpu.memory_space<vmem_shared>> -> memref<10000x128xf32, #tpu.memory_space<vmem_shared>>
        tpu.enqueue_indirect_dma source(%arg12 : memref<128x128xf32, #tpu.memory_space<vmem>>) target(%dma_start3A_102 : memref<10000x128xf32, #tpu.memory_space<vmem_shared>>) offsets(%dma_start3A_99 : memref<128xi32, #tpu.memory_space<vmem>>) semaphore(%run_scoped3A : memref<!tpu.dma_semaphore, #tpu.memory_space<semaphore_mem>>) {add = true}
        %dma_wait3A_103 = arith.constant 0 : i32
        %dma_wait3A_104 = tpu.memref_slice %arg10[%add3A_96, %dma_wait3A_103] : memref<40x128xi32, #tpu.memory_space<vmem>> -> memref<1x128xi32, #tpu.memory_space<vmem>>
        %dma_wait3A_105 = tpu.memref_squeeze %dma_wait3A_104 : memref<1x128xi32, #tpu.memory_space<vmem>> -> memref<128xi32, #tpu.memory_space<vmem>>
        %dma_wait3A_106 = arith.constant 0 : i32
        %dma_wait3A_107 = arith.constant 0 : i32
        %dma_wait3A_108 = tpu.memref_slice %arg13[%dma_wait3A_106, %dma_wait3A_107] : memref<10000x128xf32, #tpu.memory_space<vmem_shared>> -> memref<10000x128xf32, #tpu.memory_space<vmem_shared>>
        tpu.wait_indirect_dma semaphore(%run_scoped3A : memref<!tpu.dma_semaphore, #tpu.memory_space<semaphore_mem>>) src(%arg12 : memref<128x128xf32, #tpu.memory_space<vmem>>) dst(%dma_wait3A_108 : memref<10000x128xf32, #tpu.memory_space<vmem_shared>>)
        tpu.yield
      }) : () -> ()
    }
    %scan3A_44 = arith.constant 19 : i32
    %lt3A = arith.constant 4 : i32
    %lt3A_45 = arith.cmpi slt, %add3A, %lt3A : i32
    %convert_element_type3A_46 = arith.extui %lt3A_45 : i1 to i32
    %cond3A_47 = arith.constant 0 : i32
    %cond3A_48 = arith.cmpi ne, %convert_element_type3A_46, %cond3A_47 : i32
    scf.if %cond3A_48 {
      %run_scoped3A = arith.constant 0 : i32
      "tpu.region"() ({
        %run_scoped3A_75 = tpu.sem_alloc : memref<!tpu.dma_semaphore, #tpu.memory_space<semaphore_mem>>
        %dma_start3A_76 = arith.constant 0 : i32
        %dma_start3A_77 = tpu.memref_slice %arg9[%run_scoped3A, %dma_start3A_76] : memref<40x128xi32, #tpu.memory_space<vmem>> -> memref<1x128xi32, #tpu.memory_space<vmem>>
        %dma_start3A_78 = tpu.memref_squeeze %dma_start3A_77 : memref<1x128xi32, #tpu.memory_space<vmem>> -> memref<128xi32, #tpu.memory_space<vmem>>
        %dma_start3A_79 = arith.constant 0 : i32
        %dma_start3A_80 = tpu.memref_slice %arg5[%add3A, %dma_start3A_79] : memref<4x128xi32, #tpu.memory_space<hbm>> -> memref<1x128xi32, #tpu.memory_space<hbm>>
        %dma_start3A_81 = tpu.memref_squeeze %dma_start3A_80 : memref<1x128xi32, #tpu.memory_space<hbm>> -> memref<128xi32, #tpu.memory_space<hbm>>
        %dma_start3A_82 = arith.constant 0 : i32
        %dma_start3A_83 = tpu.memref_slice %arg9[%run_scoped3A, %dma_start3A_82] : memref<40x128xi32, #tpu.memory_space<vmem>> -> memref<1x128xi32, #tpu.memory_space<vmem>>
        %dma_start3A_84 = tpu.memref_squeeze %dma_start3A_83 : memref<1x128xi32, #tpu.memory_space<vmem>> -> memref<128xi32, #tpu.memory_space<vmem>>
        %dma_start3A_85 = arith.constant 0 : i32
        %dma_start3A_86 = tpu.memref_slice %arg5[%add3A, %dma_start3A_85] : memref<4x128xi32, #tpu.memory_space<hbm>> -> memref<1x128xi32, #tpu.memory_space<hbm>>
        %dma_start3A_87 = tpu.memref_squeeze %dma_start3A_86 : memref<1x128xi32, #tpu.memory_space<hbm>> -> memref<128xi32, #tpu.memory_space<hbm>>
        tpu.enqueue_dma source(%dma_start3A_87 : memref<128xi32, #tpu.memory_space<hbm>>) target(%dma_start3A_84 : memref<128xi32, #tpu.memory_space<vmem>>) target_semaphore(%run_scoped3A_75 : memref<!tpu.dma_semaphore, #tpu.memory_space<semaphore_mem>>)
        %dma_wait3A_88 = arith.constant 0 : i32
        %dma_wait3A_89 = tpu.memref_slice %arg9[%run_scoped3A, %dma_wait3A_88] : memref<40x128xi32, #tpu.memory_space<vmem>> -> memref<1x128xi32, #tpu.memory_space<vmem>>
        %dma_wait3A_90 = tpu.memref_squeeze %dma_wait3A_89 : memref<1x128xi32, #tpu.memory_space<vmem>> -> memref<128xi32, #tpu.memory_space<vmem>>
        %dma_wait3A_91 = arith.constant 0 : i32
        %dma_wait3A_92 = tpu.memref_slice %arg5[%add3A, %dma_wait3A_91] : memref<4x128xi32, #tpu.memory_space<hbm>> -> memref<1x128xi32, #tpu.memory_space<hbm>>
        %dma_wait3A_93 = tpu.memref_squeeze %dma_wait3A_92 : memref<1x128xi32, #tpu.memory_space<hbm>> -> memref<128xi32, #tpu.memory_space<hbm>>
        %dma_wait3A_94 = arith.constant 0 : i32
        %dma_wait3A_95 = tpu.memref_slice %arg9[%run_scoped3A, %dma_wait3A_94] : memref<40x128xi32, #tpu.memory_space<vmem>> -> memref<1x128xi32, #tpu.memory_space<vmem>>
        %dma_wait3A_96 = tpu.memref_squeeze %dma_wait3A_95 : memref<1x128xi32, #tpu.memory_space<vmem>> -> memref<128xi32, #tpu.memory_space<vmem>>
        %dma_wait3A_97 = arith.constant 0 : i32
        %dma_wait3A_98 = tpu.memref_slice %arg5[%add3A, %dma_wait3A_97] : memref<4x128xi32, #tpu.memory_space<hbm>> -> memref<1x128xi32, #tpu.memory_space<hbm>>
        %dma_wait3A_99 = tpu.memref_squeeze %dma_wait3A_98 : memref<1x128xi32, #tpu.memory_space<hbm>> -> memref<128xi32, #tpu.memory_space<hbm>>
        tpu.wait_dma2 semaphore(%run_scoped3A_75 : memref<!tpu.dma_semaphore, #tpu.memory_space<semaphore_mem>>) src(%dma_wait3A_99 : memref<128xi32, #tpu.memory_space<hbm>>) dst(%dma_wait3A_96 : memref<128xi32, #tpu.memory_space<vmem>>)
        tpu.yield
      }) : () -> ()
      %run_scoped3A_59 = arith.constant 0 : i32
      "tpu.region"() ({
        %run_scoped3A_75 = tpu.sem_alloc : memref<!tpu.dma_semaphore, #tpu.memory_space<semaphore_mem>>
        %dma_start3A_76 = arith.constant 0 : i32
        %dma_start3A_77 = tpu.memref_slice %arg10[%run_scoped3A_59, %dma_start3A_76] : memref<40x128xi32, #tpu.memory_space<vmem>> -> memref<1x128xi32, #tpu.memory_space<vmem>>
        %dma_start3A_78 = tpu.memref_squeeze %dma_start3A_77 : memref<1x128xi32, #tpu.memory_space<vmem>> -> memref<128xi32, #tpu.memory_space<vmem>>
        %dma_start3A_79 = arith.constant 0 : i32
        %dma_start3A_80 = tpu.memref_slice %arg6[%add3A, %dma_start3A_79] : memref<4x128xi32, #tpu.memory_space<hbm>> -> memref<1x128xi32, #tpu.memory_space<hbm>>
        %dma_start3A_81 = tpu.memref_squeeze %dma_start3A_80 : memref<1x128xi32, #tpu.memory_space<hbm>> -> memref<128xi32, #tpu.memory_space<hbm>>
        %dma_start3A_82 = arith.constant 0 : i32
        %dma_start3A_83 = tpu.memref_slice %arg10[%run_scoped3A_59, %dma_start3A_82] : memref<40x128xi32, #tpu.memory_space<vmem>> -> memref<1x128xi32, #tpu.memory_space<vmem>>
        %dma_start3A_84 = tpu.memref_squeeze %dma_start3A_83 : memref<1x128xi32, #tpu.memory_space<vmem>> -> memref<128xi32, #tpu.memory_space<vmem>>
        %dma_start3A_85 = arith.constant 0 : i32
        %dma_start3A_86 = tpu.memref_slice %arg6[%add3A, %dma_start3A_85] : memref<4x128xi32, #tpu.memory_space<hbm>> -> memref<1x128xi32, #tpu.memory_space<hbm>>
        %dma_start3A_87 = tpu.memref_squeeze %dma_start3A_86 : memref<1x128xi32, #tpu.memory_space<hbm>> -> memref<128xi32, #tpu.memory_space<hbm>>
        tpu.enqueue_dma source(%dma_start3A_87 : memref<128xi32, #tpu.memory_space<hbm>>) target(%dma_start3A_84 : memref<128xi32, #tpu.memory_space<vmem>>) target_semaphore(%run_scoped3A_75 : memref<!tpu.dma_semaphore, #tpu.memory_space<semaphore_mem>>)
        %dma_wait3A_88 = arith.constant 0 : i32
        %dma_wait3A_89 = tpu.memref_slice %arg10[%run_scoped3A_59, %dma_wait3A_88] : memref<40x128xi32, #tpu.memory_space<vmem>> -> memref<1x128xi32, #tpu.memory_space<vmem>>
        %dma_wait3A_90 = tpu.memref_squeeze %dma_wait3A_89 : memref<1x128xi32, #tpu.memory_space<vmem>> -> memref<128xi32, #tpu.memory_space<vmem>>
        %dma_wait3A_91 = arith.constant 0 : i32
        %dma_wait3A_92 = tpu.memref_slice %arg6[%add3A, %dma_wait3A_91] : memref<4x128xi32, #tpu.memory_space<hbm>> -> memref<1x128xi32, #tpu.memory_space<hbm>>
        %dma_wait3A_93 = tpu.memref_squeeze %dma_wait3A_92 : memref<1x128xi32, #tpu.memory_space<hbm>> -> memref<128xi32, #tpu.memory_space<hbm>>
        %dma_wait3A_94 = arith.constant 0 : i32
        %dma_wait3A_95 = tpu.memref_slice %arg10[%run_scoped3A_59, %dma_wait3A_94] : memref<40x128xi32, #tpu.memory_space<vmem>> -> memref<1x128xi32, #tpu.memory_space<vmem>>
        %dma_wait3A_96 = tpu.memref_squeeze %dma_wait3A_95 : memref<1x128xi32, #tpu.memory_space<vmem>> -> memref<128xi32, #tpu.memory_space<vmem>>
        %dma_wait3A_97 = arith.constant 0 : i32
        %dma_wait3A_98 = tpu.memref_slice %arg6[%add3A, %dma_wait3A_97] : memref<4x128xi32, #tpu.memory_space<hbm>> -> memref<1x128xi32, #tpu.memory_space<hbm>>
        %dma_wait3A_99 = tpu.memref_squeeze %dma_wait3A_98 : memref<1x128xi32, #tpu.memory_space<hbm>> -> memref<128xi32, #tpu.memory_space<hbm>>
        tpu.wait_dma2 semaphore(%run_scoped3A_75 : memref<!tpu.dma_semaphore, #tpu.memory_space<semaphore_mem>>) src(%dma_wait3A_99 : memref<128xi32, #tpu.memory_space<hbm>>) dst(%dma_wait3A_96 : memref<128xi32, #tpu.memory_space<vmem>>)
        tpu.yield
      }) : () -> ()
      %dma_start3A_60 = arith.constant 0 : i32
      %dma_start3A_61 = arith.constant 0 : i32
      %dma_start3A_62 = tpu.memref_slice %arg9[%dma_start3A_60, %dma_start3A_61] : memref<40x128xi32, #tpu.memory_space<vmem>> -> memref<1x128xi32, #tpu.memory_space<vmem>>
      %dma_start3A_63 = tpu.memref_squeeze %dma_start3A_62 : memref<1x128xi32, #tpu.memory_space<vmem>> -> memref<128xi32, #tpu.memory_space<vmem>>
      %dma_start3A_64 = arith.constant 0 : i32
      %dma_start3A_65 = arith.constant 0 : i32
      %dma_start3A_66 = tpu.memref_slice %arg2[%dma_start3A_64, %dma_start3A_65] : memref<10000x128xf32, #tpu.memory_space<hbm>> -> memref<10000x128xf32, #tpu.memory_space<hbm>>
      tpu.enqueue_indirect_dma source(%dma_start3A_66 : memref<10000x128xf32, #tpu.memory_space<hbm>>) target(%arg11 : memref<128x128xf32, #tpu.memory_space<vmem>>) offsets(%dma_start3A_63 : memref<128xi32, #tpu.memory_space<vmem>>) semaphore(%arg14 : memref<!tpu.dma_semaphore, #tpu.memory_space<semaphore_mem>>)
      %dma_wait3A_67 = arith.constant 0 : i32
      %dma_wait3A_68 = arith.constant 0 : i32
      %dma_wait3A_69 = tpu.memref_slice %arg9[%dma_wait3A_67, %dma_wait3A_68] : memref<40x128xi32, #tpu.memory_space<vmem>> -> memref<1x128xi32, #tpu.memory_space<vmem>>
      %dma_wait3A_70 = tpu.memref_squeeze %dma_wait3A_69 : memref<1x128xi32, #tpu.memory_space<vmem>> -> memref<128xi32, #tpu.memory_space<vmem>>
      %dma_wait3A_71 = arith.constant 0 : i32
      %dma_wait3A_72 = arith.constant 0 : i32
      %dma_wait3A_73 = tpu.memref_slice %arg2[%dma_wait3A_71, %dma_wait3A_72] : memref<10000x128xf32, #tpu.memory_space<hbm>> -> memref<10000x128xf32, #tpu.memory_space<hbm>>
      tpu.wait_indirect_dma semaphore(%arg14 : memref<!tpu.dma_semaphore, #tpu.memory_space<semaphore_mem>>) src(%dma_wait3A_73 : memref<10000x128xf32, #tpu.memory_space<hbm>>) dst(%arg11 : memref<128x128xf32, #tpu.memory_space<vmem>>)
      %run_scoped3A_74 = arith.constant 0 : i32
      "tpu.region"() ({
        %run_scoped3A_75 = tpu.sem_alloc : memref<!tpu.dma_semaphore, #tpu.memory_space<semaphore_mem>>
        %dma_start3A_76 = arith.constant 0 : i32
        %dma_start3A_77 = tpu.memref_slice %arg10[%run_scoped3A_74, %dma_start3A_76] : memref<40x128xi32, #tpu.memory_space<vmem>> -> memref<1x128xi32, #tpu.memory_space<vmem>>
        %dma_start3A_78 = tpu.memref_squeeze %dma_start3A_77 : memref<1x128xi32, #tpu.memory_space<vmem>> -> memref<128xi32, #tpu.memory_space<vmem>>
        %dma_start3A_79 = arith.constant 0 : i32
        %dma_start3A_80 = arith.constant 0 : i32
        %dma_start3A_81 = tpu.memref_slice %arg13[%dma_start3A_79, %dma_start3A_80] : memref<10000x128xf32, #tpu.memory_space<vmem_shared>> -> memref<10000x128xf32, #tpu.memory_space<vmem_shared>>
        tpu.enqueue_indirect_dma source(%arg11 : memref<128x128xf32, #tpu.memory_space<vmem>>) target(%dma_start3A_81 : memref<10000x128xf32, #tpu.memory_space<vmem_shared>>) offsets(%dma_start3A_78 : memref<128xi32, #tpu.memory_space<vmem>>) semaphore(%run_scoped3A_75 : memref<!tpu.dma_semaphore, #tpu.memory_space<semaphore_mem>>) {add = true}
        %dma_wait3A_82 = arith.constant 0 : i32
        %dma_wait3A_83 = tpu.memref_slice %arg10[%run_scoped3A_74, %dma_wait3A_82] : memref<40x128xi32, #tpu.memory_space<vmem>> -> memref<1x128xi32, #tpu.memory_space<vmem>>
        %dma_wait3A_84 = tpu.memref_squeeze %dma_wait3A_83 : memref<1x128xi32, #tpu.memory_space<vmem>> -> memref<128xi32, #tpu.memory_space<vmem>>
        %dma_wait3A_85 = arith.constant 0 : i32
        %dma_wait3A_86 = arith.constant 0 : i32
        %dma_wait3A_87 = tpu.memref_slice %arg13[%dma_wait3A_85, %dma_wait3A_86] : memref<10000x128xf32, #tpu.memory_space<vmem_shared>> -> memref<10000x128xf32, #tpu.memory_space<vmem_shared>>
        tpu.wait_indirect_dma semaphore(%run_scoped3A_75 : memref<!tpu.dma_semaphore, #tpu.memory_space<semaphore_mem>>) src(%arg11 : memref<128x128xf32, #tpu.memory_space<vmem>>) dst(%dma_wait3A_87 : memref<10000x128xf32, #tpu.memory_space<vmem_shared>>)
        tpu.yield
      }) : () -> ()
    } else {
    }
    %barrier3A_49 = arith.constant 0 : index
    tpu.barrier barrier_id(%barrier3A_49)
    %mul3A_50 = arith.constant 624 : i32
    %mul3A_51 = arith.muli %arg1, %mul3A_50 : i32
    %mul3A_52 = arith.constant 624 : i32
    %mul3A_53 = arith.muli %arg1, %mul3A_52 : i32
    "tpu.region"() ({
      %run_scoped3A = tpu.sem_alloc : memref<!tpu.dma_semaphore, #tpu.memory_space<semaphore_mem>>
      %dma_start3A_59 = arith.constant 0 : i32
      %dma_start3A_60 = tpu.memref_slice %arg8[%arg0, %mul3A_53, %dma_start3A_59] : memref<2x10000x128xf32, #tpu.memory_space<hbm>> -> memref<1x624x128xf32, #tpu.memory_space<hbm>>
      %dma_start3A_61 = tpu.memref_squeeze %dma_start3A_60 : memref<1x624x128xf32, #tpu.memory_space<hbm>> -> memref<624x128xf32, #tpu.memory_space<hbm>>
      %dma_start3A_62 = arith.constant 0 : i32
      %dma_start3A_63 = tpu.memref_slice %arg13[%mul3A_51, %dma_start3A_62] : memref<10000x128xf32, #tpu.memory_space<vmem_shared>> -> memref<624x128xf32, #tpu.memory_space<vmem_shared>>
      tpu.enqueue_dma source(%dma_start3A_63 : memref<624x128xf32, #tpu.memory_space<vmem_shared>>) target(%dma_start3A_61 : memref<624x128xf32, #tpu.memory_space<hbm>>) target_semaphore(%run_scoped3A : memref<!tpu.dma_semaphore, #tpu.memory_space<semaphore_mem>>)
      %dma_wait3A_64 = arith.constant 0 : i32
      %dma_wait3A_65 = tpu.memref_slice %arg8[%arg0, %mul3A_53, %dma_wait3A_64] : memref<2x10000x128xf32, #tpu.memory_space<hbm>> -> memref<1x624x128xf32, #tpu.memory_space<hbm>>
      %dma_wait3A_66 = tpu.memref_squeeze %dma_wait3A_65 : memref<1x624x128xf32, #tpu.memory_space<hbm>> -> memref<624x128xf32, #tpu.memory_space<hbm>>
      %dma_wait3A_67 = arith.constant 0 : i32
      %dma_wait3A_68 = tpu.memref_slice %arg13[%mul3A_51, %dma_wait3A_67] : memref<10000x128xf32, #tpu.memory_space<vmem_shared>> -> memref<624x128xf32, #tpu.memory_space<vmem_shared>>
      tpu.wait_dma2 semaphore(%run_scoped3A : memref<!tpu.dma_semaphore, #tpu.memory_space<semaphore_mem>>) src(%dma_wait3A_68 : memref<624x128xf32, #tpu.memory_space<vmem_shared>>) dst(%dma_wait3A_66 : memref<624x128xf32, #tpu.memory_space<hbm>>)
      tpu.yield
    }) : () -> ()
    %eq3A_54 = arith.constant 15 : i32
    %eq3A_55 = arith.cmpi eq, %arg1, %eq3A_54 : i32
    %convert_element_type3A_56 = arith.extui %eq3A_55 : i1 to i32
    %cond3A_57 = arith.constant 0 : i32
    %cond3A_58 = arith.cmpi ne, %convert_element_type3A_56, %cond3A_57 : i32
    scf.if %cond3A_58 {
      "tpu.region"() ({
        %run_scoped3A = tpu.sem_alloc : memref<!tpu.dma_semaphore, #tpu.memory_space<semaphore_mem>>
        %dma_start3A_59 = arith.constant 9984 : i32
        %dma_start3A_60 = arith.constant 0 : i32
        %dma_start3A_61 = tpu.memref_slice %arg8[%arg0, %dma_start3A_59, %dma_start3A_60] : memref<2x10000x128xf32, #tpu.memory_space<hbm>> -> memref<1x16x128xf32, #tpu.memory_space<hbm>>
        %dma_start3A_62 = tpu.memref_squeeze %dma_start3A_61 : memref<1x16x128xf32, #tpu.memory_space<hbm>> -> memref<16x128xf32, #tpu.memory_space<hbm>>
        %dma_start3A_63 = arith.constant 9984 : i32
        %dma_start3A_64 = arith.constant 0 : i32
        %dma_start3A_65 = tpu.memref_slice %arg13[%dma_start3A_63, %dma_start3A_64] : memref<10000x128xf32, #tpu.memory_space<vmem_shared>> -> memref<16x128xf32, #tpu.memory_space<vmem_shared>>
        tpu.enqueue_dma source(%dma_start3A_65 : memref<16x128xf32, #tpu.memory_space<vmem_shared>>) target(%dma_start3A_62 : memref<16x128xf32, #tpu.memory_space<hbm>>) target_semaphore(%run_scoped3A : memref<!tpu.dma_semaphore, #tpu.memory_space<semaphore_mem>>)
        %dma_wait3A_66 = arith.constant 9984 : i32
        %dma_wait3A_67 = arith.constant 0 : i32
        %dma_wait3A_68 = tpu.memref_slice %arg8[%arg0, %dma_wait3A_66, %dma_wait3A_67] : memref<2x10000x128xf32, #tpu.memory_space<hbm>> -> memref<1x16x128xf32, #tpu.memory_space<hbm>>
        %dma_wait3A_69 = tpu.memref_squeeze %dma_wait3A_68 : memref<1x16x128xf32, #tpu.memory_space<hbm>> -> memref<16x128xf32, #tpu.memory_space<hbm>>
        %dma_wait3A_70 = arith.constant 9984 : i32
        %dma_wait3A_71 = arith.constant 0 : i32
        %dma_wait3A_72 = tpu.memref_slice %arg13[%dma_wait3A_70, %dma_wait3A_71] : memref<10000x128xf32, #tpu.memory_space<vmem_shared>> -> memref<16x128xf32, #tpu.memory_space<vmem_shared>>
        tpu.wait_dma2 semaphore(%run_scoped3A : memref<!tpu.dma_semaphore, #tpu.memory_space<semaphore_mem>>) src(%dma_wait3A_72 : memref<16x128xf32, #tpu.memory_space<vmem_shared>>) dst(%dma_wait3A_69 : memref<16x128xf32, #tpu.memory_space<hbm>>)
        tpu.yield
      }) : () -> ()
    } else {
    }
    return
  }
}

module attributes {stable_mosaic.version = 14 : i64} {
  func.func @_pre_body(%arg0: i32, %arg1: memref<2000x128xf32, #tpu.memory_space<vmem>>, %arg2: memref<128x128xf32, #tpu.memory_space<vmem>>, %arg3: memref<1x128xf32, #tpu.memory_space<vmem>>, %arg4: memref<128x128xf32, #tpu.memory_space<vmem>>, %arg5: memref<2000x128xf32, #tpu.memory_space<vmem>>, %arg6: memref<2000x128xf32, #tpu.memory_space<vmem>>) attributes {dimension_semantics = [#tpu.dimension_semantics<arbitrary>], iteration_bounds = array<i64: 5>, scalar_prefetch = 0 : i64, scratch_operands = 0 : i64, tpu.core_type = #tpu.core_type<tc>, window_params = [{transform_indices = @transform_0, window_bounds = array<i64: 2000, 128>}, {pipeline_mode = #tpu.pipeline_mode<synchronous>, transform_indices = @transform_1, window_bounds = array<i64: 128, 128>}, {pipeline_mode = #tpu.pipeline_mode<synchronous>, transform_indices = @transform_2, window_bounds = array<i64: 1, 128>}, {pipeline_mode = #tpu.pipeline_mode<synchronous>, transform_indices = @transform_3, window_bounds = array<i64: 128, 128>}, {transform_indices = @transform_4, window_bounds = array<i64: 2000, 128>}, {transform_indices = @transform_5, window_bounds = array<i64: 2000, 128>}]} {
    %get3A = arith.constant 0 : index
    %get3A_0 = arith.constant 0 : index
    %get3A_1 = vector.load %arg1[%get3A, %get3A_0] : memref<2000x128xf32, #tpu.memory_space<vmem>>, vector<2000x128xf32>
    %get3A_2 = arith.constant 0 : index
    %get3A_3 = arith.constant 0 : index
    %get3A_4 = vector.load %arg2[%get3A_2, %get3A_3] : memref<128x128xf32, #tpu.memory_space<vmem>>, vector<128x128xf32>
    %dot_general3A = arith.constant dense<0.000000e+00> : vector<2000x128xf32>
    %dot_general3A_5 = tpu.matmul %get3A_1, %get3A_4, %dot_general3A {dimension_numbers = #tpu.dot_dimension_numbers<[1], [1], [0], [0], [0, 0, 1, 0], [], []>, transpose_lhs_hint = false} : vector<2000x128xf32>, vector<128x128xf32>, vector<2000x128xf32> -> vector<2000x128xf32>
    %get3A_6 = arith.constant 0 : index
    %get3A_7 = arith.constant 0 : index
    %get3A_8 = vector.load %arg3[%get3A_6, %get3A_7] : memref<1x128xf32, #tpu.memory_space<vmem>>, vector<1x128xf32>
    %add3A = vector.broadcast %get3A_8 : vector<1x128xf32> to vector<2000x128xf32>
    %add3A_9 = arith.addf %dot_general3A_5, %add3A : vector<2000x128xf32>
    %swap3A = arith.constant 0 : index
    %swap3A_10 = arith.constant 0 : index
    %swap3A_11 = vector.load %arg5[%swap3A, %swap3A_10] : memref<2000x128xf32, #tpu.memory_space<vmem>>, vector<2000x128xf32>
    tpu.vector_store %arg5[%swap3A, %swap3A_10], %add3A_9 {strides = array<i32>} : memref<2000x128xf32, #tpu.memory_space<vmem>>, vector<2000x128xf32>,
    %get3A_12 = arith.constant 0 : index
    %get3A_13 = arith.constant 0 : index
    %get3A_14 = vector.load %arg4[%get3A_12, %get3A_13] : memref<128x128xf32, #tpu.memory_space<vmem>>, vector<128x128xf32>
    %dot_general3A_15 = arith.constant dense<0.000000e+00> : vector<2000x128xf32>
    %dot_general3A_16 = tpu.matmul %add3A_9, %get3A_14, %dot_general3A_15 {dimension_numbers = #tpu.dot_dimension_numbers<[1], [0], [0], [1], [0, 0, 1, 1], [], []>, transpose_lhs_hint = false} : vector<2000x128xf32>, vector<128x128xf32>, vector<2000x128xf32> -> vector<2000x128xf32>
    %swap3A_17 = arith.constant 0 : index
    %swap3A_18 = arith.constant 0 : index
    %swap3A_19 = vector.load %arg6[%swap3A_17, %swap3A_18] : memref<2000x128xf32, #tpu.memory_space<vmem>>, vector<2000x128xf32>
    tpu.vector_store %arg6[%swap3A_17, %swap3A_18], %dot_general3A_16 {strides = array<i32>} : memref<2000x128xf32, #tpu.memory_space<vmem>>, vector<2000x128xf32>,
    return
  }
  func.func @transform_0(%arg0: i32) -> (i32, i32) {
    %c0_i32 = arith.constant 0 : i32
    %c0_i32_0 = arith.constant 0 : i32
    return %arg0, %c0_i32 : i32, i32
  }
  func.func @transform_1(%arg0: i32) -> (i32, i32) {
    %c0_i32 = arith.constant 0 : i32
    %c0_i32_0 = arith.constant 0 : i32
    %c0_i32_1 = arith.constant 0 : i32
    return %c0_i32, %c0_i32_0 : i32, i32
  }
  func.func @transform_2(%arg0: i32) -> (i32, i32) {
    %c0_i32 = arith.constant 0 : i32
    %c0_i32_0 = arith.constant 0 : i32
    %c0_i32_1 = arith.constant 0 : i32
    return %c0_i32, %c0_i32_0 : i32, i32
  }
  func.func @transform_3(%arg0: i32) -> (i32, i32) {
    %c0_i32 = arith.constant 0 : i32
    %c0_i32_0 = arith.constant 0 : i32
    %c0_i32_1 = arith.constant 0 : i32
    return %c0_i32, %c0_i32_0 : i32, i32
  }
  func.func @transform_4(%arg0: i32) -> (i32, i32) {
    %c0_i32 = arith.constant 0 : i32
    %c0_i32_0 = arith.constant 0 : i32
    return %arg0, %c0_i32 : i32, i32
  }
  func.func @transform_5(%arg0: i32) -> (i32, i32) {
    %c0_i32 = arith.constant 0 : i32
    %c0_i32_0 = arith.constant 0 : i32
    return %arg0, %c0_i32 : i32, i32
  }
}

module attributes {stable_mosaic.version = 14 : i64} {
  func.func @_mid_body(%arg0: i32, %arg1: memref<2x2000x128xf32, #tpu.memory_space<vmem>>, %arg2: memref<2000x128xf32, #tpu.memory_space<vmem>>, %arg3: memref<384x128xf32, #tpu.memory_space<vmem>>, %arg4: memref<1x384xf32, #tpu.memory_space<vmem>>, %arg5: memref<384x128xf32, #tpu.memory_space<vmem>>, %arg6: memref<1x384xf32, #tpu.memory_space<vmem>>, %arg7: memref<128x128xf32, #tpu.memory_space<vmem>>, %arg8: memref<2000x128xf32, #tpu.memory_space<vmem>>, %arg9: memref<2000x128xf32, #tpu.memory_space<vmem>>) attributes {dimension_semantics = [#tpu.dimension_semantics<arbitrary>], iteration_bounds = array<i64: 5>, scalar_prefetch = 0 : i64, scratch_operands = 0 : i64, tpu.core_type = #tpu.core_type<tc>, window_params = [{transform_indices = @transform_0, window_bounds = array<i64: 2, 2000, 128>}, {transform_indices = @transform_1, window_bounds = array<i64: 2000, 128>}, {pipeline_mode = #tpu.pipeline_mode<synchronous>, transform_indices = @transform_2, window_bounds = array<i64: 384, 128>}, {pipeline_mode = #tpu.pipeline_mode<synchronous>, transform_indices = @transform_3, window_bounds = array<i64: 1, 384>}, {pipeline_mode = #tpu.pipeline_mode<synchronous>, transform_indices = @transform_4, window_bounds = array<i64: 384, 128>}, {pipeline_mode = #tpu.pipeline_mode<synchronous>, transform_indices = @transform_5, window_bounds = array<i64: 1, 384>}, {pipeline_mode = #tpu.pipeline_mode<synchronous>, transform_indices = @transform_6, window_bounds = array<i64: 128, 128>}, {transform_indices = @transform_7, window_bounds = array<i64: 2000, 128>}, {transform_indices = @transform_8, window_bounds = array<i64: 2000, 128>}]} {
    %get3A = arith.constant 0 : index
    %get3A_0 = arith.constant 0 : index
    %get3A_1 = vector.load %arg2[%get3A, %get3A_0] : memref<2000x128xf32, #tpu.memory_space<vmem>>, vector<2000x128xf32>
    %get3A_2 = arith.constant 0 : index
    %get3A_3 = arith.constant 0 : index
    %get3A_4 = arith.constant 0 : index
    %get3A_5 = vector.load %arg1[%get3A_2, %get3A_3, %get3A_4] : memref<2x2000x128xf32, #tpu.memory_space<vmem>>, vector<1x2000x128xf32>
    %get3A_6 = vector.shape_cast %get3A_5 : vector<1x2000x128xf32> to vector<2000x128xf32>
    %get3A_7 = arith.constant 1 : index
    %get3A_8 = arith.constant 0 : index
    %get3A_9 = arith.constant 0 : index
    %get3A_10 = vector.load %arg1[%get3A_7, %get3A_8, %get3A_9] : memref<2x2000x128xf32, #tpu.memory_space<vmem>>, vector<1x2000x128xf32>
    %get3A_11 = vector.shape_cast %get3A_10 : vector<1x2000x128xf32> to vector<2000x128xf32>
    %add3A = arith.addf %get3A_6, %get3A_11 : vector<2000x128xf32>
    %get3A_12 = arith.constant 0 : index
    %get3A_13 = arith.constant 0 : index
    %get3A_14 = vector.load %arg3[%get3A_12, %get3A_13] : memref<384x128xf32, #tpu.memory_space<vmem>>, vector<384x128xf32>
    %dot_general3A = arith.constant dense<0.000000e+00> : vector<2000x384xf32>
    %dot_general3A_15 = tpu.matmul %add3A, %get3A_14, %dot_general3A {dimension_numbers = #tpu.dot_dimension_numbers<[1], [1], [0], [0], [0, 0, 1, 0], [], []>, transpose_lhs_hint = false} : vector<2000x128xf32>, vector<384x128xf32>, vector<2000x384xf32> -> vector<2000x384xf32>
    %get3A_16 = arith.constant 0 : index
    %get3A_17 = arith.constant 0 : index
    %get3A_18 = vector.load %arg4[%get3A_16, %get3A_17] : memref<1x384xf32, #tpu.memory_space<vmem>>, vector<1x384xf32>
    %add3A_19 = vector.broadcast %get3A_18 : vector<1x384xf32> to vector<2000x384xf32>
    %add3A_20 = arith.addf %dot_general3A_15, %add3A_19 : vector<2000x384xf32>
    %get3A_21 = arith.constant 0 : index
    %get3A_22 = arith.constant 0 : index
    %get3A_23 = vector.load %arg5[%get3A_21, %get3A_22] : memref<384x128xf32, #tpu.memory_space<vmem>>, vector<384x128xf32>
    %dot_general3A_24 = arith.constant dense<0.000000e+00> : vector<2000x384xf32>
    %dot_general3A_25 = tpu.matmul %get3A_1, %get3A_23, %dot_general3A_24 {dimension_numbers = #tpu.dot_dimension_numbers<[1], [1], [0], [0], [0, 0, 1, 0], [], []>, transpose_lhs_hint = false} : vector<2000x128xf32>, vector<384x128xf32>, vector<2000x384xf32> -> vector<2000x384xf32>
    %get3A_26 = arith.constant 0 : index
    %get3A_27 = arith.constant 0 : index
    %get3A_28 = vector.load %arg6[%get3A_26, %get3A_27] : memref<1x384xf32, #tpu.memory_space<vmem>>, vector<1x384xf32>
    %add3A_29 = vector.broadcast %get3A_28 : vector<1x384xf32> to vector<2000x384xf32>
    %add3A_30 = arith.addf %dot_general3A_25, %add3A_29 : vector<2000x384xf32>
    %slice3A = vector.extract_strided_slice %add3A_20 {offsets = [0, 0], sizes = [2000, 128], strides = [1, 1]} : vector<2000x384xf32> to vector<2000x128xf32>
    %slice3A_31 = vector.extract_strided_slice %add3A_30 {offsets = [0, 0], sizes = [2000, 128], strides = [1, 1]} : vector<2000x384xf32> to vector<2000x128xf32>
    %add3A_32 = arith.addf %slice3A, %slice3A_31 : vector<2000x128xf32>
    %logistic3A = arith.negf %add3A_32 : vector<2000x128xf32>
    %logistic3A_33 = math.exp %logistic3A : vector<2000x128xf32>
    %logistic3A_34 = arith.constant 1.000000e+00 : f32
    %logistic3A_35 = vector.broadcast %logistic3A_34 : f32 to vector<2000x128xf32>
    %logistic3A_36 = arith.addf %logistic3A_35, %logistic3A_33 : vector<2000x128xf32>
    %logistic3A_37 = arith.divf %logistic3A_35, %logistic3A_36 : vector<2000x128xf32>
    %slice3A_38 = vector.extract_strided_slice %add3A_20 {offsets = [0, 128], sizes = [2000, 128], strides = [1, 1]} : vector<2000x384xf32> to vector<2000x128xf32>
    %slice3A_39 = vector.extract_strided_slice %add3A_30 {offsets = [0, 128], sizes = [2000, 128], strides = [1, 1]} : vector<2000x384xf32> to vector<2000x128xf32>
    %add3A_40 = arith.addf %slice3A_38, %slice3A_39 : vector<2000x128xf32>
    %logistic3A_41 = arith.negf %add3A_40 : vector<2000x128xf32>
    %logistic3A_42 = math.exp %logistic3A_41 : vector<2000x128xf32>
    %logistic3A_43 = arith.constant 1.000000e+00 : f32
    %logistic3A_44 = vector.broadcast %logistic3A_43 : f32 to vector<2000x128xf32>
    %logistic3A_45 = arith.addf %logistic3A_44, %logistic3A_42 : vector<2000x128xf32>
    %logistic3A_46 = arith.divf %logistic3A_44, %logistic3A_45 : vector<2000x128xf32>
    %slice3A_47 = vector.extract_strided_slice %add3A_20 {offsets = [0, 256], sizes = [2000, 128], strides = [1, 1]} : vector<2000x384xf32> to vector<2000x128xf32>
    %slice3A_48 = vector.extract_strided_slice %add3A_30 {offsets = [0, 256], sizes = [2000, 128], strides = [1, 1]} : vector<2000x384xf32> to vector<2000x128xf32>
    %mul3A = arith.mulf %logistic3A_37, %slice3A_48 : vector<2000x128xf32>
    %add3A_49 = arith.addf %slice3A_47, %mul3A : vector<2000x128xf32>
    %tanh3A = math.tanh %add3A_49 : vector<2000x128xf32>
    %sub3A = arith.constant 1.000000e+00 : f32
    %sub3A_50 = vector.broadcast %sub3A : f32 to vector<2000x128xf32>
    %sub3A_51 = arith.subf %sub3A_50, %logistic3A_46 : vector<2000x128xf32>
    %mul3A_52 = arith.mulf %sub3A_51, %tanh3A : vector<2000x128xf32>
    %mul3A_53 = arith.mulf %logistic3A_46, %get3A_1 : vector<2000x128xf32>
    %add3A_54 = arith.addf %mul3A_52, %mul3A_53 : vector<2000x128xf32>
    %swap3A = arith.constant 0 : index
    %swap3A_55 = arith.constant 0 : index
    %swap3A_56 = vector.load %arg8[%swap3A, %swap3A_55] : memref<2000x128xf32, #tpu.memory_space<vmem>>, vector<2000x128xf32>
    tpu.vector_store %arg8[%swap3A, %swap3A_55], %add3A_54 {strides = array<i32>} : memref<2000x128xf32, #tpu.memory_space<vmem>>, vector<2000x128xf32>,
    %get3A_57 = arith.constant 0 : index
    %get3A_58 = arith.constant 0 : index
    %get3A_59 = vector.load %arg7[%get3A_57, %get3A_58] : memref<128x128xf32, #tpu.memory_space<vmem>>, vector<128x128xf32>
    %dot_general3A_60 = arith.constant dense<0.000000e+00> : vector<2000x128xf32>
    %dot_general3A_61 = tpu.matmul %add3A_54, %get3A_59, %dot_general3A_60 {dimension_numbers = #tpu.dot_dimension_numbers<[1], [0], [0], [1], [0, 0, 1, 1], [], []>, transpose_lhs_hint = false} : vector<2000x128xf32>, vector<128x128xf32>, vector<2000x128xf32> -> vector<2000x128xf32>
    %swap3A_62 = arith.constant 0 : index
    %swap3A_63 = arith.constant 0 : index
    %swap3A_64 = vector.load %arg9[%swap3A_62, %swap3A_63] : memref<2000x128xf32, #tpu.memory_space<vmem>>, vector<2000x128xf32>
    tpu.vector_store %arg9[%swap3A_62, %swap3A_63], %dot_general3A_61 {strides = array<i32>} : memref<2000x128xf32, #tpu.memory_space<vmem>>, vector<2000x128xf32>,
    return
  }
  func.func @transform_0(%arg0: i32) -> (i32, i32, i32) {
    %c0_i32 = arith.constant 0 : i32
    %c0_i32_0 = arith.constant 0 : i32
    %c0_i32_1 = arith.constant 0 : i32
    return %c0_i32, %arg0, %c0_i32_0 : i32, i32, i32
  }
  func.func @transform_1(%arg0: i32) -> (i32, i32) {
    %c0_i32 = arith.constant 0 : i32
    %c0_i32_0 = arith.constant 0 : i32
    return %arg0, %c0_i32 : i32, i32
  }
  func.func @transform_2(%arg0: i32) -> (i32, i32) {
    %c0_i32 = arith.constant 0 : i32
    %c0_i32_0 = arith.constant 0 : i32
    %c0_i32_1 = arith.constant 0 : i32
    return %c0_i32, %c0_i32_0 : i32, i32
  }
  func.func @transform_3(%arg0: i32) -> (i32, i32) {
    %c0_i32 = arith.constant 0 : i32
    %c0_i32_0 = arith.constant 0 : i32
    %c0_i32_1 = arith.constant 0 : i32
    return %c0_i32, %c0_i32_0 : i32, i32
  }
  func.func @transform_4(%arg0: i32) -> (i32, i32) {
    %c0_i32 = arith.constant 0 : i32
    %c0_i32_0 = arith.constant 0 : i32
    %c0_i32_1 = arith.constant 0 : i32
    return %c0_i32, %c0_i32_0 : i32, i32
  }
  func.func @transform_5(%arg0: i32) -> (i32, i32) {
    %c0_i32 = arith.constant 0 : i32
    %c0_i32_0 = arith.constant 0 : i32
    %c0_i32_1 = arith.constant 0 : i32
    return %c0_i32, %c0_i32_0 : i32, i32
  }
  func.func @transform_6(%arg0: i32) -> (i32, i32) {
    %c0_i32 = arith.constant 0 : i32
    %c0_i32_0 = arith.constant 0 : i32
    %c0_i32_1 = arith.constant 0 : i32
    return %c0_i32, %c0_i32_0 : i32, i32
  }
  func.func @transform_7(%arg0: i32) -> (i32, i32) {
    %c0_i32 = arith.constant 0 : i32
    %c0_i32_0 = arith.constant 0 : i32
    return %arg0, %c0_i32 : i32, i32
  }
  func.func @transform_8(%arg0: i32) -> (i32, i32) {
    %c0_i32 = arith.constant 0 : i32
    %c0_i32_0 = arith.constant 0 : i32
    return %arg0, %c0_i32 : i32, i32
  }
}

module attributes {stable_mosaic.version = 14 : i64} {
  func.func @_post_body(%arg0: i32, %arg1: memref<2x2000x128xf32, #tpu.memory_space<vmem>>, %arg2: memref<2000x128xf32, #tpu.memory_space<vmem>>, %arg3: memref<384x128xf32, #tpu.memory_space<vmem>>, %arg4: memref<1x384xf32, #tpu.memory_space<vmem>>, %arg5: memref<384x128xf32, #tpu.memory_space<vmem>>, %arg6: memref<1x384xf32, #tpu.memory_space<vmem>>, %arg7: memref<128x256xf32, #tpu.memory_space<vmem>>, %arg8: memref<1x128xf32, #tpu.memory_space<vmem>>, %arg9: memref<2x128xf32, #tpu.memory_space<vmem>>, %arg10: memref<1x2xf32, #tpu.memory_space<vmem>>, %arg11: memref<1x2xf32, #tpu.memory_space<vmem>>, %arg12: memref<1x128xf32, #tpu.memory_space<vmem>>, %arg13: memref<1x128xf32, #tpu.memory_space<vmem>>) attributes {dimension_semantics = [#tpu.dimension_semantics<arbitrary>], iteration_bounds = array<i64: 5>, scalar_prefetch = 0 : i64, scratch_operands = 2 : i64, tpu.core_type = #tpu.core_type<tc>, window_params = [{transform_indices = @transform_0, window_bounds = array<i64: 2, 2000, 128>}, {transform_indices = @transform_1, window_bounds = array<i64: 2000, 128>}, {pipeline_mode = #tpu.pipeline_mode<synchronous>, transform_indices = @transform_2, window_bounds = array<i64: 384, 128>}, {pipeline_mode = #tpu.pipeline_mode<synchronous>, transform_indices = @transform_3, window_bounds = array<i64: 1, 384>}, {pipeline_mode = #tpu.pipeline_mode<synchronous>, transform_indices = @transform_4, window_bounds = array<i64: 384, 128>}, {pipeline_mode = #tpu.pipeline_mode<synchronous>, transform_indices = @transform_5, window_bounds = array<i64: 1, 384>}, {pipeline_mode = #tpu.pipeline_mode<synchronous>, transform_indices = @transform_6, window_bounds = array<i64: 128, 256>}, {pipeline_mode = #tpu.pipeline_mode<synchronous>, transform_indices = @transform_7, window_bounds = array<i64: 1, 128>}, {pipeline_mode = #tpu.pipeline_mode<synchronous>, transform_indices = @transform_8, window_bounds = array<i64: 2, 128>}, {pipeline_mode = #tpu.pipeline_mode<synchronous>, transform_indices = @transform_9, window_bounds = array<i64: 1, 2>}, {pipeline_mode = #tpu.pipeline_mode<synchronous>, transform_indices = @transform_10, window_bounds = array<i64: 1, 2>}]} {
    %get3A = arith.constant 0 : index
    %get3A_0 = arith.constant 0 : index
    %get3A_1 = vector.load %arg2[%get3A, %get3A_0] : memref<2000x128xf32, #tpu.memory_space<vmem>>, vector<2000x128xf32>
    %get3A_2 = arith.constant 0 : index
    %get3A_3 = arith.constant 0 : index
    %get3A_4 = arith.constant 0 : index
    %get3A_5 = vector.load %arg1[%get3A_2, %get3A_3, %get3A_4] : memref<2x2000x128xf32, #tpu.memory_space<vmem>>, vector<1x2000x128xf32>
    %get3A_6 = vector.shape_cast %get3A_5 : vector<1x2000x128xf32> to vector<2000x128xf32>
    %get3A_7 = arith.constant 1 : index
    %get3A_8 = arith.constant 0 : index
    %get3A_9 = arith.constant 0 : index
    %get3A_10 = vector.load %arg1[%get3A_7, %get3A_8, %get3A_9] : memref<2x2000x128xf32, #tpu.memory_space<vmem>>, vector<1x2000x128xf32>
    %get3A_11 = vector.shape_cast %get3A_10 : vector<1x2000x128xf32> to vector<2000x128xf32>
    %add3A = arith.addf %get3A_6, %get3A_11 : vector<2000x128xf32>
    %get3A_12 = arith.constant 0 : index
    %get3A_13 = arith.constant 0 : index
    %get3A_14 = vector.load %arg3[%get3A_12, %get3A_13] : memref<384x128xf32, #tpu.memory_space<vmem>>, vector<384x128xf32>
    %dot_general3A = arith.constant dense<0.000000e+00> : vector<2000x384xf32>
    %dot_general3A_15 = tpu.matmul %add3A, %get3A_14, %dot_general3A {dimension_numbers = #tpu.dot_dimension_numbers<[1], [1], [0], [0], [0, 0, 1, 0], [], []>, transpose_lhs_hint = false} : vector<2000x128xf32>, vector<384x128xf32>, vector<2000x384xf32> -> vector<2000x384xf32>
    %get3A_16 = arith.constant 0 : index
    %get3A_17 = arith.constant 0 : index
    %get3A_18 = vector.load %arg4[%get3A_16, %get3A_17] : memref<1x384xf32, #tpu.memory_space<vmem>>, vector<1x384xf32>
    %add3A_19 = vector.broadcast %get3A_18 : vector<1x384xf32> to vector<2000x384xf32>
    %add3A_20 = arith.addf %dot_general3A_15, %add3A_19 : vector<2000x384xf32>
    %get3A_21 = arith.constant 0 : index
    %get3A_22 = arith.constant 0 : index
    %get3A_23 = vector.load %arg5[%get3A_21, %get3A_22] : memref<384x128xf32, #tpu.memory_space<vmem>>, vector<384x128xf32>
    %dot_general3A_24 = arith.constant dense<0.000000e+00> : vector<2000x384xf32>
    %dot_general3A_25 = tpu.matmul %get3A_1, %get3A_23, %dot_general3A_24 {dimension_numbers = #tpu.dot_dimension_numbers<[1], [1], [0], [0], [0, 0, 1, 0], [], []>, transpose_lhs_hint = false} : vector<2000x128xf32>, vector<384x128xf32>, vector<2000x384xf32> -> vector<2000x384xf32>
    %get3A_26 = arith.constant 0 : index
    %get3A_27 = arith.constant 0 : index
    %get3A_28 = vector.load %arg6[%get3A_26, %get3A_27] : memref<1x384xf32, #tpu.memory_space<vmem>>, vector<1x384xf32>
    %add3A_29 = vector.broadcast %get3A_28 : vector<1x384xf32> to vector<2000x384xf32>
    %add3A_30 = arith.addf %dot_general3A_25, %add3A_29 : vector<2000x384xf32>
    %slice3A = vector.extract_strided_slice %add3A_20 {offsets = [0, 0], sizes = [2000, 128], strides = [1, 1]} : vector<2000x384xf32> to vector<2000x128xf32>
    %slice3A_31 = vector.extract_strided_slice %add3A_30 {offsets = [0, 0], sizes = [2000, 128], strides = [1, 1]} : vector<2000x384xf32> to vector<2000x128xf32>
    %add3A_32 = arith.addf %slice3A, %slice3A_31 : vector<2000x128xf32>
    %logistic3A = arith.negf %add3A_32 : vector<2000x128xf32>
    %logistic3A_33 = math.exp %logistic3A : vector<2000x128xf32>
    %logistic3A_34 = arith.constant 1.000000e+00 : f32
    %logistic3A_35 = vector.broadcast %logistic3A_34 : f32 to vector<2000x128xf32>
    %logistic3A_36 = arith.addf %logistic3A_35, %logistic3A_33 : vector<2000x128xf32>
    %logistic3A_37 = arith.divf %logistic3A_35, %logistic3A_36 : vector<2000x128xf32>
    %slice3A_38 = vector.extract_strided_slice %add3A_20 {offsets = [0, 128], sizes = [2000, 128], strides = [1, 1]} : vector<2000x384xf32> to vector<2000x128xf32>
    %slice3A_39 = vector.extract_strided_slice %add3A_30 {offsets = [0, 128], sizes = [2000, 128], strides = [1, 1]} : vector<2000x384xf32> to vector<2000x128xf32>
    %add3A_40 = arith.addf %slice3A_38, %slice3A_39 : vector<2000x128xf32>
    %logistic3A_41 = arith.negf %add3A_40 : vector<2000x128xf32>
    %logistic3A_42 = math.exp %logistic3A_41 : vector<2000x128xf32>
    %logistic3A_43 = arith.constant 1.000000e+00 : f32
    %logistic3A_44 = vector.broadcast %logistic3A_43 : f32 to vector<2000x128xf32>
    %logistic3A_45 = arith.addf %logistic3A_44, %logistic3A_42 : vector<2000x128xf32>
    %logistic3A_46 = arith.divf %logistic3A_44, %logistic3A_45 : vector<2000x128xf32>
    %slice3A_47 = vector.extract_strided_slice %add3A_20 {offsets = [0, 256], sizes = [2000, 128], strides = [1, 1]} : vector<2000x384xf32> to vector<2000x128xf32>
    %slice3A_48 = vector.extract_strided_slice %add3A_30 {offsets = [0, 256], sizes = [2000, 128], strides = [1, 1]} : vector<2000x384xf32> to vector<2000x128xf32>
    %mul3A = arith.mulf %logistic3A_37, %slice3A_48 : vector<2000x128xf32>
    %add3A_49 = arith.addf %slice3A_47, %mul3A : vector<2000x128xf32>
    %tanh3A = math.tanh %add3A_49 : vector<2000x128xf32>
    %sub3A = arith.constant 1.000000e+00 : f32
    %sub3A_50 = vector.broadcast %sub3A : f32 to vector<2000x128xf32>
    %sub3A_51 = arith.subf %sub3A_50, %logistic3A_46 : vector<2000x128xf32>
    %mul3A_52 = arith.mulf %sub3A_51, %tanh3A : vector<2000x128xf32>
    %mul3A_53 = arith.mulf %logistic3A_46, %get3A_1 : vector<2000x128xf32>
    %add3A_54 = arith.addf %mul3A_52, %mul3A_53 : vector<2000x128xf32>
    %reduce_sum3A = arith.constant dense<0.000000e+00> : vector<128xf32>
    %reduce_sum3A_55 = vector.multi_reduction <add>, %add3A_54, %reduce_sum3A [0] : vector<2000x128xf32> to vector<128xf32>
    %broadcast_in_dim3A = vector.shape_cast %reduce_sum3A_55 : vector<128xf32> to vector<1x128xf32>
    %reduce_max3A = arith.constant dense<0xFF800000> : vector<128xf32>
    %reduce_max3A_56 = vector.multi_reduction <maximumf>, %add3A_54, %reduce_max3A [0] : vector<2000x128xf32> to vector<128xf32>
    %broadcast_in_dim3A_57 = vector.shape_cast %reduce_max3A_56 : vector<128xf32> to vector<1x128xf32>
    %eq3A = arith.constant 0 : i32
    %eq3A_58 = arith.cmpi eq, %arg0, %eq3A : i32
    %convert_element_type3A = arith.extui %eq3A_58 : i1 to i32
    %cond3A = arith.constant 0 : i32
    %cond3A_59 = arith.cmpi ne, %convert_element_type3A, %cond3A : i32
    scf.if %cond3A_59 {
      %swap3A = arith.constant 0 : index
      %swap3A_69 = arith.constant 0 : index
      %swap3A_70 = vector.load %arg12[%swap3A, %swap3A_69] : memref<1x128xf32, #tpu.memory_space<vmem>>, vector<1x128xf32>
      tpu.vector_store %arg12[%swap3A, %swap3A_69], %broadcast_in_dim3A {strides = array<i32>} : memref<1x128xf32, #tpu.memory_space<vmem>>, vector<1x128xf32>,
      %swap3A_71 = arith.constant 0 : index
      %swap3A_72 = arith.constant 0 : index
      %swap3A_73 = vector.load %arg13[%swap3A_71, %swap3A_72] : memref<1x128xf32, #tpu.memory_space<vmem>>, vector<1x128xf32>
      tpu.vector_store %arg13[%swap3A_71, %swap3A_72], %broadcast_in_dim3A_57 {strides = array<i32>} : memref<1x128xf32, #tpu.memory_space<vmem>>, vector<1x128xf32>,
    } else {
    }
    %gt3A = arith.constant 0 : i32
    %gt3A_60 = arith.cmpi sgt, %arg0, %gt3A : i32
    %convert_element_type3A_61 = arith.extui %gt3A_60 : i1 to i32
    %cond3A_62 = arith.constant 0 : i32
    %cond3A_63 = arith.cmpi ne, %convert_element_type3A_61, %cond3A_62 : i32
    scf.if %cond3A_63 {
      %get3A_69 = arith.constant 0 : index
      %get3A_70 = arith.constant 0 : index
      %get3A_71 = vector.load %arg12[%get3A_69, %get3A_70] : memref<1x128xf32, #tpu.memory_space<vmem>>, vector<1x128xf32>
      %add3A_72 = arith.addf %get3A_71, %broadcast_in_dim3A : vector<1x128xf32>
      %swap3A = arith.constant 0 : index
      %swap3A_73 = arith.constant 0 : index
      %swap3A_74 = vector.load %arg12[%swap3A, %swap3A_73] : memref<1x128xf32, #tpu.memory_space<vmem>>, vector<1x128xf32>
      tpu.vector_store %arg12[%swap3A, %swap3A_73], %add3A_72 {strides = array<i32>} : memref<1x128xf32, #tpu.memory_space<vmem>>, vector<1x128xf32>,
      %get3A_75 = arith.constant 0 : index
      %get3A_76 = arith.constant 0 : index
      %get3A_77 = vector.load %arg13[%get3A_75, %get3A_76] : memref<1x128xf32, #tpu.memory_space<vmem>>, vector<1x128xf32>
      %max3A = arith.maximumf %get3A_77, %broadcast_in_dim3A_57 : vector<1x128xf32>
      %swap3A_78 = arith.constant 0 : index
      %swap3A_79 = arith.constant 0 : index
      %swap3A_80 = vector.load %arg13[%swap3A_78, %swap3A_79] : memref<1x128xf32, #tpu.memory_space<vmem>>, vector<1x128xf32>
      tpu.vector_store %arg13[%swap3A_78, %swap3A_79], %max3A {strides = array<i32>} : memref<1x128xf32, #tpu.memory_space<vmem>>, vector<1x128xf32>,
    } else {
    }
    %eq3A_64 = arith.constant 4 : i32
    %eq3A_65 = arith.cmpi eq, %arg0, %eq3A_64 : i32
    %convert_element_type3A_66 = arith.extui %eq3A_65 : i1 to i32
    %cond3A_67 = arith.constant 0 : i32
    %cond3A_68 = arith.cmpi ne, %convert_element_type3A_66, %cond3A_67 : i32
    scf.if %cond3A_68 {
      %get3A_69 = arith.constant 0 : index
      %get3A_70 = arith.constant 0 : index
      %get3A_71 = vector.load %arg12[%get3A_69, %get3A_70] : memref<1x128xf32, #tpu.memory_space<vmem>>, vector<1x128xf32>
      %div3A = arith.constant 1.000000e+04 : f32
      %div3A_72 = vector.broadcast %div3A : f32 to vector<1x128xf32>
      %div3A_73 = arith.divf %get3A_71, %div3A_72 : vector<1x128xf32>
      %get3A_74 = arith.constant 0 : index
      %get3A_75 = arith.constant 0 : index
      %get3A_76 = vector.load %arg13[%get3A_74, %get3A_75] : memref<1x128xf32, #tpu.memory_space<vmem>>, vector<1x128xf32>
      %concatenate3A = tpu.concatenate %div3A_73, %get3A_76 in 1 : vector<1x128xf32>, vector<1x128xf32> -> vector<1x256xf32>
      %get3A_77 = arith.constant 0 : index
      %get3A_78 = arith.constant 0 : index
      %get3A_79 = vector.load %arg7[%get3A_77, %get3A_78] : memref<128x256xf32, #tpu.memory_space<vmem>>, vector<128x256xf32>
      %dot_general3A_80 = arith.constant dense<0.000000e+00> : vector<1x128xf32>
      %dot_general3A_81 = tpu.matmul %concatenate3A, %get3A_79, %dot_general3A_80 {dimension_numbers = #tpu.dot_dimension_numbers<[1], [1], [0], [0], [0, 0, 1, 0], [], []>, transpose_lhs_hint = false} : vector<1x256xf32>, vector<128x256xf32>, vector<1x128xf32> -> vector<1x128xf32>
      %get3A_82 = arith.constant 0 : index
      %get3A_83 = arith.constant 0 : index
      %get3A_84 = vector.load %arg8[%get3A_82, %get3A_83] : memref<1x128xf32, #tpu.memory_space<vmem>>, vector<1x128xf32>
      %add3A_85 = arith.addf %dot_general3A_81, %get3A_84 : vector<1x128xf32>
      %max3A = arith.constant 0.000000e+00 : f32
      %max3A_86 = vector.broadcast %max3A : f32 to vector<1x128xf32>
      %max3A_87 = arith.maximumf %add3A_85, %max3A_86 : vector<1x128xf32>
      %get3A_88 = arith.constant 0 : index
      %get3A_89 = arith.constant 0 : index
      %get3A_90 = vector.load %arg9[%get3A_88, %get3A_89] : memref<2x128xf32, #tpu.memory_space<vmem>>, vector<2x128xf32>
      %dot_general3A_91 = arith.constant dense<0.000000e+00> : vector<1x2xf32>
      %dot_general3A_92 = tpu.matmul %max3A_87, %get3A_90, %dot_general3A_91 {dimension_numbers = #tpu.dot_dimension_numbers<[1], [1], [0], [0], [0, 0, 1, 0], [], []>, transpose_lhs_hint = false} : vector<1x128xf32>, vector<2x128xf32>, vector<1x2xf32> -> vector<1x2xf32>
      %get3A_93 = arith.constant 0 : index
      %get3A_94 = arith.constant 0 : index
      %get3A_95 = vector.load %arg10[%get3A_93, %get3A_94] : memref<1x2xf32, #tpu.memory_space<vmem>>, vector<1x2xf32>
      %add3A_96 = arith.addf %dot_general3A_92, %get3A_95 : vector<1x2xf32>
      %swap3A = arith.constant 0 : index
      %swap3A_97 = arith.constant 0 : index
      %swap3A_98 = vector.load %arg11[%swap3A, %swap3A_97] : memref<1x2xf32, #tpu.memory_space<vmem>>, vector<1x2xf32>
      tpu.vector_store %arg11[%swap3A, %swap3A_97], %add3A_96 {strides = array<i32>} : memref<1x2xf32, #tpu.memory_space<vmem>>, vector<1x2xf32>,
    } else {
    }
    return
  }
  func.func @transform_0(%arg0: i32) -> (i32, i32, i32) {
    %c0_i32 = arith.constant 0 : i32
    %c0_i32_0 = arith.constant 0 : i32
    %c0_i32_1 = arith.constant 0 : i32
    return %c0_i32, %arg0, %c0_i32_0 : i32, i32, i32
  }
  func.func @transform_1(%arg0: i32) -> (i32, i32) {
    %c0_i32 = arith.constant 0 : i32
    %c0_i32_0 = arith.constant 0 : i32
    return %arg0, %c0_i32 : i32, i32
  }
  func.func @transform_2(%arg0: i32) -> (i32, i32) {
    %c0_i32 = arith.constant 0 : i32
    %c0_i32_0 = arith.constant 0 : i32
    %c0_i32_1 = arith.constant 0 : i32
    return %c0_i32, %c0_i32_0 : i32, i32
  }
  func.func @transform_3(%arg0: i32) -> (i32, i32) {
    %c0_i32 = arith.constant 0 : i32
    %c0_i32_0 = arith.constant 0 : i32
    %c0_i32_1 = arith.constant 0 : i32
    return %c0_i32, %c0_i32_0 : i32, i32
  }
  func.func @transform_4(%arg0: i32) -> (i32, i32) {
    %c0_i32 = arith.constant 0 : i32
    %c0_i32_0 = arith.constant 0 : i32
    %c0_i32_1 = arith.constant 0 : i32
    return %c0_i32, %c0_i32_0 : i32, i32
  }
  func.func @transform_5(%arg0: i32) -> (i32, i32) {
    %c0_i32 = arith.constant 0 : i32
    %c0_i32_0 = arith.constant 0 : i32
    %c0_i32_1 = arith.constant 0 : i32
    return %c0_i32, %c0_i32_0 : i32, i32
  }
  func.func @transform_6(%arg0: i32) -> (i32, i32) {
    %c0_i32 = arith.constant 0 : i32
    %c0_i32_0 = arith.constant 0 : i32
    %c0_i32_1 = arith.constant 0 : i32
    return %c0_i32, %c0_i32_0 : i32, i32
  }
  func.func @transform_7(%arg0: i32) -> (i32, i32) {
    %c0_i32 = arith.constant 0 : i32
    %c0_i32_0 = arith.constant 0 : i32
    %c0_i32_1 = arith.constant 0 : i32
    return %c0_i32, %c0_i32_0 : i32, i32
  }
  func.func @transform_8(%arg0: i32) -> (i32, i32) {
    %c0_i32 = arith.constant 0 : i32
    %c0_i32_0 = arith.constant 0 : i32
    %c0_i32_1 = arith.constant 0 : i32
    return %c0_i32, %c0_i32_0 : i32, i32
  }
  func.func @transform_9(%arg0: i32) -> (i32, i32) {
    %c0_i32 = arith.constant 0 : i32
    %c0_i32_0 = arith.constant 0 : i32
    %c0_i32_1 = arith.constant 0 : i32
    return %c0_i32, %c0_i32_0 : i32, i32
  }
  func.func @transform_10(%arg0: i32) -> (i32, i32) {
    %c0_i32 = arith.constant 0 : i32
    %c0_i32_0 = arith.constant 0 : i32
    %c0_i32_1 = arith.constant 0 : i32
    return %c0_i32, %c0_i32_0 : i32, i32
  }
}

</mosaic_0001>

<sc_bundles>
// kernel: kernel.12.cloned.1.call-start
scs
__scs_entry_jumppad:
0x0: {  	(pc) =	sbr.rel $0x88, $3  }
0x1: {  	(tag) =	ssettag $0x0;
	lr =	simm.s32 $0x1  }
0x2: {  	[smem:$0x3F94] =	sst lr;
	_ =	strace $0xD0000000  }
0x3: {  	_ = 	snop  }
0x4: {  	_ = 	snop  }
0x5: {  	_ = 	snop  }
0x6: {  	_ = 	snop  }
0x7: {  	_ = 	snop  }
__scs_overlays_trampoline_lowered:
0x8: {  	[smem:$0x3FA3] =	sst s0  }
0x9: {  	[smem:$0x3FA4] =	sst s1  }
0xa: {  	[smem:$0x3FA5] =	sst s2  }
0xb: {  	[smem:$0x3FA6] =	sst s3  }
0xc: {  	[smem:$0x3FA7] =	sst s4  }
0xd: {  	[smem:$0x3FA8] =	sst s5  }
0xe: {  	[smem:$0x3FA9] =	sst s6  }
0xf: {  	[smem:$0x3FAA] =	sst s7  }
0x10: {  	[smem:$0x3FAB] =	sst s8  }
0x11: {  	[smem:$0x3FAC] =	sst s9;
	s0 =	simm.s32 @!p0 $0x0  }
0x12: {  	s1 =	sld [smem:$0x3F92];
	s0 =	simm.s32 @p0 $0x1  }
0x13: {  	[smem:$0x3FAD] =	sst s0;
	s0 =	simm.s32 @!p1 $0x0  }
0x14: {  	s2 =	sld [smem:$0x3F91];
	s0 =	simm.s32 @p1 $0x1  }
0x15: {  	[smem:$0x3FAE] =	sst s0;
	s0 =	simm.s32 @!p2 $0x0  }
0x16: {  	s3 =	sld [smem:$0x3FDB];
	s0 =	simm.s32 @p2 $0x1  }
0x17: {  	s4 =	simm.s32 $0x1BF5;
	[smem:$0x3FB0] =	sst s0  }
0x18: {  	s0 =	sld [smem:$0x3F93];
	_ =	swait.ge [sflag:s4], $0x0  }
0x19: {  	s7 =	sld [smem:$0x3F94]  }
0x1a: {  	s8 =	sadd.s32 $0xFFFFE003, lr  }
0x1b: {  	s9 =	sadd.s32 $0xFFFFFEF7, lr;
	s5 =	simm.s32 $0xFFFFFFFF;
	p2 =	slt.u32 s8, $0xFFFFF086  }
0x1c: {  	p1 =	slt.u32 s9, $0xF7A;
	s5 =	simm.s32 @!p2 $0x0  }
0x1d: {  	s5 =	simm.s32 @p1 $0x1;
	p0 =	seq.s32 s7, s2  }
0x1e: {  	s7 =	smul.u32 @!p0 $0xF7A, s2;
	p2 =	seq.s32 @!p0 s5, $0x0  }
0x1f: {  	s9 =	smul.u32 $0xF7A, s1;
	s8 =	simm.s32 @!p0 $0x1BF5;
	p2 =	por !p2, p0  }
0x20: {  	[sflag:s8] =	ssyncset.s32 @!p0 $0xFFFFF086;
	s6 =	sadd.s32 @!p0 s3, s7;
	s7 =	simm.s32 @!p0 $0x108  }
0x21: {  	s3 =	sadd.s32 s3, s9;
	s6 =	sadd.s32 @!p0 $0x88, s6;
	s7 =	simm.s32 @p2 $0x1082  }
0x22: {  	[simem:s7], [sflag:s8] =	dma.local @!p0 [hbm:s6], $0xF7A  }
0x23: {  	s9 =	sor.u32 $0xD0000000, s2;
	s6 =	simm.s32 $0x108;
	_ =	swait.ge @!p0 [sflag:s8], $0x0  }
0x24: {  	s3 =	sadd.s32 $0x88, s3;
	s6 =	simm.s32 @!p1 $0x1082;
	[sflag:s4] =	ssyncset.s32 $0xFFFFF086  }
0x25: {  	[simem:s6], [sflag:s4] =	dma.local [hbm:s3], $0xF7A  }
0x26: {  	[smem:$0x3F94] =	sst s1;
	(tag) =	ssettag s2;
	_ =	strace s9  }
0x27: {  	s1 =	sld [smem:$0x3FA4]  }
0x28: {  	s2 =	sld [smem:$0x3FA5]  }
0x29: {  	s4 =	sld [smem:$0x3FA7]  }
0x2a: {  	p0 =	seq.s32 s5, $0x0;
	s5 =	sld [smem:$0x3FA8]  }
0x2b: {  	s6 =	sld [smem:$0x3FA9]  }
0x2c: {  	s7 =	sld [smem:$0x3FAA]  }
0x2d: {  	s3 =	simm.s32 $0x108;
	s8 =	sld [smem:$0x3FAB]  }
0x2e: {  	s3 =	simm.s32 @!p0 $0x1082;
	s9 =	sld [smem:$0x3FAC]  }
0x2f: {  	lr =	sadd.s32 s0, s3;
	s0 =	sld [smem:$0x3FA3]  }
0x30: {  	s3 =	sld [smem:$0x3FA6]  }
0x31: {  	[smem:$0x3FAF] =	sst s10  }
0x32: {  	s10 =	sld [smem:$0x3FAD];
	_ =	sdelay $0x3  }
0x33: {  	p0 =	seq.s32 s10, $0x1;
	s10 =	sld [smem:$0x3FAF];
	_ =	sdelay $0x3  }
0x34: {  	[smem:$0x3FAF] =	sst s10  }
0x35: {  	s10 =	sld [smem:$0x3FAE];
	_ =	sdelay $0x3  }
0x36: {  	p1 =	seq.s32 s10, $0x1;
	s10 =	sld [smem:$0x3FAF];
	_ =	sdelay $0x3  }
0x37: {  	[smem:$0x3FAF] =	sst s10  }
0x38: {  	s10 =	sld [smem:$0x3FB0]  }
0x39: {  	_ = 	snop;
	(pc) =	sbr.ind lr, $3  }
0x3a: {  	_ = 	snop  }
0x3b: {  	_ = 	snop  }
0x3c: {  	p2 =	seq.s32 s10, $0x1;
	s10 =	sld [smem:$0x3FAF]  }
0x3d: {  	_ =	shalt  }
0x3e: {  	_ =	shalt  }
0x3f: {  	_ =	shalt  }
0x40: {  	_ =	shalt  }
0x41: {  	_ =	shalt  }
0x42: {  	_ =	shalt  }
0x43: {  	_ =	shalt  }
0x44: {  	_ =	shalt  }
0x45: {  	_ =	shalt  }
0x46: {  	_ =	shalt  }
0x47: {  	_ =	shalt  }
0x48: {  	_ =	shalt  }
0x49: {  	_ =	shalt  }
0x4a: {  	_ =	shalt  }
0x4b: {  	_ =	shalt  }
0x4c: {  	_ =	shalt  }
0x4d: {  	_ =	shalt  }
0x4e: {  	_ =	shalt  }
0x4f: {  	_ =	shalt  }
0x50: {  	_ =	shalt  }
0x51: {  	_ =	shalt  }
0x52: {  	_ =	shalt  }
0x53: {  	_ =	shalt  }
0x54: {  	_ =	shalt  }
0x55: {  	_ =	shalt  }
0x56: {  	_ =	shalt  }
0x57: {  	_ =	shalt  }
0x58: {  	_ =	shalt  }
0x59: {  	_ =	shalt  }
0x5a: {  	_ =	shalt  }
0x5b: {  	_ =	shalt  }
0x5c: {  	_ =	shalt  }
0x5d: {  	_ =	shalt  }
0x5e: {  	_ =	shalt  }
0x5f: {  	_ =	shalt  }
0x60: {  	_ =	shalt  }
0x61: {  	_ =	shalt  }
0x62: {  	_ =	shalt  }
0x63: {  	_ =	shalt  }
0x64: {  	_ =	shalt  }
0x65: {  	_ =	shalt  }
0x66: {  	_ =	shalt  }
0x67: {  	_ =	shalt  }
0x68: {  	_ =	shalt  }
0x69: {  	_ =	shalt  }
0x6a: {  	_ =	shalt  }
0x6b: {  	_ =	shalt  }
0x6c: {  	_ =	shalt  }
0x6d: {  	_ =	shalt  }
0x6e: {  	_ =	shalt  }
0x6f: {  	_ =	shalt  }
0x70: {  	_ =	shalt  }
0x71: {  	_ =	shalt  }
0x72: {  	_ =	shalt  }
0x73: {  	_ =	shalt  }
0x74: {  	_ =	shalt  }
0x75: {  	_ =	shalt  }
0x76: {  	_ =	shalt  }
0x77: {  	_ =	shalt  }
0x78: {  	_ =	shalt  }
0x79: {  	_ =	shalt  }
0x7a: {  	_ =	shalt  }
0x7b: {  	_ =	shalt  }
0x7c: {  	_ =	shalt  }
0x7d: {  	_ =	shalt  }
0x7e: {  	_ =	shalt  }
0x7f: {  	_ =	shalt  }
0x80: {  	_ =	shalt  }
0x81: {  	_ =	shalt  }
0x82: {  	_ =	shalt  }
0x83: {  	_ =	shalt  }
0x84: {  	_ =	shalt  }
0x85: {  	_ =	shalt  }
0x86: {  	_ =	shalt  }
0x87: {  	_ =	shalt  }
.Lfunc_end0:
.L_simem_size_0:
called_computation.1_lowered:
.L_overlay_start_0:
0x88: {  	s2 =	sld [smem:$0x3FD9]  }
0x89: {  	s3 =	sld [smem:$0x3FFE];
	_ =	sdelay $0x1  }
0x8a: {  	s1 =	srdreg.scid  }
0x8b: {  	s0 =	sand.u32 $0x1, s1  }
0x8c: {  	s16 =	sshll.u32 s0, $0xA;
	s2 =	sadd.s32 s3, s2  }
0x8d: {  	s2 =	sadd.s32 s2, s16  }
0x8e: {  	[smem:$0x3FBB] =	sst s2  }
0x8f: {  	_ = 	snop  }
0x90: {  	(tm) =	ssettm $0x1  }
0x91: {  	s17 =	sld [smem:$0x3FFB];
	_ =	sdelay $0x3  }
0x92: {  	_ =	strace s17  }
0x93: {  	s2 =	sld [smem:$0x3FFC];
	_ =	sdelay $0x3  }
0x94: {  	_ =	strace s2  }
0x95: {  	s2 =	sld [smem:$0x3FFD];
	_ =	sdelay $0x3  }
0x96: {  	_ =	strace s2  }
0x97: {  	_ =	strace $0x8FFFFFFF  }
0x98: {  	s18 =	sld [smem:$0x3FDB];
	_ =	sdelay $0x1  }
0x99: {  	s19 =	simm.s32 $_scs_section_size  }
0x9a: {  	s4 =	simm.s32 $_size__tile_overlayer_lowered;
	s5 =	simm.s32 $_tile_overlayer_lowered  }
0x9b: {  	s22 =	simm.s32 $0x1BFF;
	s21 =	sshll.u32 s5, $0x1;
	s2 =	sadd.s32 s19, s18  }
0x9c: {  	s6 =	simm.s32 $0x0;
	s20 =	sshll.u32 s4, $0x1;
	s4 =	sadd.s32 s21, s2  }
0x9d: {  	[timem:s6], [sflag:s22] =	dma.local [hbm:s4], s20  }
0x9e: {  	_ =	swait.ge [sflag:s22], s20  }
0x9f: {  	s3 =	ssub.s32 $0x0, s20;
	[sflag:s22] =	ssyncset.done $0x0  }
0xa0: {  	[sflag:s22] =	ssyncadd.s32 s3;
	_ =	sdelay $0x1  }
0xa1: {  	s23 =	simm.s32 $0x1B8B  }
0xa2: {  	_ =	swait.ge [sflag:s23], $0x1  }
0xa3: {  	[sflag:s23] =	ssyncset.done $0x0  }
0xa4: {  	s25 =	simm.s32 $0x1B8E;
	s24 =	sld [smem:$0x3FFE];
	[sflag:s23] =	ssyncadd.s32 $0xFFFFFFFF  }
0xa5: {  	s26 =	simm.s32 $execute0_lowered;
	[smem:$0x3FD2] =	sst s25  }
0xa6: {  	s4 =	sshll.u32 s26, $0x1;
	_ =	strace $0x80000049;
	[dreg:$0x1] =	wrdreg $0xFFFFFFFF  }
0xa7: {  	s28 =	simm.s32 $_size_execute0_lowered;
	s2 =	sadd.s32 s2, s4;
	[dreg:$0x0] =	wrdreg $0x0  }
0xa8: {  	s4 =	sshll.u32 s28, $0x1;
	[dreg:$0x2] =	wrdreg s2  }
0xa9: {  	[dreg:$0x3] =	wrdreg s4  }
0xaa: {  	[dreg:$0x4] =	wrdreg $0xC0  }
0xab: {  	_ =	task [dreg:s6], $0x5FFFF  }
0xac: {  	[dreg:$0x1] =	wrdreg $0xFFFFFFFF  }
0xad: {  	[dreg:$0x0] =	wrdreg $0x60  }
0xae: {  	[dreg:$0x2] =	wrdreg s24  }
0xaf: {  	[dreg:$0x3] =	wrdreg $0xA8000  }
0xb0: {  	[dreg:$0x4] =	wrdreg $0x9  }
0xb1: {  	_ =	task.clear_ibuf [dreg:s6], $0x5FFFF;
	_ =	strace $0x90000049  }
0xb2: {  	s29 =	simm.s32 $0x9;
	_ =	strace $0x8000004B  }
0xb3: {  	_ =	swait.ge [sflag:s29], $0x1  }
0xb4: {  	[sflag:s29] =	ssyncadd.s32 $0xFFFFFFFF  }
0xb5: {  	_ =	strace $0x9000004B  }
0xb6: {  	_ =	sfence  }
0xb7: {  	s30 =	sld [smem:$0x0];
	_ =	sdelay $0x2  }
0xb8: {  	s31 =	sshll.u32 s1, $0xD;
	s1 =	sshrl.u32 s1, $0x2  }
0xb9: {  	s3 =	sand.u32 $0x4000, s31;
	s1 =	sadd.s32 s1, s30  }
0xba: {  	s0 =	sor.u32 s3, s0;
	s1 =	sshll.u32 s1, $0x11  }
0xbb: {  	s0 =	sor.u32 s1, s0  }
0xbc: {  	s0 =	sadd.s32 $0x8F2B, s0  }
0xbd: {  	[sflag:s0] =	ssyncadd.remote.s32 $0x1  }
0xbe: {  	_ =	sfence.sel $0xFFFF  }
0xbf: {  	[dreg:$0x0] =	wrdreg $0xFFFFFFFF;
	(pc) =	sbr.abs _section_cstart, $3  }
0xc0: {  	[dreg:$0x1] =	wrdreg $0xFFFFFFFF  }
0xc1: {  	_ =	task.clear_ibuf [dreg:s6], $0x2FFFF;
	_ =	strace $0x9FFFFFFF  }
0xc2: {  	(tm) =	ssettm $0x7FFFFFFF  }
0xc3: {  	_ =	shalt  }
tec
execute0_lowered:
.L_overlay_start_1:
0x0: {  	(tag) =	ssettag $0x1  }
0x1: {  	s0 =	rddreg [dreg:$0x0]  }
0x2: {  	s2 =	rddreg [dreg:$0x1];
	s3 =	simm.s32 $0x0;
	s20 =	stileid.u32  }
0x3: {  	s7 =	srdreg.scid;
	s28 =	simm.s32 $0x2;
	s30 =	simm.s32 $0x0  }
0x4: {  	[smem:$0x7FF] =	sst s3;
	s1 =	smul.u32 $0x13800, s20;
	s4 =	sadd.s32 $0x16E00, s0  }
0x5: {  	s13 =	sadd.s32 $0xCA00, s0;
	s14 =	sadd.s32 $0x2A00, s0;
	s5 =	sshll.u32 s20, $0x4  }
0x6: {  	s11 =	sand.u32 $0x1, s7;
	s8 =	smul.u32 $0x4E000, s20;
	s17 =	sadd.s32 $0x65200, s0  }
0x7: {  	s24 =	sadd.s32 $0x138000, s2;
	p0 =	sne.s32 s20, $0xF;
	_ =	strace $0x8000004A  }
0x8: {  	s16 =	sadd.s32 s5, s0;
	s21 =	ssub.s32 $0x2, s11;
	s7 =	sshll.u32 s11, $0x4  }
0x9: {  	[dreg:$0x5] =	wrdreg s24;
	s15 =	smul.u32 $0x138800, s11;
	s24 =	simm.s32 $0x3  }
0xa: {  	s6 =	sshrl.u32 s1, $0x3;
	s9 =	sshrl.u32 s21, $0x1;
	s25 =	sor.u32 s20, s7  }
0xb: {  	s22 =	sshrl.u32 s8, $0x2;
	s7 =	sshll.u32 s20, $0x6;
	s20 =	simm.s32 $0x4  }
0xc: {  	s6 =	sadd.s32 s6, s0;
	s19 =	ssub.s32 s21, s9;
	s10 =	smul.u32 $0x2800, s25  }
0xd: {  	s5 =	sadd.s32 s22, s2;
	s8 =	sor.u32 $0x1C03, s7;
	s29 =	sadd.s32 s1, s15  }
0xe: {  	s31 =	sshrl.u32 s15, $0x3;
	s15 =	sadd.s32 $0x16C00, s16;
	s16 =	sadd.s32 $0x16A00, s16  }
0xf: {  	s21 =	simm.s32 $0x1400;
	s22 =	simm.s32 $0x80;
	p1 =	sgt.u32 s25, $0x3  }
0x10: {  	s25 =	simm.s32 $0x6800;
	[dreg:$0x3] =	wrdreg s5;
	s23 =	sadd.s32 $0x3E000, s6  }
0x11: {  	s1 =	sadd.s32 s17, s31;
	s19 =	smax.u32 s19, $0x1;
	[dreg:$0x4] =	wrdreg s23  }
0x12: {  	s12 =	sshrl.u32 s10, $0x3;
	s10 =	sadd.s32 $0x65000, s0;
	s0 =	sshrl.u32 s29, $0x3  }
0x13: {  	s18 =	sadd.s32 $0x27000, s1;
	s23 =	simm.s32 $0x2800;
	s26 =	sadd.s32 $0x280, s12  }
0x14: {  	s11 =	sadd.s32 s13, s12;
	s12 =	sadd.s32 s14, s12;
	s17 =	sadd.s32 s17, s0  }
0x15: {  	s13 =	sadd.s32 s13, s26;
	s14 =	sadd.s32 s14, s26;
	s26 =	simm.s32 $0x1  }
.LBB2_1:
0x16: {  	s0 =	rddreg [dreg:$0x3]  }
0x17: {  	s1 =	rddreg [dreg:$0x4];
	s0 =	sshrl.u32 s0, $0x3  }
0x18: {  	[spmem:s0], [sflag:s8] =	dma.local [hbm:s1], $0x2700  }
0x19: {  	s1 =	rddreg [dreg:$0x5]  }
0x1a: {  	s31 =	sshrl.u32 @!p0 s1, $0x3  }
0x1b: {  	[spmem:s31], [sflag:s8] =	dma.local @!p0 [hbm:s10], $0x100  }
0x1c: {  	[tilespmem:s3], [sflag:$0x4] =	stream.linear.gather [hbm4b:s11+s3], $0x1400, $0x38;
	[tilespmem:$0x1E080] =	vst v63  }
0x1d: {  	_ =	swait.ge [sflag:s20], $0x1400  }
0x1e: {  	[sflag:s20] =	ssyncset.done $0x0  }
0x1f: {  	[sflag:s20] =	ssyncadd.s32 $0xFFFFEC00  }
0x20: {  	[tilespmem:s21], [sflag:$0x4] =	stream.linear.gather [hbm4b:s12+s3], $0x1400, $0x38;
	[tilespmem:$0x1E080] =	vst v63  }
0x21: {  	_ =	swait.ge [sflag:s20], $0x1400  }
0x22: {  	[sflag:s20] =	ssyncset.done $0x0  }
0x23: {  	[sflag:s20] =	ssyncadd.s32 $0xFFFFEC00  }
0x24: {  	[tilespmem:s23], [sflag:$0x1] =	stream.indirect.gather [hbm4b:s4+s22], $0x80, s3, s22, $0xb8;
	[tilespmem:$0x1E080] =	vst v63  }
0x25: {  	_ =	swait.ge [sflag:s24], $0x2700  }
0x26: {  	[sflag:s24] =	ssyncset.done $0x0  }
0x27: {  	s1 =	simm.s32 @!p0 $0x3;
	[sflag:s24] =	ssyncadd.s32 $0xFFFFD900  }
0x28: {  	_ =	swait.ge @!p0 [sflag:s1], $0x100  }
0x29: {  	[sflag:s1] =	ssyncset.done @!p0 $0x0  }
0x2a: {  	[sflag:s1] =	ssyncadd.s32 @!p0 $0xFFFFFF00  }
0x2b: {  	s9 =	simm.s32 $0x80;
	[bflag:$0x0] =	sbarrier.arrive $0xFFFF  }
0x2c: {  	[tilespmem:s25], [sflag:$0x2] =	stream.indirect.gather [hbm4b:s4+s22], $0x80, s9, s22, $0xb8;
	[tilespmem:$0x1E080] =	vst v63  }
0x2d: {  	_ =	swait.ge [sflag:s26], $0x4000  }
0x2e: {  	[sflag:s26] =	ssyncset.done $0x0  }
0x2f: {  	s5 =	simm.s32 $0x1400;
	[sflag:s26] =	ssyncadd.s32 $0xFFFFC000  }
0x30: {  	[spmem:s2] =	stream.indirect.scatter.add.f32 [tilespmem:s23], [sflag:$0x4], $0x80, s5, s22, $0xb8;
	[tilespmem:$0x1E080] =	vst v63  }
0x31: {  	_ =	swait.ge [sflag:s20], $0x4000  }
0x32: {  	[sflag:s20] =	ssyncset.done $0x0  }
0x33: {  	s6 =	simm.s32 $0x100;
	[sflag:s20] =	ssyncadd.s32 $0xFFFFC000  }
0x34: {  	[tilespmem:s23], [sflag:$0x1] =	stream.indirect.gather [hbm4b:s4+s22], $0x80, s6, s22, $0xb8;
	[tilespmem:$0x1E080] =	vst v63  }
0x35: {  	_ =	swait.ge [sflag:s28], $0x4000  }
0x36: {  	[sflag:s28] =	ssyncset.done $0x0  }
0x37: {  	s9 =	simm.s32 $0x1480;
	[sflag:s28] =	ssyncadd.s32 $0xFFFFC000  }
0x38: {  	[spmem:s2] =	stream.indirect.scatter.add.f32 [tilespmem:s25], [sflag:$0x4], $0x80, s9, s22, $0xb8;
	[tilespmem:$0x1E080] =	vst v63  }
0x39: {  	_ =	swait.ge [sflag:s20], $0x4000  }
0x3a: {  	s29 =	simm.s32 $0x800;
	s1 =	simm.s32 $0x100;
	[sflag:s20] =	ssyncset.done $0x0  }
.LBB2_2:
0x3b: {  	s5 =	sadd.s32 $0x80, s1  }
0x3c: {  	[sflag:s20] =	ssyncadd.s32 $0xFFFFC000;
	s6 =	smov.u32 s29;
	s9 =	sadd.s32 $0x400, s29  }
0x3d: {  	[tilespmem:s25], [sflag:$0x2] =	stream.indirect.gather [hbm4b:s4+s22], $0x80, s5, s22, $0xb8;
	[tilespmem:$0x1E080] =	vst v63  }
0x3e: {  	p2 =	sne.s32 s29, $0x4800;
	_ =	swait.ge [sflag:s26], $0x4000  }
0x3f: {  	[sflag:s26] =	ssyncset.done $0x0  }
0x40: {  	s5 =	sadd.s32 $0x1400, s1;
	[sflag:s26] =	ssyncadd.s32 $0xFFFFC000  }
0x41: {  	[spmem:s2] =	stream.indirect.scatter.add.f32 [tilespmem:s23], [sflag:$0x4], $0x80, s5, s22, $0xb8;
	[tilespmem:$0x1E080] =	vst v63  }
0x42: {  	_ =	swait.ge [sflag:s20], $0x4000  }
0x43: {  	[sflag:s20] =	ssyncset.done $0x0  }
0x44: {  	s5 =	sadd.s32 $0x100, s1;
	[sflag:s20] =	ssyncadd.s32 $0xFFFFC000  }
0x45: {  	[tilespmem:s23], [sflag:$0x1] =	stream.indirect.gather [hbm4b:s4+s22], $0x80, s5, s22, $0xb8;
	[tilespmem:$0x1E080] =	vst v63  }
0x46: {  	_ =	swait.ge [sflag:s28], $0x4000  }
.Ltmp0:
0x47: {  	[sflag:s28] =	ssyncset.done $0x0;
	(pc) =	sbr.rel @p2 .LBB2_2-.Ltmp0, $4  }
0x48: {  	s1 =	sadd.s32 $0x1480, s1;
	[sflag:s28] =	ssyncadd.s32 $0xFFFFC000  }
0x49: {  	[spmem:s2] =	stream.indirect.scatter.add.f32 [tilespmem:s25], [sflag:$0x4], $0x80, s1, s22, $0xb8;
	[tilespmem:$0x1E080] =	vst v63  }
0x4a: {  	_ =	swait.ge [sflag:s20], $0x4000  }
0x4b: {  	s29 =	smov.u32 s9;
	s1 =	sshra.s32 s6, $0x2;
	[sflag:s20] =	ssyncset.done $0x0  }
0x4c: {  	s5 =	sadd.s32 $0x80, s1;
	[sflag:s20] =	ssyncadd.s32 $0xFFFFC000  }
0x4d: {  	[tilespmem:s25], [sflag:$0x2] =	stream.indirect.gather [hbm4b:s4+s22], $0x80, s5, s22, $0xb8;
	[tilespmem:$0x1E080] =	vst v63  }
0x4e: {  	_ =	swait.ge [sflag:s26], $0x4000  }
0x4f: {  	[sflag:s26] =	ssyncset.done $0x0  }
0x50: {  	s6 =	sadd.s32 $0x1400, s1;
	[sflag:s26] =	ssyncadd.s32 $0xFFFFC000  }
0x51: {  	[spmem:s2] =	stream.indirect.scatter.add.f32 [tilespmem:s23], [sflag:$0x4], $0x80, s6, s22, $0xb8;
	[tilespmem:$0x1E080] =	vst v63  }
0x52: {  	_ =	swait.ge [sflag:s20], $0x4000  }
0x53: {  	[sflag:s20] =	ssyncset.done $0x0  }
0x54: {  	s9 =	sadd.s32 $0x100, s1;
	[sflag:s20] =	ssyncadd.s32 $0xFFFFC000  }
0x55: {  	[tilespmem:s23], [sflag:$0x1] =	stream.indirect.gather [hbm4b:s4+s22], $0x80, s9, s22, $0xb8;
	[tilespmem:$0x1E080] =	vst v63  }
0x56: {  	_ =	swait.ge [sflag:s28], $0x4000  }
0x57: {  	[sflag:s28] =	ssyncset.done $0x0  }
0x58: {  	s5 =	sadd.s32 $0x1480, s1;
	[sflag:s28] =	ssyncadd.s32 $0xFFFFC000  }
0x59: {  	[spmem:s2] =	stream.indirect.scatter.add.f32 [tilespmem:s25], [sflag:$0x4], $0x80, s5, s22, $0xb8;
	[tilespmem:$0x1E080] =	vst v63  }
0x5a: {  	_ =	swait.ge [sflag:s20], $0x4000  }
0x5b: {  	[sflag:s20] =	ssyncset.done $0x0  }
0x5c: {  	s6 =	simm.s32 $0x1380;
	[sflag:s20] =	ssyncadd.s32 $0xFFFFC000  }
0x5d: {  	[tilespmem:s25], [sflag:$0x2] =	stream.indirect.gather [hbm4b:s4+s22], $0x80, s6, s22, $0xb8;
	[tilespmem:$0x1E080] =	vst v63  }
0x5e: {  	_ =	swait.ge [sflag:s26], $0x4000  }
0x5f: {  	[sflag:s26] =	ssyncset.done $0x0  }
0x60: {  	s9 =	simm.s32 $0x2700;
	[sflag:s26] =	ssyncadd.s32 $0xFFFFC000  }
0x61: {  	[spmem:s2] =	stream.indirect.scatter.add.f32 [tilespmem:s23], [sflag:$0x4], $0x80, s9, s22, $0xb8;
	[tilespmem:$0x1E080] =	vst v63  }
0x62: {  	_ =	swait.ge [sflag:s20], $0x4000  }
0x63: {  	[sflag:s20] =	ssyncset.done $0x0  }
0x64: {  	[sflag:s20] =	ssyncadd.s32 $0xFFFFC000  }
0x65: {  	_ =	swait.ge [sflag:s28], $0x4000  }
0x66: {  	[sflag:s28] =	ssyncset.done $0x0  }
0x67: {  	s5 =	simm.s32 $0x2780;
	[sflag:s28] =	ssyncadd.s32 $0xFFFFC000  }
0x68: {  	[spmem:s2] =	stream.indirect.scatter.add.f32 [tilespmem:s25], [sflag:$0x4], $0x80, s5, s22, $0xb8;
	[tilespmem:$0x1E080] =	vst v63  }
0x69: {  	_ =	swait.ge [sflag:s20], $0x4000  }
0x6a: {  	[sflag:s20] =	ssyncset.done $0x0  }
0x6b: {  	s6 =	simm.s32 $0x0;
	[sflag:s20] =	ssyncadd.s32 $0xFFFFC000  }
0x6c: {  	[tilespmem:s6], [sflag:$0x4] =	stream.linear.gather [hbm4b:s13+s6], $0x1400, $0x38;
	[tilespmem:$0x1E080] =	vst v63  }
0x6d: {  	_ =	swait.ge [sflag:s20], $0x1400  }
0x6e: {  	[sflag:s20] =	ssyncset.done $0x0  }
0x6f: {  	[sflag:s20] =	ssyncadd.s32 $0xFFFFEC00  }
0x70: {  	[tilespmem:s21], [sflag:$0x4] =	stream.linear.gather [hbm4b:s14+s6], $0x1400, $0x38;
	[tilespmem:$0x1E080] =	vst v63  }
0x71: {  	_ =	swait.ge [sflag:s20], $0x1400  }
0x72: {  	[sflag:s20] =	ssyncset.done $0x0  }
0x73: {  	[sflag:s20] =	ssyncadd.s32 $0xFFFFEC00  }
0x74: {  	[tilespmem:s23], [sflag:$0x1] =	stream.indirect.gather [hbm4b:s4+s22], $0x80, s6, s22, $0xb8;
	[tilespmem:$0x1E080] =	vst v63  }
0x75: {  	s9 =	simm.s32 $0x80  }
0x76: {  	[tilespmem:s25], [sflag:$0x2] =	stream.indirect.gather [hbm4b:s4+s22], $0x80, s9, s22, $0xb8;
	[tilespmem:$0x1E080] =	vst v63  }
0x77: {  	_ =	swait.ge [sflag:s26], $0x4000  }
0x78: {  	[sflag:s26] =	ssyncset.done $0x0  }
0x79: {  	s5 =	simm.s32 $0x1400;
	[sflag:s26] =	ssyncadd.s32 $0xFFFFC000  }
0x7a: {  	[spmem:s2] =	stream.indirect.scatter.add.f32 [tilespmem:s23], [sflag:$0x4], $0x80, s5, s22, $0xb8;
	[tilespmem:$0x1E080] =	vst v63  }
0x7b: {  	_ =	swait.ge [sflag:s20], $0x4000  }
0x7c: {  	[sflag:s20] =	ssyncset.done $0x0  }
0x7d: {  	s6 =	simm.s32 $0x100;
	[sflag:s20] =	ssyncadd.s32 $0xFFFFC000  }
0x7e: {  	[tilespmem:s23], [sflag:$0x1] =	stream.indirect.gather [hbm4b:s4+s22], $0x80, s6, s22, $0xb8;
	[tilespmem:$0x1E080] =	vst v63  }
0x7f: {  	_ =	swait.ge [sflag:s28], $0x4000  }
0x80: {  	[sflag:s28] =	ssyncset.done $0x0  }
0x81: {  	s9 =	simm.s32 $0x1480;
	[sflag:s28] =	ssyncadd.s32 $0xFFFFC000  }
0x82: {  	[spmem:s2] =	stream.indirect.scatter.add.f32 [tilespmem:s25], [sflag:$0x4], $0x80, s9, s22, $0xb8;
	[tilespmem:$0x1E080] =	vst v63  }
0x83: {  	_ =	swait.ge [sflag:s20], $0x4000  }
0x84: {  	s29 =	simm.s32 $0x800;
	s1 =	simm.s32 $0x100;
	[sflag:s20] =	ssyncset.done $0x0  }
.LBB2_4:
0x85: {  	s5 =	sadd.s32 $0x80, s1  }
0x86: {  	[sflag:s20] =	ssyncadd.s32 $0xFFFFC000;
	s6 =	smov.u32 s29;
	s9 =	sadd.s32 $0x400, s29  }
0x87: {  	[tilespmem:s25], [sflag:$0x2] =	stream.indirect.gather [hbm4b:s4+s22], $0x80, s5, s22, $0xb8;
	[tilespmem:$0x1E080] =	vst v63  }
0x88: {  	p2 =	sne.s32 s29, $0x4400;
	_ =	swait.ge [sflag:s26], $0x4000  }
0x89: {  	[sflag:s26] =	ssyncset.done $0x0  }
0x8a: {  	s5 =	sadd.s32 $0x1400, s1;
	[sflag:s26] =	ssyncadd.s32 $0xFFFFC000  }
0x8b: {  	[spmem:s2] =	stream.indirect.scatter.add.f32 [tilespmem:s23], [sflag:$0x4], $0x80, s5, s22, $0xb8;
	[tilespmem:$0x1E080] =	vst v63  }
0x8c: {  	_ =	swait.ge [sflag:s20], $0x4000  }
0x8d: {  	[sflag:s20] =	ssyncset.done $0x0  }
0x8e: {  	s5 =	sadd.s32 $0x100, s1;
	[sflag:s20] =	ssyncadd.s32 $0xFFFFC000  }
0x8f: {  	[tilespmem:s23], [sflag:$0x1] =	stream.indirect.gather [hbm4b:s4+s22], $0x80, s5, s22, $0xb8;
	[tilespmem:$0x1E080] =	vst v63  }
0x90: {  	_ =	swait.ge [sflag:s28], $0x4000  }
.Ltmp1:
0x91: {  	[sflag:s28] =	ssyncset.done $0x0;
	(pc) =	sbr.rel @p2 .LBB2_4-.Ltmp1, $4  }
0x92: {  	s1 =	sadd.s32 $0x1480, s1;
	[sflag:s28] =	ssyncadd.s32 $0xFFFFC000  }
0x93: {  	[spmem:s2] =	stream.indirect.scatter.add.f32 [tilespmem:s25], [sflag:$0x4], $0x80, s1, s22, $0xb8;
	[tilespmem:$0x1E080] =	vst v63  }
0x94: {  	_ =	swait.ge [sflag:s20], $0x4000  }
0x95: {  	s29 =	smov.u32 s9;
	s1 =	sshra.s32 s6, $0x2;
	[sflag:s20] =	ssyncset.done $0x0  }
0x96: {  	s5 =	sadd.s32 $0x80, s1;
	[sflag:s20] =	ssyncadd.s32 $0xFFFFC000  }
0x97: {  	[tilespmem:s25], [sflag:$0x2] =	stream.indirect.gather [hbm4b:s4+s22], $0x80, s5, s22, $0xb8;
	[tilespmem:$0x1E080] =	vst v63  }
0x98: {  	_ =	swait.ge [sflag:s26], $0x4000  }
0x99: {  	[sflag:s26] =	ssyncset.done $0x0  }
0x9a: {  	s9 =	sadd.s32 $0x1400, s1;
	[sflag:s26] =	ssyncadd.s32 $0xFFFFC000  }
0x9b: {  	[spmem:s2] =	stream.indirect.scatter.add.f32 [tilespmem:s23], [sflag:$0x4], $0x80, s9, s22, $0xb8;
	[tilespmem:$0x1E080] =	vst v63  }
0x9c: {  	_ =	swait.ge [sflag:s20], $0x4000  }
0x9d: {  	[sflag:s20] =	ssyncset.done $0x0  }
0x9e: {  	s29 =	sadd.s32 $0x100, s1;
	[sflag:s20] =	ssyncadd.s32 $0xFFFFC000  }
0x9f: {  	[tilespmem:s23], [sflag:$0x1] =	stream.indirect.gather [hbm4b:s4+s22], $0x80, s29, s22, $0xb8;
	[tilespmem:$0x1E080] =	vst v63  }
0xa0: {  	_ =	swait.ge [sflag:s28], $0x4000  }
0xa1: {  	[sflag:s28] =	ssyncset.done $0x0  }
0xa2: {  	s5 =	sadd.s32 $0x1480, s1;
	[sflag:s28] =	ssyncadd.s32 $0xFFFFC000  }
0xa3: {  	[spmem:s2] =	stream.indirect.scatter.add.f32 [tilespmem:s25], [sflag:$0x4], $0x80, s5, s22, $0xb8;
	[tilespmem:$0x1E080] =	vst v63  }
0xa4: {  	_ =	swait.ge [sflag:s20], $0x4000  }
0xa5: {  	[sflag:s20] =	ssyncset.done $0x0  }
0xa6: {  	s6 =	simm.s32 $0x1280;
	[sflag:s20] =	ssyncadd.s32 $0xFFFFC000  }
0xa7: {  	[tilespmem:s25], [sflag:$0x2] =	stream.indirect.gather [hbm4b:s4+s22], $0x80, s6, s22, $0xb8;
	[tilespmem:$0x1E080] =	vst v63  }
0xa8: {  	_ =	swait.ge [sflag:s26], $0x4000  }
0xa9: {  	[sflag:s26] =	ssyncset.done $0x0  }
0xaa: {  	s9 =	simm.s32 $0x2600;
	[sflag:s26] =	ssyncadd.s32 $0xFFFFC000  }
0xab: {  	[spmem:s2] =	stream.indirect.scatter.add.f32 [tilespmem:s23], [sflag:$0x4], $0x80, s9, s22, $0xb8;
	[tilespmem:$0x1E080] =	vst v63  }
0xac: {  	_ =	swait.ge [sflag:s20], $0x4000  }
0xad: {  	[sflag:s20] =	ssyncset.done $0x0  }
0xae: {  	[sflag:s20] =	ssyncadd.s32 $0xFFFFC000  }
0xaf: {  	_ =	swait.ge [sflag:s28], $0x4000  }
0xb0: {  	[sflag:s28] =	ssyncset.done $0x0  }
0xb1: {  	s29 =	simm.s32 $0x2680;
	[sflag:s28] =	ssyncadd.s32 $0xFFFFC000  }
0xb2: {  	[spmem:s2] =	stream.indirect.scatter.add.f32 [tilespmem:s25], [sflag:$0x4], $0x80, s29, s22, $0xb8;
	[tilespmem:$0x1E080] =	vst v63  }
0xb3: {  	_ =	swait.ge [sflag:s20], $0x4000  }
0xb4: {  	[sflag:s20] =	ssyncset.done $0x0  }
0xb5: {  	s1 =	simm.s32 @!p1 $0x0;
	s5 =	simm.s32 @!p1 $0x4;
	[sflag:s20] =	ssyncadd.s32 $0xFFFFC000  }
0xb6: {  	[tilespmem:s1], [sflag:$0x4] =	stream.linear.gather @!p1 [hbm4b:s15+s1], $0x80, $0x38;
	[tilespmem:$0x1E080] =	vst v63  }
0xb7: {  	_ =	swait.ge @!p1 [sflag:s5], $0x80  }
0xb8: {  	[sflag:s5] =	ssyncset.done @!p1 $0x0  }
0xb9: {  	s6 =	simm.s32 @!p1 $0x1400;
	[sflag:s5] =	ssyncadd.s32 @!p1 $0xFFFFFF80  }
0xba: {  	[tilespmem:s6], [sflag:$0x4] =	stream.linear.gather @!p1 [hbm4b:s16+s1], $0x80, $0x38;
	[tilespmem:$0x1E080] =	vst v63  }
0xbb: {  	_ =	swait.ge @!p1 [sflag:s5], $0x80  }
0xbc: {  	[sflag:s5] =	ssyncset.done @!p1 $0x0  }
0xbd: {  	s9 =	simm.s32 @!p1 $0x80;
	s29 =	simm.s32 @!p1 $0x2800;
	[sflag:s5] =	ssyncadd.s32 @!p1 $0xFFFFFF80  }
0xbe: {  	[tilespmem:s29], [sflag:$0x1] =	stream.indirect.gather @!p1 [hbm4b:s4+s9], $0x80, s1, s9, $0xb8;
	[tilespmem:$0x1E080] =	vst v63  }
0xbf: {  	s1 =	simm.s32 @!p1 $0x1  }
0xc0: {  	_ =	swait.ge @!p1 [sflag:s1], $0x4000  }
0xc1: {  	[sflag:s1] =	ssyncset.done @!p1 $0x0  }
0xc2: {  	[sflag:s1] =	ssyncadd.s32 @!p1 $0xFFFFC000  }
0xc3: {  	[spmem:s2] =	stream.indirect.scatter.add.f32 @!p1 [tilespmem:s29], [sflag:$0x4], $0x80, s6, s9, $0xb8;
	[tilespmem:$0x1E080] =	vst v63  }
0xc4: {  	_ =	swait.ge @!p1 [sflag:s5], $0x4000  }
0xc5: {  	[sflag:s5] =	ssyncset.done @!p1 $0x0  }
0xc6: {  	[sflag:s5] =	ssyncadd.s32 @!p1 $0xFFFFC000  }
0xc7: {  	s1 =	sor.u32 $0x1C04, s7;
	[bflag:$0x0] =	sbarrier.arrive $0xFFFF  }
0xc8: {  	[hbm:s17], [sflag:s1] =	dma.local [spmem:s0], $0x2700  }
0xc9: {  	s30 =	sadd.s32 $0x1, s30;
	_ =	swait.ge [sflag:s20], $0x2700  }
0xca: {  	p2 =	sne.s32 s30, s19;
	[sflag:s20] =	ssyncset.done $0x0  }
.Ltmp2:
0xcb: {  	s0 =	simm.s32 @!p0 $0x4;
	[sflag:s20] =	ssyncadd.s32 $0xFFFFD900;
	(pc) =	sbr.rel @p2 .LBB2_1-.Ltmp2, $4  }
0xcc: {  	[hbm:s18], [sflag:s1] =	dma.local @!p0 [spmem:s31], $0x100  }
0xcd: {  	_ =	swait.ge @!p0 [sflag:s0], $0x100  }
0xce: {  	[sflag:s0] =	ssyncset.done @!p0 $0x0  }
0xcf: {  	[sflag:s0] =	ssyncadd.s32 @!p0 $0xFFFFFF00  }
0xd0: {  	_ =	sfence.sel $0x180000  }
0xd1: {  	[bflag:$0x0] =	sbarrier.arrive $0xFFFF  }
0xd2: {  	_ =	strace $0x9000004A  }
0xd3: {  	s0 =	stileid.u32;
	[bflag:$0x2] =	sbarrier.arrive $0xFFFF  }
0xd4: {  	p0 =	sne.s32 s0, $0x0;
	s0 =	rddreg [dreg:$0x2]  }
0xd5: {  	s0 =	sadd.s32 @!p0 $0x100000, s0  }
0xd6: {  	[sflag:s0] =	ssyncadd.tile.s32 @!p0 $0x1;
	_ =	shalt  }
.Lfunc_end2:
_tile_overlayer_lowered:
.L_overlay_start_2:
0xd7: {  	(tag) =	ssettag $0x2  }
0xd8: {  	s0 =	rddreg [dreg:$0x0];
	s2 =	stileid.u32  }
0xd9: {  	s1 =	rddreg [dreg:$0x1];
	p0 =	sne.s32 s2, $0x0  }
0xda: {  	s3 =	rddreg [dreg:$0x2];
	[bflag:$0x3] =	sbarrier.arrive $0xFFFF;
	s2 =	simm.s32 @!p0 $0x1C04  }
0xdb: {  	[timem:s3], [sflag:s2] =	dma.local @!p0 [hbm:s0], s1  }
0xdc: {  	s0 =	simm.s32 @!p0 $0x4  }
0xdd: {  	_ =	swait.ge @!p0 [sflag:s0], s1  }
0xde: {  	s1 =	ssub.s32 @!p0 $0x0, s1;
	[sflag:s0] =	ssyncset.done @!p0 $0x0  }
0xdf: {  	[sflag:s0] =	ssyncadd.s32 @!p0 s1  }
0xe0: {  	[bflag:$0x3] =	sbarrier.arrive $0xFFFF  }
0xe1: {  	_ =	shalt  }

// kernel: kernel.15.cloned.1.call-start
scs
__scs_entry_jumppad:
0x0: {  	(pc) =	sbr.rel $0x88, $3  }
0x1: {  	(tag) =	ssettag $0x0;
	lr =	simm.s32 $0x1  }
0x2: {  	[smem:$0x3F94] =	sst lr;
	_ =	strace $0xD0000000  }
0x3: {  	_ = 	snop  }
0x4: {  	_ = 	snop  }
0x5: {  	_ = 	snop  }
0x6: {  	_ = 	snop  }
0x7: {  	_ = 	snop  }
__scs_overlays_trampoline_lowered:
0x8: {  	[smem:$0x3FA3] =	sst s0  }
0x9: {  	[smem:$0x3FA4] =	sst s1  }
0xa: {  	[smem:$0x3FA5] =	sst s2  }
0xb: {  	[smem:$0x3FA6] =	sst s3  }
0xc: {  	[smem:$0x3FA7] =	sst s4  }
0xd: {  	[smem:$0x3FA8] =	sst s5  }
0xe: {  	[smem:$0x3FA9] =	sst s6  }
0xf: {  	[smem:$0x3FAA] =	sst s7  }
0x10: {  	[smem:$0x3FAB] =	sst s8  }
0x11: {  	[smem:$0x3FAC] =	sst s9;
	s0 =	simm.s32 @!p0 $0x0  }
0x12: {  	s1 =	sld [smem:$0x3F92];
	s0 =	simm.s32 @p0 $0x1  }
0x13: {  	[smem:$0x3FAD] =	sst s0;
	s0 =	simm.s32 @!p1 $0x0  }
0x14: {  	s2 =	sld [smem:$0x3F91];
	s0 =	simm.s32 @p1 $0x1  }
0x15: {  	[smem:$0x3FAE] =	sst s0;
	s0 =	simm.s32 @!p2 $0x0  }
0x16: {  	s3 =	sld [smem:$0x3FDB];
	s0 =	simm.s32 @p2 $0x1  }
0x17: {  	s4 =	simm.s32 $0x1BF5;
	[smem:$0x3FB0] =	sst s0  }
0x18: {  	s0 =	sld [smem:$0x3F93];
	_ =	swait.ge [sflag:s4], $0x0  }
0x19: {  	s7 =	sld [smem:$0x3F94]  }
0x1a: {  	s8 =	sadd.s32 $0xFFFFE003, lr  }
0x1b: {  	s9 =	sadd.s32 $0xFFFFFEF7, lr;
	s5 =	simm.s32 $0xFFFFFFFF;
	p2 =	slt.u32 s8, $0xFFFFF086  }
0x1c: {  	p1 =	slt.u32 s9, $0xF7A;
	s5 =	simm.s32 @!p2 $0x0  }
0x1d: {  	s5 =	simm.s32 @p1 $0x1;
	p0 =	seq.s32 s7, s2  }
0x1e: {  	s7 =	smul.u32 @!p0 $0xF7A, s2;
	p2 =	seq.s32 @!p0 s5, $0x0  }
0x1f: {  	s9 =	smul.u32 $0xF7A, s1;
	s8 =	simm.s32 @!p0 $0x1BF5;
	p2 =	por !p2, p0  }
0x20: {  	[sflag:s8] =	ssyncset.s32 @!p0 $0xFFFFF086;
	s6 =	sadd.s32 @!p0 s3, s7;
	s7 =	simm.s32 @!p0 $0x108  }
0x21: {  	s3 =	sadd.s32 s3, s9;
	s6 =	sadd.s32 @!p0 $0x88, s6;
	s7 =	simm.s32 @p2 $0x1082  }
0x22: {  	[simem:s7], [sflag:s8] =	dma.local @!p0 [hbm:s6], $0xF7A  }
0x23: {  	s9 =	sor.u32 $0xD0000000, s2;
	s6 =	simm.s32 $0x108;
	_ =	swait.ge @!p0 [sflag:s8], $0x0  }
0x24: {  	s3 =	sadd.s32 $0x88, s3;
	s6 =	simm.s32 @!p1 $0x1082;
	[sflag:s4] =	ssyncset.s32 $0xFFFFF086  }
0x25: {  	[simem:s6], [sflag:s4] =	dma.local [hbm:s3], $0xF7A  }
0x26: {  	[smem:$0x3F94] =	sst s1;
	(tag) =	ssettag s2;
	_ =	strace s9  }
0x27: {  	s1 =	sld [smem:$0x3FA4]  }
0x28: {  	s2 =	sld [smem:$0x3FA5]  }
0x29: {  	s4 =	sld [smem:$0x3FA7]  }
0x2a: {  	p0 =	seq.s32 s5, $0x0;
	s5 =	sld [smem:$0x3FA8]  }
0x2b: {  	s6 =	sld [smem:$0x3FA9]  }
0x2c: {  	s7 =	sld [smem:$0x3FAA]  }
0x2d: {  	s3 =	simm.s32 $0x108;
	s8 =	sld [smem:$0x3FAB]  }
0x2e: {  	s3 =	simm.s32 @!p0 $0x1082;
	s9 =	sld [smem:$0x3FAC]  }
0x2f: {  	lr =	sadd.s32 s0, s3;
	s0 =	sld [smem:$0x3FA3]  }
0x30: {  	s3 =	sld [smem:$0x3FA6]  }
0x31: {  	[smem:$0x3FAF] =	sst s10  }
0x32: {  	s10 =	sld [smem:$0x3FAD];
	_ =	sdelay $0x3  }
0x33: {  	p0 =	seq.s32 s10, $0x1;
	s10 =	sld [smem:$0x3FAF];
	_ =	sdelay $0x3  }
0x34: {  	[smem:$0x3FAF] =	sst s10  }
0x35: {  	s10 =	sld [smem:$0x3FAE];
	_ =	sdelay $0x3  }
0x36: {  	p1 =	seq.s32 s10, $0x1;
	s10 =	sld [smem:$0x3FAF];
	_ =	sdelay $0x3  }
0x37: {  	[smem:$0x3FAF] =	sst s10  }
0x38: {  	s10 =	sld [smem:$0x3FB0]  }
0x39: {  	_ = 	snop;
	(pc) =	sbr.ind lr, $3  }
0x3a: {  	_ = 	snop  }
0x3b: {  	_ = 	snop  }
0x3c: {  	p2 =	seq.s32 s10, $0x1;
	s10 =	sld [smem:$0x3FAF]  }
0x3d: {  	_ =	shalt  }
0x3e: {  	_ =	shalt  }
0x3f: {  	_ =	shalt  }
0x40: {  	_ =	shalt  }
0x41: {  	_ =	shalt  }
0x42: {  	_ =	shalt  }
0x43: {  	_ =	shalt  }
0x44: {  	_ =	shalt  }
0x45: {  	_ =	shalt  }
0x46: {  	_ =	shalt  }
0x47: {  	_ =	shalt  }
0x48: {  	_ =	shalt  }
0x49: {  	_ =	shalt  }
0x4a: {  	_ =	shalt  }
0x4b: {  	_ =	shalt  }
0x4c: {  	_ =	shalt  }
0x4d: {  	_ =	shalt  }
0x4e: {  	_ =	shalt  }
0x4f: {  	_ =	shalt  }
0x50: {  	_ =	shalt  }
0x51: {  	_ =	shalt  }
0x52: {  	_ =	shalt  }
0x53: {  	_ =	shalt  }
0x54: {  	_ =	shalt  }
0x55: {  	_ =	shalt  }
0x56: {  	_ =	shalt  }
0x57: {  	_ =	shalt  }
0x58: {  	_ =	shalt  }
0x59: {  	_ =	shalt  }
0x5a: {  	_ =	shalt  }
0x5b: {  	_ =	shalt  }
0x5c: {  	_ =	shalt  }
0x5d: {  	_ =	shalt  }
0x5e: {  	_ =	shalt  }
0x5f: {  	_ =	shalt  }
0x60: {  	_ =	shalt  }
0x61: {  	_ =	shalt  }
0x62: {  	_ =	shalt  }
0x63: {  	_ =	shalt  }
0x64: {  	_ =	shalt  }
0x65: {  	_ =	shalt  }
0x66: {  	_ =	shalt  }
0x67: {  	_ =	shalt  }
0x68: {  	_ =	shalt  }
0x69: {  	_ =	shalt  }
0x6a: {  	_ =	shalt  }
0x6b: {  	_ =	shalt  }
0x6c: {  	_ =	shalt  }
0x6d: {  	_ =	shalt  }
0x6e: {  	_ =	shalt  }
0x6f: {  	_ =	shalt  }
0x70: {  	_ =	shalt  }
0x71: {  	_ =	shalt  }
0x72: {  	_ =	shalt  }
0x73: {  	_ =	shalt  }
0x74: {  	_ =	shalt  }
0x75: {  	_ =	shalt  }
0x76: {  	_ =	shalt  }
0x77: {  	_ =	shalt  }
0x78: {  	_ =	shalt  }
0x79: {  	_ =	shalt  }
0x7a: {  	_ =	shalt  }
0x7b: {  	_ =	shalt  }
0x7c: {  	_ =	shalt  }
0x7d: {  	_ =	shalt  }
0x7e: {  	_ =	shalt  }
0x7f: {  	_ =	shalt  }
0x80: {  	_ =	shalt  }
0x81: {  	_ =	shalt  }
0x82: {  	_ =	shalt  }
0x83: {  	_ =	shalt  }
0x84: {  	_ =	shalt  }
0x85: {  	_ =	shalt  }
0x86: {  	_ =	shalt  }
0x87: {  	_ =	shalt  }
.Lfunc_end0:
.L_simem_size_0:
called_computation.2_lowered:
.L_overlay_start_0:
0x88: {  	s2 =	sld [smem:$0x3FD9]  }
0x89: {  	s3 =	sld [smem:$0x3FFE];
	_ =	sdelay $0x1  }
0x8a: {  	s1 =	srdreg.scid  }
0x8b: {  	s0 =	sand.u32 $0x1, s1  }
0x8c: {  	s16 =	sshll.u32 s0, $0xA;
	s2 =	sadd.s32 s3, s2  }
0x8d: {  	s2 =	sadd.s32 s2, s16  }
0x8e: {  	[smem:$0x3FBB] =	sst s2  }
0x8f: {  	_ = 	snop  }
0x90: {  	(tm) =	ssettm $0x1  }
0x91: {  	s17 =	sld [smem:$0x3FFB];
	_ =	sdelay $0x3  }
0x92: {  	_ =	strace s17  }
0x93: {  	s2 =	sld [smem:$0x3FFC];
	_ =	sdelay $0x3  }
0x94: {  	_ =	strace s2  }
0x95: {  	s2 =	sld [smem:$0x3FFD];
	_ =	sdelay $0x3  }
0x96: {  	_ =	strace s2  }
0x97: {  	_ =	strace $0x8FFFFFFF  }
0x98: {  	s18 =	sld [smem:$0x3FDB];
	_ =	sdelay $0x1  }
0x99: {  	s19 =	simm.s32 $_scs_section_size  }
0x9a: {  	s4 =	simm.s32 $_size__tile_overlayer_lowered;
	s5 =	simm.s32 $_tile_overlayer_lowered  }
0x9b: {  	s22 =	simm.s32 $0x1BFF;
	s21 =	sshll.u32 s5, $0x1;
	s2 =	sadd.s32 s19, s18  }
0x9c: {  	s6 =	simm.s32 $0x0;
	s20 =	sshll.u32 s4, $0x1;
	s4 =	sadd.s32 s21, s2  }
0x9d: {  	[timem:s6], [sflag:s22] =	dma.local [hbm:s4], s20  }
0x9e: {  	_ =	swait.ge [sflag:s22], s20  }
0x9f: {  	s3 =	ssub.s32 $0x0, s20;
	[sflag:s22] =	ssyncset.done $0x0  }
0xa0: {  	[sflag:s22] =	ssyncadd.s32 s3;
	_ =	sdelay $0x1  }
0xa1: {  	s23 =	simm.s32 $0x1B8B  }
0xa2: {  	_ =	swait.ge [sflag:s23], $0x1  }
0xa3: {  	[sflag:s23] =	ssyncset.done $0x0  }
0xa4: {  	s25 =	simm.s32 $0x1B8E;
	s24 =	sld [smem:$0x3FFE];
	[sflag:s23] =	ssyncadd.s32 $0xFFFFFFFF  }
0xa5: {  	s26 =	simm.s32 $execute0_lowered;
	[smem:$0x3FD2] =	sst s25  }
0xa6: {  	s4 =	sshll.u32 s26, $0x1;
	_ =	strace $0x8000004C;
	[dreg:$0x1] =	wrdreg $0xFFFFFFFF  }
0xa7: {  	s28 =	simm.s32 $_size_execute0_lowered;
	s2 =	sadd.s32 s2, s4;
	[dreg:$0x0] =	wrdreg $0x0  }
0xa8: {  	s4 =	sshll.u32 s28, $0x1;
	[dreg:$0x2] =	wrdreg s2  }
0xa9: {  	[dreg:$0x3] =	wrdreg s4  }
0xaa: {  	[dreg:$0x4] =	wrdreg $0xC0  }
0xab: {  	_ =	task [dreg:s6], $0x5FFFF  }
0xac: {  	[dreg:$0x1] =	wrdreg $0xFFFFFFFF  }
0xad: {  	[dreg:$0x0] =	wrdreg $0x60  }
0xae: {  	[dreg:$0x2] =	wrdreg s24  }
0xaf: {  	[dreg:$0x3] =	wrdreg $0xA8000  }
0xb0: {  	[dreg:$0x4] =	wrdreg $0x9  }
0xb1: {  	_ =	task.clear_ibuf [dreg:s6], $0x5FFFF;
	_ =	strace $0x9000004C  }
0xb2: {  	s29 =	simm.s32 $0x9;
	_ =	strace $0x8000004E  }
0xb3: {  	_ =	swait.ge [sflag:s29], $0x1  }
0xb4: {  	[sflag:s29] =	ssyncadd.s32 $0xFFFFFFFF  }
0xb5: {  	_ =	strace $0x9000004E  }
0xb6: {  	_ =	sfence  }
0xb7: {  	s30 =	sld [smem:$0x0];
	_ =	sdelay $0x2  }
0xb8: {  	s31 =	sshll.u32 s1, $0xD;
	s1 =	sshrl.u32 s1, $0x2  }
0xb9: {  	s3 =	sand.u32 $0x4000, s31;
	s1 =	sadd.s32 s1, s30  }
0xba: {  	s0 =	sor.u32 s3, s0;
	s1 =	sshll.u32 s1, $0x11  }
0xbb: {  	s0 =	sor.u32 s1, s0  }
0xbc: {  	s0 =	sadd.s32 $0x8F2B, s0  }
0xbd: {  	[sflag:s0] =	ssyncadd.remote.s32 $0x1  }
0xbe: {  	_ =	sfence.sel $0xFFFF  }
0xbf: {  	[dreg:$0x0] =	wrdreg $0xFFFFFFFF;
	(pc) =	sbr.abs _section_cstart, $3  }
0xc0: {  	[dreg:$0x1] =	wrdreg $0xFFFFFFFF  }
0xc1: {  	_ =	task.clear_ibuf [dreg:s6], $0x2FFFF;
	_ =	strace $0x9FFFFFFF  }
0xc2: {  	(tm) =	ssettm $0x7FFFFFFF  }
0xc3: {  	_ =	shalt  }
tec
execute0_lowered:
.L_overlay_start_1:
0x0: {  	(tag) =	ssettag $0x1  }
0x1: {  	s0 =	rddreg [dreg:$0x0]  }
0x2: {  	s2 =	rddreg [dreg:$0x1];
	s3 =	simm.s32 $0x0;
	s20 =	stileid.u32  }
0x3: {  	s7 =	srdreg.scid;
	s28 =	simm.s32 $0x2;
	s30 =	simm.s32 $0x0  }
0x4: {  	[smem:$0x7FF] =	sst s3;
	s1 =	smul.u32 $0x13800, s20;
	s4 =	sadd.s32 $0x16E00, s0  }
0x5: {  	s13 =	sadd.s32 $0xCA00, s0;
	s14 =	sadd.s32 $0x2A00, s0;
	s5 =	sshll.u32 s20, $0x4  }
0x6: {  	s11 =	sand.u32 $0x1, s7;
	s8 =	smul.u32 $0x4E000, s20;
	s17 =	sadd.s32 $0x65200, s0  }
0x7: {  	s24 =	sadd.s32 $0x138000, s2;
	p0 =	sne.s32 s20, $0xF;
	_ =	strace $0x8000004D  }
0x8: {  	s16 =	sadd.s32 s5, s0;
	s21 =	ssub.s32 $0x2, s11;
	s7 =	sshll.u32 s11, $0x4  }
0x9: {  	[dreg:$0x5] =	wrdreg s24;
	s15 =	smul.u32 $0x138800, s11;
	s24 =	simm.s32 $0x3  }
0xa: {  	s6 =	sshrl.u32 s1, $0x3;
	s9 =	sshrl.u32 s21, $0x1;
	s25 =	sor.u32 s20, s7  }
0xb: {  	s22 =	sshrl.u32 s8, $0x2;
	s7 =	sshll.u32 s20, $0x6;
	s20 =	simm.s32 $0x4  }
0xc: {  	s6 =	sadd.s32 s6, s0;
	s19 =	ssub.s32 s21, s9;
	s10 =	smul.u32 $0x2800, s25  }
0xd: {  	s5 =	sadd.s32 s22, s2;
	s8 =	sor.u32 $0x1C03, s7;
	s29 =	sadd.s32 s1, s15  }
0xe: {  	s31 =	sshrl.u32 s15, $0x3;
	s15 =	sadd.s32 $0x16C00, s16;
	s16 =	sadd.s32 $0x16A00, s16  }
0xf: {  	s21 =	simm.s32 $0x1400;
	s22 =	simm.s32 $0x80;
	p1 =	sgt.u32 s25, $0x3  }
0x10: {  	s25 =	simm.s32 $0x6800;
	[dreg:$0x3] =	wrdreg s5;
	s23 =	sadd.s32 $0x3E000, s6  }
0x11: {  	s1 =	sadd.s32 s17, s31;
	s19 =	smax.u32 s19, $0x1;
	[dreg:$0x4] =	wrdreg s23  }
0x12: {  	s12 =	sshrl.u32 s10, $0x3;
	s10 =	sadd.s32 $0x65000, s0;
	s0 =	sshrl.u32 s29, $0x3  }
0x13: {  	s18 =	sadd.s32 $0x27000, s1;
	s23 =	simm.s32 $0x2800;
	s26 =	sadd.s32 $0x280, s12  }
0x14: {  	s11 =	sadd.s32 s13, s12;
	s12 =	sadd.s32 s14, s12;
	s17 =	sadd.s32 s17, s0  }
0x15: {  	s13 =	sadd.s32 s13, s26;
	s14 =	sadd.s32 s14, s26;
	s26 =	simm.s32 $0x1  }
.LBB2_1:
0x16: {  	s0 =	rddreg [dreg:$0x3]  }
0x17: {  	s1 =	rddreg [dreg:$0x4];
	s0 =	sshrl.u32 s0, $0x3  }
0x18: {  	[spmem:s0], [sflag:s8] =	dma.local [hbm:s1], $0x2700  }
0x19: {  	s1 =	rddreg [dreg:$0x5]  }
0x1a: {  	s31 =	sshrl.u32 @!p0 s1, $0x3  }
0x1b: {  	[spmem:s31], [sflag:s8] =	dma.local @!p0 [hbm:s10], $0x100  }
0x1c: {  	[tilespmem:s3], [sflag:$0x4] =	stream.linear.gather [hbm4b:s11+s3], $0x1400, $0x38;
	[tilespmem:$0x1E080] =	vst v63  }
0x1d: {  	_ =	swait.ge [sflag:s20], $0x1400  }
0x1e: {  	[sflag:s20] =	ssyncset.done $0x0  }
0x1f: {  	[sflag:s20] =	ssyncadd.s32 $0xFFFFEC00  }
0x20: {  	[tilespmem:s21], [sflag:$0x4] =	stream.linear.gather [hbm4b:s12+s3], $0x1400, $0x38;
	[tilespmem:$0x1E080] =	vst v63  }
0x21: {  	_ =	swait.ge [sflag:s20], $0x1400  }
0x22: {  	[sflag:s20] =	ssyncset.done $0x0  }
0x23: {  	[sflag:s20] =	ssyncadd.s32 $0xFFFFEC00  }
0x24: {  	[tilespmem:s23], [sflag:$0x1] =	stream.indirect.gather [hbm4b:s4+s22], $0x80, s3, s22, $0xb8;
	[tilespmem:$0x1E080] =	vst v63  }
0x25: {  	_ =	swait.ge [sflag:s24], $0x2700  }
0x26: {  	[sflag:s24] =	ssyncset.done $0x0  }
0x27: {  	s1 =	simm.s32 @!p0 $0x3;
	[sflag:s24] =	ssyncadd.s32 $0xFFFFD900  }
0x28: {  	_ =	swait.ge @!p0 [sflag:s1], $0x100  }
0x29: {  	[sflag:s1] =	ssyncset.done @!p0 $0x0  }
0x2a: {  	[sflag:s1] =	ssyncadd.s32 @!p0 $0xFFFFFF00  }
0x2b: {  	s9 =	simm.s32 $0x80;
	[bflag:$0x0] =	sbarrier.arrive $0xFFFF  }
0x2c: {  	[tilespmem:s25], [sflag:$0x2] =	stream.indirect.gather [hbm4b:s4+s22], $0x80, s9, s22, $0xb8;
	[tilespmem:$0x1E080] =	vst v63  }
0x2d: {  	_ =	swait.ge [sflag:s26], $0x4000  }
0x2e: {  	[sflag:s26] =	ssyncset.done $0x0  }
0x2f: {  	s5 =	simm.s32 $0x1400;
	[sflag:s26] =	ssyncadd.s32 $0xFFFFC000  }
0x30: {  	[spmem:s2] =	stream.indirect.scatter.add.f32 [tilespmem:s23], [sflag:$0x4], $0x80, s5, s22, $0xb8;
	[tilespmem:$0x1E080] =	vst v63  }
0x31: {  	_ =	swait.ge [sflag:s20], $0x4000  }
0x32: {  	[sflag:s20] =	ssyncset.done $0x0  }
0x33: {  	s6 =	simm.s32 $0x100;
	[sflag:s20] =	ssyncadd.s32 $0xFFFFC000  }
0x34: {  	[tilespmem:s23], [sflag:$0x1] =	stream.indirect.gather [hbm4b:s4+s22], $0x80, s6, s22, $0xb8;
	[tilespmem:$0x1E080] =	vst v63  }
0x35: {  	_ =	swait.ge [sflag:s28], $0x4000  }
0x36: {  	[sflag:s28] =	ssyncset.done $0x0  }
0x37: {  	s9 =	simm.s32 $0x1480;
	[sflag:s28] =	ssyncadd.s32 $0xFFFFC000  }
0x38: {  	[spmem:s2] =	stream.indirect.scatter.add.f32 [tilespmem:s25], [sflag:$0x4], $0x80, s9, s22, $0xb8;
	[tilespmem:$0x1E080] =	vst v63  }
0x39: {  	_ =	swait.ge [sflag:s20], $0x4000  }
0x3a: {  	s29 =	simm.s32 $0x800;
	s1 =	simm.s32 $0x100;
	[sflag:s20] =	ssyncset.done $0x0  }
.LBB2_2:
0x3b: {  	s5 =	sadd.s32 $0x80, s1  }
0x3c: {  	[sflag:s20] =	ssyncadd.s32 $0xFFFFC000;
	s6 =	smov.u32 s29;
	s9 =	sadd.s32 $0x400, s29  }
0x3d: {  	[tilespmem:s25], [sflag:$0x2] =	stream.indirect.gather [hbm4b:s4+s22], $0x80, s5, s22, $0xb8;
	[tilespmem:$0x1E080] =	vst v63  }
0x3e: {  	p2 =	sne.s32 s29, $0x4800;
	_ =	swait.ge [sflag:s26], $0x4000  }
0x3f: {  	[sflag:s26] =	ssyncset.done $0x0  }
0x40: {  	s5 =	sadd.s32 $0x1400, s1;
	[sflag:s26] =	ssyncadd.s32 $0xFFFFC000  }
0x41: {  	[spmem:s2] =	stream.indirect.scatter.add.f32 [tilespmem:s23], [sflag:$0x4], $0x80, s5, s22, $0xb8;
	[tilespmem:$0x1E080] =	vst v63  }
0x42: {  	_ =	swait.ge [sflag:s20], $0x4000  }
0x43: {  	[sflag:s20] =	ssyncset.done $0x0  }
0x44: {  	s5 =	sadd.s32 $0x100, s1;
	[sflag:s20] =	ssyncadd.s32 $0xFFFFC000  }
0x45: {  	[tilespmem:s23], [sflag:$0x1] =	stream.indirect.gather [hbm4b:s4+s22], $0x80, s5, s22, $0xb8;
	[tilespmem:$0x1E080] =	vst v63  }
0x46: {  	_ =	swait.ge [sflag:s28], $0x4000  }
.Ltmp0:
0x47: {  	[sflag:s28] =	ssyncset.done $0x0;
	(pc) =	sbr.rel @p2 .LBB2_2-.Ltmp0, $4  }
0x48: {  	s1 =	sadd.s32 $0x1480, s1;
	[sflag:s28] =	ssyncadd.s32 $0xFFFFC000  }
0x49: {  	[spmem:s2] =	stream.indirect.scatter.add.f32 [tilespmem:s25], [sflag:$0x4], $0x80, s1, s22, $0xb8;
	[tilespmem:$0x1E080] =	vst v63  }
0x4a: {  	_ =	swait.ge [sflag:s20], $0x4000  }
0x4b: {  	s29 =	smov.u32 s9;
	s1 =	sshra.s32 s6, $0x2;
	[sflag:s20] =	ssyncset.done $0x0  }
0x4c: {  	s5 =	sadd.s32 $0x80, s1;
	[sflag:s20] =	ssyncadd.s32 $0xFFFFC000  }
0x4d: {  	[tilespmem:s25], [sflag:$0x2] =	stream.indirect.gather [hbm4b:s4+s22], $0x80, s5, s22, $0xb8;
	[tilespmem:$0x1E080] =	vst v63  }
0x4e: {  	_ =	swait.ge [sflag:s26], $0x4000  }
0x4f: {  	[sflag:s26] =	ssyncset.done $0x0  }
0x50: {  	s6 =	sadd.s32 $0x1400, s1;
	[sflag:s26] =	ssyncadd.s32 $0xFFFFC000  }
0x51: {  	[spmem:s2] =	stream.indirect.scatter.add.f32 [tilespmem:s23], [sflag:$0x4], $0x80, s6, s22, $0xb8;
	[tilespmem:$0x1E080] =	vst v63  }
0x52: {  	_ =	swait.ge [sflag:s20], $0x4000  }
0x53: {  	[sflag:s20] =	ssyncset.done $0x0  }
0x54: {  	s9 =	sadd.s32 $0x100, s1;
	[sflag:s20] =	ssyncadd.s32 $0xFFFFC000  }
0x55: {  	[tilespmem:s23], [sflag:$0x1] =	stream.indirect.gather [hbm4b:s4+s22], $0x80, s9, s22, $0xb8;
	[tilespmem:$0x1E080] =	vst v63  }
0x56: {  	_ =	swait.ge [sflag:s28], $0x4000  }
0x57: {  	[sflag:s28] =	ssyncset.done $0x0  }
0x58: {  	s5 =	sadd.s32 $0x1480, s1;
	[sflag:s28] =	ssyncadd.s32 $0xFFFFC000  }
0x59: {  	[spmem:s2] =	stream.indirect.scatter.add.f32 [tilespmem:s25], [sflag:$0x4], $0x80, s5, s22, $0xb8;
	[tilespmem:$0x1E080] =	vst v63  }
0x5a: {  	_ =	swait.ge [sflag:s20], $0x4000  }
0x5b: {  	[sflag:s20] =	ssyncset.done $0x0  }
0x5c: {  	s6 =	simm.s32 $0x1380;
	[sflag:s20] =	ssyncadd.s32 $0xFFFFC000  }
0x5d: {  	[tilespmem:s25], [sflag:$0x2] =	stream.indirect.gather [hbm4b:s4+s22], $0x80, s6, s22, $0xb8;
	[tilespmem:$0x1E080] =	vst v63  }
0x5e: {  	_ =	swait.ge [sflag:s26], $0x4000  }
0x5f: {  	[sflag:s26] =	ssyncset.done $0x0  }
0x60: {  	s9 =	simm.s32 $0x2700;
	[sflag:s26] =	ssyncadd.s32 $0xFFFFC000  }
0x61: {  	[spmem:s2] =	stream.indirect.scatter.add.f32 [tilespmem:s23], [sflag:$0x4], $0x80, s9, s22, $0xb8;
	[tilespmem:$0x1E080] =	vst v63  }
0x62: {  	_ =	swait.ge [sflag:s20], $0x4000  }
0x63: {  	[sflag:s20] =	ssyncset.done $0x0  }
0x64: {  	[sflag:s20] =	ssyncadd.s32 $0xFFFFC000  }
0x65: {  	_ =	swait.ge [sflag:s28], $0x4000  }
0x66: {  	[sflag:s28] =	ssyncset.done $0x0  }
0x67: {  	s5 =	simm.s32 $0x2780;
	[sflag:s28] =	ssyncadd.s32 $0xFFFFC000  }
0x68: {  	[spmem:s2] =	stream.indirect.scatter.add.f32 [tilespmem:s25], [sflag:$0x4], $0x80, s5, s22, $0xb8;
	[tilespmem:$0x1E080] =	vst v63  }
0x69: {  	_ =	swait.ge [sflag:s20], $0x4000  }
0x6a: {  	[sflag:s20] =	ssyncset.done $0x0  }
0x6b: {  	s6 =	simm.s32 $0x0;
	[sflag:s20] =	ssyncadd.s32 $0xFFFFC000  }
0x6c: {  	[tilespmem:s6], [sflag:$0x4] =	stream.linear.gather [hbm4b:s13+s6], $0x1400, $0x38;
	[tilespmem:$0x1E080] =	vst v63  }
0x6d: {  	_ =	swait.ge [sflag:s20], $0x1400  }
0x6e: {  	[sflag:s20] =	ssyncset.done $0x0  }
0x6f: {  	[sflag:s20] =	ssyncadd.s32 $0xFFFFEC00  }
0x70: {  	[tilespmem:s21], [sflag:$0x4] =	stream.linear.gather [hbm4b:s14+s6], $0x1400, $0x38;
	[tilespmem:$0x1E080] =	vst v63  }
0x71: {  	_ =	swait.ge [sflag:s20], $0x1400  }
0x72: {  	[sflag:s20] =	ssyncset.done $0x0  }
0x73: {  	[sflag:s20] =	ssyncadd.s32 $0xFFFFEC00  }
0x74: {  	[tilespmem:s23], [sflag:$0x1] =	stream.indirect.gather [hbm4b:s4+s22], $0x80, s6, s22, $0xb8;
	[tilespmem:$0x1E080] =	vst v63  }
0x75: {  	s9 =	simm.s32 $0x80  }
0x76: {  	[tilespmem:s25], [sflag:$0x2] =	stream.indirect.gather [hbm4b:s4+s22], $0x80, s9, s22, $0xb8;
	[tilespmem:$0x1E080] =	vst v63  }
0x77: {  	_ =	swait.ge [sflag:s26], $0x4000  }
0x78: {  	[sflag:s26] =	ssyncset.done $0x0  }
0x79: {  	s5 =	simm.s32 $0x1400;
	[sflag:s26] =	ssyncadd.s32 $0xFFFFC000  }
0x7a: {  	[spmem:s2] =	stream.indirect.scatter.add.f32 [tilespmem:s23], [sflag:$0x4], $0x80, s5, s22, $0xb8;
	[tilespmem:$0x1E080] =	vst v63  }
0x7b: {  	_ =	swait.ge [sflag:s20], $0x4000  }
0x7c: {  	[sflag:s20] =	ssyncset.done $0x0  }
0x7d: {  	s6 =	simm.s32 $0x100;
	[sflag:s20] =	ssyncadd.s32 $0xFFFFC000  }
0x7e: {  	[tilespmem:s23], [sflag:$0x1] =	stream.indirect.gather [hbm4b:s4+s22], $0x80, s6, s22, $0xb8;
	[tilespmem:$0x1E080] =	vst v63  }
0x7f: {  	_ =	swait.ge [sflag:s28], $0x4000  }
0x80: {  	[sflag:s28] =	ssyncset.done $0x0  }
0x81: {  	s9 =	simm.s32 $0x1480;
	[sflag:s28] =	ssyncadd.s32 $0xFFFFC000  }
0x82: {  	[spmem:s2] =	stream.indirect.scatter.add.f32 [tilespmem:s25], [sflag:$0x4], $0x80, s9, s22, $0xb8;
	[tilespmem:$0x1E080] =	vst v63  }
0x83: {  	_ =	swait.ge [sflag:s20], $0x4000  }
0x84: {  	s29 =	simm.s32 $0x800;
	s1 =	simm.s32 $0x100;
	[sflag:s20] =	ssyncset.done $0x0  }
.LBB2_4:
0x85: {  	s5 =	sadd.s32 $0x80, s1  }
0x86: {  	[sflag:s20] =	ssyncadd.s32 $0xFFFFC000;
	s6 =	smov.u32 s29;
	s9 =	sadd.s32 $0x400, s29  }
0x87: {  	[tilespmem:s25], [sflag:$0x2] =	stream.indirect.gather [hbm4b:s4+s22], $0x80, s5, s22, $0xb8;
	[tilespmem:$0x1E080] =	vst v63  }
0x88: {  	p2 =	sne.s32 s29, $0x4400;
	_ =	swait.ge [sflag:s26], $0x4000  }
0x89: {  	[sflag:s26] =	ssyncset.done $0x0  }
0x8a: {  	s5 =	sadd.s32 $0x1400, s1;
	[sflag:s26] =	ssyncadd.s32 $0xFFFFC000  }
0x8b: {  	[spmem:s2] =	stream.indirect.scatter.add.f32 [tilespmem:s23], [sflag:$0x4], $0x80, s5, s22, $0xb8;
	[tilespmem:$0x1E080] =	vst v63  }
0x8c: {  	_ =	swait.ge [sflag:s20], $0x4000  }
0x8d: {  	[sflag:s20] =	ssyncset.done $0x0  }
0x8e: {  	s5 =	sadd.s32 $0x100, s1;
	[sflag:s20] =	ssyncadd.s32 $0xFFFFC000  }
0x8f: {  	[tilespmem:s23], [sflag:$0x1] =	stream.indirect.gather [hbm4b:s4+s22], $0x80, s5, s22, $0xb8;
	[tilespmem:$0x1E080] =	vst v63  }
0x90: {  	_ =	swait.ge [sflag:s28], $0x4000  }
.Ltmp1:
0x91: {  	[sflag:s28] =	ssyncset.done $0x0;
	(pc) =	sbr.rel @p2 .LBB2_4-.Ltmp1, $4  }
0x92: {  	s1 =	sadd.s32 $0x1480, s1;
	[sflag:s28] =	ssyncadd.s32 $0xFFFFC000  }
0x93: {  	[spmem:s2] =	stream.indirect.scatter.add.f32 [tilespmem:s25], [sflag:$0x4], $0x80, s1, s22, $0xb8;
	[tilespmem:$0x1E080] =	vst v63  }
0x94: {  	_ =	swait.ge [sflag:s20], $0x4000  }
0x95: {  	s29 =	smov.u32 s9;
	s1 =	sshra.s32 s6, $0x2;
	[sflag:s20] =	ssyncset.done $0x0  }
0x96: {  	s5 =	sadd.s32 $0x80, s1;
	[sflag:s20] =	ssyncadd.s32 $0xFFFFC000  }
0x97: {  	[tilespmem:s25], [sflag:$0x2] =	stream.indirect.gather [hbm4b:s4+s22], $0x80, s5, s22, $0xb8;
	[tilespmem:$0x1E080] =	vst v63  }
0x98: {  	_ =	swait.ge [sflag:s26], $0x4000  }
0x99: {  	[sflag:s26] =	ssyncset.done $0x0  }
0x9a: {  	s9 =	sadd.s32 $0x1400, s1;
	[sflag:s26] =	ssyncadd.s32 $0xFFFFC000  }
0x9b: {  	[spmem:s2] =	stream.indirect.scatter.add.f32 [tilespmem:s23], [sflag:$0x4], $0x80, s9, s22, $0xb8;
	[tilespmem:$0x1E080] =	vst v63  }
0x9c: {  	_ =	swait.ge [sflag:s20], $0x4000  }
0x9d: {  	[sflag:s20] =	ssyncset.done $0x0  }
0x9e: {  	s29 =	sadd.s32 $0x100, s1;
	[sflag:s20] =	ssyncadd.s32 $0xFFFFC000  }
0x9f: {  	[tilespmem:s23], [sflag:$0x1] =	stream.indirect.gather [hbm4b:s4+s22], $0x80, s29, s22, $0xb8;
	[tilespmem:$0x1E080] =	vst v63  }
0xa0: {  	_ =	swait.ge [sflag:s28], $0x4000  }
0xa1: {  	[sflag:s28] =	ssyncset.done $0x0  }
0xa2: {  	s5 =	sadd.s32 $0x1480, s1;
	[sflag:s28] =	ssyncadd.s32 $0xFFFFC000  }
0xa3: {  	[spmem:s2] =	stream.indirect.scatter.add.f32 [tilespmem:s25], [sflag:$0x4], $0x80, s5, s22, $0xb8;
	[tilespmem:$0x1E080] =	vst v63  }
0xa4: {  	_ =	swait.ge [sflag:s20], $0x4000  }
0xa5: {  	[sflag:s20] =	ssyncset.done $0x0  }
0xa6: {  	s6 =	simm.s32 $0x1280;
	[sflag:s20] =	ssyncadd.s32 $0xFFFFC000  }
0xa7: {  	[tilespmem:s25], [sflag:$0x2] =	stream.indirect.gather [hbm4b:s4+s22], $0x80, s6, s22, $0xb8;
	[tilespmem:$0x1E080] =	vst v63  }
0xa8: {  	_ =	swait.ge [sflag:s26], $0x4000  }
0xa9: {  	[sflag:s26] =	ssyncset.done $0x0  }
0xaa: {  	s9 =	simm.s32 $0x2600;
	[sflag:s26] =	ssyncadd.s32 $0xFFFFC000  }
0xab: {  	[spmem:s2] =	stream.indirect.scatter.add.f32 [tilespmem:s23], [sflag:$0x4], $0x80, s9, s22, $0xb8;
	[tilespmem:$0x1E080] =	vst v63  }
0xac: {  	_ =	swait.ge [sflag:s20], $0x4000  }
0xad: {  	[sflag:s20] =	ssyncset.done $0x0  }
0xae: {  	[sflag:s20] =	ssyncadd.s32 $0xFFFFC000  }
0xaf: {  	_ =	swait.ge [sflag:s28], $0x4000  }
0xb0: {  	[sflag:s28] =	ssyncset.done $0x0  }
0xb1: {  	s29 =	simm.s32 $0x2680;
	[sflag:s28] =	ssyncadd.s32 $0xFFFFC000  }
0xb2: {  	[spmem:s2] =	stream.indirect.scatter.add.f32 [tilespmem:s25], [sflag:$0x4], $0x80, s29, s22, $0xb8;
	[tilespmem:$0x1E080] =	vst v63  }
0xb3: {  	_ =	swait.ge [sflag:s20], $0x4000  }
0xb4: {  	[sflag:s20] =	ssyncset.done $0x0  }
0xb5: {  	s1 =	simm.s32 @!p1 $0x0;
	s5 =	simm.s32 @!p1 $0x4;
	[sflag:s20] =	ssyncadd.s32 $0xFFFFC000  }
0xb6: {  	[tilespmem:s1], [sflag:$0x4] =	stream.linear.gather @!p1 [hbm4b:s15+s1], $0x80, $0x38;
	[tilespmem:$0x1E080] =	vst v63  }
0xb7: {  	_ =	swait.ge @!p1 [sflag:s5], $0x80  }
0xb8: {  	[sflag:s5] =	ssyncset.done @!p1 $0x0  }
0xb9: {  	s6 =	simm.s32 @!p1 $0x1400;
	[sflag:s5] =	ssyncadd.s32 @!p1 $0xFFFFFF80  }
0xba: {  	[tilespmem:s6], [sflag:$0x4] =	stream.linear.gather @!p1 [hbm4b:s16+s1], $0x80, $0x38;
	[tilespmem:$0x1E080] =	vst v63  }
0xbb: {  	_ =	swait.ge @!p1 [sflag:s5], $0x80  }
0xbc: {  	[sflag:s5] =	ssyncset.done @!p1 $0x0  }
0xbd: {  	s9 =	simm.s32 @!p1 $0x80;
	s29 =	simm.s32 @!p1 $0x2800;
	[sflag:s5] =	ssyncadd.s32 @!p1 $0xFFFFFF80  }
0xbe: {  	[tilespmem:s29], [sflag:$0x1] =	stream.indirect.gather @!p1 [hbm4b:s4+s9], $0x80, s1, s9, $0xb8;
	[tilespmem:$0x1E080] =	vst v63  }
0xbf: {  	s1 =	simm.s32 @!p1 $0x1  }
0xc0: {  	_ =	swait.ge @!p1 [sflag:s1], $0x4000  }
0xc1: {  	[sflag:s1] =	ssyncset.done @!p1 $0x0  }
0xc2: {  	[sflag:s1] =	ssyncadd.s32 @!p1 $0xFFFFC000  }
0xc3: {  	[spmem:s2] =	stream.indirect.scatter.add.f32 @!p1 [tilespmem:s29], [sflag:$0x4], $0x80, s6, s9, $0xb8;
	[tilespmem:$0x1E080] =	vst v63  }
0xc4: {  	_ =	swait.ge @!p1 [sflag:s5], $0x4000  }
0xc5: {  	[sflag:s5] =	ssyncset.done @!p1 $0x0  }
0xc6: {  	[sflag:s5] =	ssyncadd.s32 @!p1 $0xFFFFC000  }
0xc7: {  	s1 =	sor.u32 $0x1C04, s7;
	[bflag:$0x0] =	sbarrier.arrive $0xFFFF  }
0xc8: {  	[hbm:s17], [sflag:s1] =	dma.local [spmem:s0], $0x2700  }
0xc9: {  	s30 =	sadd.s32 $0x1, s30;
	_ =	swait.ge [sflag:s20], $0x2700  }
0xca: {  	p2 =	sne.s32 s30, s19;
	[sflag:s20] =	ssyncset.done $0x0  }
.Ltmp2:
0xcb: {  	s0 =	simm.s32 @!p0 $0x4;
	[sflag:s20] =	ssyncadd.s32 $0xFFFFD900;
	(pc) =	sbr.rel @p2 .LBB2_1-.Ltmp2, $4  }
0xcc: {  	[hbm:s18], [sflag:s1] =	dma.local @!p0 [spmem:s31], $0x100  }
0xcd: {  	_ =	swait.ge @!p0 [sflag:s0], $0x100  }
0xce: {  	[sflag:s0] =	ssyncset.done @!p0 $0x0  }
0xcf: {  	[sflag:s0] =	ssyncadd.s32 @!p0 $0xFFFFFF00  }
0xd0: {  	_ =	sfence.sel $0x180000  }
0xd1: {  	[bflag:$0x0] =	sbarrier.arrive $0xFFFF  }
0xd2: {  	_ =	strace $0x9000004D  }
0xd3: {  	s0 =	stileid.u32;
	[bflag:$0x2] =	sbarrier.arrive $0xFFFF  }
0xd4: {  	p0 =	sne.s32 s0, $0x0;
	s0 =	rddreg [dreg:$0x2]  }
0xd5: {  	s0 =	sadd.s32 @!p0 $0x100000, s0  }
0xd6: {  	[sflag:s0] =	ssyncadd.tile.s32 @!p0 $0x1;
	_ =	shalt  }
.Lfunc_end2:
_tile_overlayer_lowered:
.L_overlay_start_2:
0xd7: {  	(tag) =	ssettag $0x2  }
0xd8: {  	s0 =	rddreg [dreg:$0x0];
	s2 =	stileid.u32  }
0xd9: {  	s1 =	rddreg [dreg:$0x1];
	p0 =	sne.s32 s2, $0x0  }
0xda: {  	s3 =	rddreg [dreg:$0x2];
	[bflag:$0x3] =	sbarrier.arrive $0xFFFF;
	s2 =	simm.s32 @!p0 $0x1C04  }
0xdb: {  	[timem:s3], [sflag:s2] =	dma.local @!p0 [hbm:s0], s1  }
0xdc: {  	s0 =	simm.s32 @!p0 $0x4  }
0xdd: {  	_ =	swait.ge @!p0 [sflag:s0], s1  }
0xde: {  	s1 =	ssub.s32 @!p0 $0x0, s1;
	[sflag:s0] =	ssyncset.done @!p0 $0x0  }
0xdf: {  	[sflag:s0] =	ssyncadd.s32 @!p0 s1  }
0xe0: {  	[bflag:$0x3] =	sbarrier.arrive $0xFFFF  }
0xe1: {  	_ =	shalt  }

// kernel: kernel.9.cloned.1.call-start
scs
__scs_entry_jumppad:
0x0: {  	(pc) =	sbr.rel $0x88, $3  }
0x1: {  	(tag) =	ssettag $0x0;
	lr =	simm.s32 $0x1  }
0x2: {  	[smem:$0x3F94] =	sst lr;
	_ =	strace $0xD0000000  }
0x3: {  	_ = 	snop  }
0x4: {  	_ = 	snop  }
0x5: {  	_ = 	snop  }
0x6: {  	_ = 	snop  }
0x7: {  	_ = 	snop  }
__scs_overlays_trampoline_lowered:
0x8: {  	[smem:$0x3FA3] =	sst s0  }
0x9: {  	[smem:$0x3FA4] =	sst s1  }
0xa: {  	[smem:$0x3FA5] =	sst s2  }
0xb: {  	[smem:$0x3FA6] =	sst s3  }
0xc: {  	[smem:$0x3FA7] =	sst s4  }
0xd: {  	[smem:$0x3FA8] =	sst s5  }
0xe: {  	[smem:$0x3FA9] =	sst s6  }
0xf: {  	[smem:$0x3FAA] =	sst s7  }
0x10: {  	[smem:$0x3FAB] =	sst s8  }
0x11: {  	[smem:$0x3FAC] =	sst s9;
	s0 =	simm.s32 @!p0 $0x0  }
0x12: {  	s1 =	sld [smem:$0x3F92];
	s0 =	simm.s32 @p0 $0x1  }
0x13: {  	[smem:$0x3FAD] =	sst s0;
	s0 =	simm.s32 @!p1 $0x0  }
0x14: {  	s2 =	sld [smem:$0x3F91];
	s0 =	simm.s32 @p1 $0x1  }
0x15: {  	[smem:$0x3FAE] =	sst s0;
	s0 =	simm.s32 @!p2 $0x0  }
0x16: {  	s3 =	sld [smem:$0x3FDB];
	s0 =	simm.s32 @p2 $0x1  }
0x17: {  	s4 =	simm.s32 $0x1BF5;
	[smem:$0x3FB0] =	sst s0  }
0x18: {  	s0 =	sld [smem:$0x3F93];
	_ =	swait.ge [sflag:s4], $0x0  }
0x19: {  	s7 =	sld [smem:$0x3F94]  }
0x1a: {  	s8 =	sadd.s32 $0xFFFFE003, lr  }
0x1b: {  	s9 =	sadd.s32 $0xFFFFFEF7, lr;
	s5 =	simm.s32 $0xFFFFFFFF;
	p2 =	slt.u32 s8, $0xFFFFF086  }
0x1c: {  	p1 =	slt.u32 s9, $0xF7A;
	s5 =	simm.s32 @!p2 $0x0  }
0x1d: {  	s5 =	simm.s32 @p1 $0x1;
	p0 =	seq.s32 s7, s2  }
0x1e: {  	s7 =	smul.u32 @!p0 $0xF7A, s2;
	p2 =	seq.s32 @!p0 s5, $0x0  }
0x1f: {  	s9 =	smul.u32 $0xF7A, s1;
	s8 =	simm.s32 @!p0 $0x1BF5;
	p2 =	por !p2, p0  }
0x20: {  	[sflag:s8] =	ssyncset.s32 @!p0 $0xFFFFF086;
	s6 =	sadd.s32 @!p0 s3, s7;
	s7 =	simm.s32 @!p0 $0x108  }
0x21: {  	s3 =	sadd.s32 s3, s9;
	s6 =	sadd.s32 @!p0 $0x88, s6;
	s7 =	simm.s32 @p2 $0x1082  }
0x22: {  	[simem:s7], [sflag:s8] =	dma.local @!p0 [hbm:s6], $0xF7A  }
0x23: {  	s9 =	sor.u32 $0xD0000000, s2;
	s6 =	simm.s32 $0x108;
	_ =	swait.ge @!p0 [sflag:s8], $0x0  }
0x24: {  	s3 =	sadd.s32 $0x88, s3;
	s6 =	simm.s32 @!p1 $0x1082;
	[sflag:s4] =	ssyncset.s32 $0xFFFFF086  }
0x25: {  	[simem:s6], [sflag:s4] =	dma.local [hbm:s3], $0xF7A  }
0x26: {  	[smem:$0x3F94] =	sst s1;
	(tag) =	ssettag s2;
	_ =	strace s9  }
0x27: {  	s1 =	sld [smem:$0x3FA4]  }
0x28: {  	s2 =	sld [smem:$0x3FA5]  }
0x29: {  	s4 =	sld [smem:$0x3FA7]  }
0x2a: {  	p0 =	seq.s32 s5, $0x0;
	s5 =	sld [smem:$0x3FA8]  }
0x2b: {  	s6 =	sld [smem:$0x3FA9]  }
0x2c: {  	s7 =	sld [smem:$0x3FAA]  }
0x2d: {  	s3 =	simm.s32 $0x108;
	s8 =	sld [smem:$0x3FAB]  }
0x2e: {  	s3 =	simm.s32 @!p0 $0x1082;
	s9 =	sld [smem:$0x3FAC]  }
0x2f: {  	lr =	sadd.s32 s0, s3;
	s0 =	sld [smem:$0x3FA3]  }
0x30: {  	s3 =	sld [smem:$0x3FA6]  }
0x31: {  	[smem:$0x3FAF] =	sst s10  }
0x32: {  	s10 =	sld [smem:$0x3FAD];
	_ =	sdelay $0x3  }
0x33: {  	p0 =	seq.s32 s10, $0x1;
	s10 =	sld [smem:$0x3FAF];
	_ =	sdelay $0x3  }
0x34: {  	[smem:$0x3FAF] =	sst s10  }
0x35: {  	s10 =	sld [smem:$0x3FAE];
	_ =	sdelay $0x3  }
0x36: {  	p1 =	seq.s32 s10, $0x1;
	s10 =	sld [smem:$0x3FAF];
	_ =	sdelay $0x3  }
0x37: {  	[smem:$0x3FAF] =	sst s10  }
0x38: {  	s10 =	sld [smem:$0x3FB0]  }
0x39: {  	_ = 	snop;
	(pc) =	sbr.ind lr, $3  }
0x3a: {  	_ = 	snop  }
0x3b: {  	_ = 	snop  }
0x3c: {  	p2 =	seq.s32 s10, $0x1;
	s10 =	sld [smem:$0x3FAF]  }
0x3d: {  	_ =	shalt  }
0x3e: {  	_ =	shalt  }
0x3f: {  	_ =	shalt  }
0x40: {  	_ =	shalt  }
0x41: {  	_ =	shalt  }
0x42: {  	_ =	shalt  }
0x43: {  	_ =	shalt  }
0x44: {  	_ =	shalt  }
0x45: {  	_ =	shalt  }
0x46: {  	_ =	shalt  }
0x47: {  	_ =	shalt  }
0x48: {  	_ =	shalt  }
0x49: {  	_ =	shalt  }
0x4a: {  	_ =	shalt  }
0x4b: {  	_ =	shalt  }
0x4c: {  	_ =	shalt  }
0x4d: {  	_ =	shalt  }
0x4e: {  	_ =	shalt  }
0x4f: {  	_ =	shalt  }
0x50: {  	_ =	shalt  }
0x51: {  	_ =	shalt  }
0x52: {  	_ =	shalt  }
0x53: {  	_ =	shalt  }
0x54: {  	_ =	shalt  }
0x55: {  	_ =	shalt  }
0x56: {  	_ =	shalt  }
0x57: {  	_ =	shalt  }
0x58: {  	_ =	shalt  }
0x59: {  	_ =	shalt  }
0x5a: {  	_ =	shalt  }
0x5b: {  	_ =	shalt  }
0x5c: {  	_ =	shalt  }
0x5d: {  	_ =	shalt  }
0x5e: {  	_ =	shalt  }
0x5f: {  	_ =	shalt  }
0x60: {  	_ =	shalt  }
0x61: {  	_ =	shalt  }
0x62: {  	_ =	shalt  }
0x63: {  	_ =	shalt  }
0x64: {  	_ =	shalt  }
0x65: {  	_ =	shalt  }
0x66: {  	_ =	shalt  }
0x67: {  	_ =	shalt  }
0x68: {  	_ =	shalt  }
0x69: {  	_ =	shalt  }
0x6a: {  	_ =	shalt  }
0x6b: {  	_ =	shalt  }
0x6c: {  	_ =	shalt  }
0x6d: {  	_ =	shalt  }
0x6e: {  	_ =	shalt  }
0x6f: {  	_ =	shalt  }
0x70: {  	_ =	shalt  }
0x71: {  	_ =	shalt  }
0x72: {  	_ =	shalt  }
0x73: {  	_ =	shalt  }
0x74: {  	_ =	shalt  }
0x75: {  	_ =	shalt  }
0x76: {  	_ =	shalt  }
0x77: {  	_ =	shalt  }
0x78: {  	_ =	shalt  }
0x79: {  	_ =	shalt  }
0x7a: {  	_ =	shalt  }
0x7b: {  	_ =	shalt  }
0x7c: {  	_ =	shalt  }
0x7d: {  	_ =	shalt  }
0x7e: {  	_ =	shalt  }
0x7f: {  	_ =	shalt  }
0x80: {  	_ =	shalt  }
0x81: {  	_ =	shalt  }
0x82: {  	_ =	shalt  }
0x83: {  	_ =	shalt  }
0x84: {  	_ =	shalt  }
0x85: {  	_ =	shalt  }
0x86: {  	_ =	shalt  }
0x87: {  	_ =	shalt  }
.Lfunc_end0:
.L_simem_size_0:
called_computation_lowered:
.L_overlay_start_0:
0x88: {  	s2 =	sld [smem:$0x3FD9]  }
0x89: {  	s3 =	sld [smem:$0x3FFE];
	_ =	sdelay $0x1  }
0x8a: {  	s1 =	srdreg.scid  }
0x8b: {  	s0 =	sand.u32 $0x1, s1  }
0x8c: {  	s16 =	sshll.u32 s0, $0xA;
	s2 =	sadd.s32 s3, s2  }
0x8d: {  	s2 =	sadd.s32 s2, s16  }
0x8e: {  	[smem:$0x3FBB] =	sst s2  }
0x8f: {  	_ = 	snop  }
0x90: {  	(tm) =	ssettm $0x1  }
0x91: {  	s17 =	sld [smem:$0x3FFB];
	_ =	sdelay $0x3  }
0x92: {  	_ =	strace s17  }
0x93: {  	s2 =	sld [smem:$0x3FFC];
	_ =	sdelay $0x3  }
0x94: {  	_ =	strace s2  }
0x95: {  	s2 =	sld [smem:$0x3FFD];
	_ =	sdelay $0x3  }
0x96: {  	_ =	strace s2  }
0x97: {  	_ =	strace $0x8FFFFFFF  }
0x98: {  	s18 =	sld [smem:$0x3FDB];
	_ =	sdelay $0x1  }
0x99: {  	s19 =	simm.s32 $_scs_section_size  }
0x9a: {  	s4 =	simm.s32 $_size__tile_overlayer_lowered;
	s5 =	simm.s32 $_tile_overlayer_lowered  }
0x9b: {  	s22 =	simm.s32 $0x1BFF;
	s21 =	sshll.u32 s5, $0x1;
	s2 =	sadd.s32 s19, s18  }
0x9c: {  	s6 =	simm.s32 $0x0;
	s20 =	sshll.u32 s4, $0x1;
	s4 =	sadd.s32 s21, s2  }
0x9d: {  	[timem:s6], [sflag:s22] =	dma.local [hbm:s4], s20  }
0x9e: {  	_ =	swait.ge [sflag:s22], s20  }
0x9f: {  	s3 =	ssub.s32 $0x0, s20;
	[sflag:s22] =	ssyncset.done $0x0  }
0xa0: {  	[sflag:s22] =	ssyncadd.s32 s3;
	_ =	sdelay $0x1  }
0xa1: {  	s23 =	simm.s32 $0x1B8B  }
0xa2: {  	_ =	swait.ge [sflag:s23], $0x1  }
0xa3: {  	[sflag:s23] =	ssyncset.done $0x0  }
0xa4: {  	s25 =	simm.s32 $0x1B8E;
	s24 =	sld [smem:$0x3FFE];
	[sflag:s23] =	ssyncadd.s32 $0xFFFFFFFF  }
0xa5: {  	s26 =	simm.s32 $execute0_lowered;
	[smem:$0x3FD2] =	sst s25  }
0xa6: {  	s4 =	sshll.u32 s26, $0x1;
	_ =	strace $0x80000046;
	[dreg:$0x1] =	wrdreg $0xFFFFFFFF  }
0xa7: {  	s28 =	simm.s32 $_size_execute0_lowered;
	s2 =	sadd.s32 s2, s4;
	[dreg:$0x0] =	wrdreg $0x0  }
0xa8: {  	s4 =	sshll.u32 s28, $0x1;
	[dreg:$0x2] =	wrdreg s2  }
0xa9: {  	[dreg:$0x3] =	wrdreg s4  }
0xaa: {  	[dreg:$0x4] =	wrdreg $0xC0  }
0xab: {  	_ =	task [dreg:s6], $0x5FFFF  }
0xac: {  	[dreg:$0x1] =	wrdreg $0xFFFFFFFF  }
0xad: {  	[dreg:$0x0] =	wrdreg $0x60  }
0xae: {  	[dreg:$0x2] =	wrdreg s24  }
0xaf: {  	[dreg:$0x3] =	wrdreg $0xA8000  }
0xb0: {  	[dreg:$0x4] =	wrdreg $0x9  }
0xb1: {  	_ =	task.clear_ibuf [dreg:s6], $0x5FFFF;
	_ =	strace $0x90000046  }
0xb2: {  	s29 =	simm.s32 $0x9;
	_ =	strace $0x80000048  }
0xb3: {  	_ =	swait.ge [sflag:s29], $0x1  }
0xb4: {  	[sflag:s29] =	ssyncadd.s32 $0xFFFFFFFF  }
0xb5: {  	_ =	strace $0x90000048  }
0xb6: {  	_ =	sfence  }
0xb7: {  	s30 =	sld [smem:$0x0];
	_ =	sdelay $0x2  }
0xb8: {  	s31 =	sshll.u32 s1, $0xD;
	s1 =	sshrl.u32 s1, $0x2  }
0xb9: {  	s3 =	sand.u32 $0x4000, s31;
	s1 =	sadd.s32 s1, s30  }
0xba: {  	s0 =	sor.u32 s3, s0;
	s1 =	sshll.u32 s1, $0x11  }
0xbb: {  	s0 =	sor.u32 s1, s0  }
0xbc: {  	s0 =	sadd.s32 $0x8F2B, s0  }
0xbd: {  	[sflag:s0] =	ssyncadd.remote.s32 $0x1  }
0xbe: {  	_ =	sfence.sel $0xFFFF  }
0xbf: {  	[dreg:$0x0] =	wrdreg $0xFFFFFFFF;
	(pc) =	sbr.abs _section_cstart, $3  }
0xc0: {  	[dreg:$0x1] =	wrdreg $0xFFFFFFFF  }
0xc1: {  	_ =	task.clear_ibuf [dreg:s6], $0x2FFFF;
	_ =	strace $0x9FFFFFFF  }
0xc2: {  	(tm) =	ssettm $0x7FFFFFFF  }
0xc3: {  	_ =	shalt  }
tec
execute0_lowered:
.L_overlay_start_1:
0x0: {  	(tag) =	ssettag $0x1  }
0x1: {  	s0 =	rddreg [dreg:$0x0]  }
0x2: {  	s2 =	rddreg [dreg:$0x1];
	s3 =	simm.s32 $0x0;
	s20 =	stileid.u32  }
0x3: {  	s7 =	srdreg.scid;
	s28 =	simm.s32 $0x2;
	s30 =	simm.s32 $0x0  }
0x4: {  	[smem:$0x7FF] =	sst s3;
	s1 =	smul.u32 $0x13800, s20;
	s4 =	sadd.s32 $0x16E00, s0  }
0x5: {  	s13 =	sadd.s32 $0xCA00, s0;
	s14 =	sadd.s32 $0x2A00, s0;
	s5 =	sshll.u32 s20, $0x4  }
0x6: {  	s11 =	sand.u32 $0x1, s7;
	s8 =	smul.u32 $0x4E000, s20;
	s17 =	sadd.s32 $0x65200, s0  }
0x7: {  	s24 =	sadd.s32 $0x138000, s2;
	p0 =	sne.s32 s20, $0xF;
	_ =	strace $0x80000047  }
0x8: {  	s16 =	sadd.s32 s5, s0;
	s21 =	ssub.s32 $0x2, s11;
	s7 =	sshll.u32 s11, $0x4  }
0x9: {  	[dreg:$0x5] =	wrdreg s24;
	s15 =	smul.u32 $0x138800, s11;
	s24 =	simm.s32 $0x3  }
0xa: {  	s6 =	sshrl.u32 s1, $0x3;
	s9 =	sshrl.u32 s21, $0x1;
	s25 =	sor.u32 s20, s7  }
0xb: {  	s22 =	sshrl.u32 s8, $0x2;
	s7 =	sshll.u32 s20, $0x6;
	s20 =	simm.s32 $0x4  }
0xc: {  	s6 =	sadd.s32 s6, s0;
	s19 =	ssub.s32 s21, s9;
	s10 =	smul.u32 $0x2800, s25  }
0xd: {  	s5 =	sadd.s32 s22, s2;
	s8 =	sor.u32 $0x1C03, s7;
	s29 =	sadd.s32 s1, s15  }
0xe: {  	s31 =	sshrl.u32 s15, $0x3;
	s15 =	sadd.s32 $0x16C00, s16;
	s16 =	sadd.s32 $0x16A00, s16  }
0xf: {  	s21 =	simm.s32 $0x1400;
	s22 =	simm.s32 $0x80;
	p1 =	sgt.u32 s25, $0x3  }
0x10: {  	s25 =	simm.s32 $0x6800;
	[dreg:$0x3] =	wrdreg s5;
	s23 =	sadd.s32 $0x3E000, s6  }
0x11: {  	s1 =	sadd.s32 s17, s31;
	s19 =	smax.u32 s19, $0x1;
	[dreg:$0x4] =	wrdreg s23  }
0x12: {  	s12 =	sshrl.u32 s10, $0x3;
	s10 =	sadd.s32 $0x65000, s0;
	s0 =	sshrl.u32 s29, $0x3  }
0x13: {  	s18 =	sadd.s32 $0x27000, s1;
	s23 =	simm.s32 $0x2800;
	s26 =	sadd.s32 $0x280, s12  }
0x14: {  	s11 =	sadd.s32 s13, s12;
	s12 =	sadd.s32 s14, s12;
	s17 =	sadd.s32 s17, s0  }
0x15: {  	s13 =	sadd.s32 s13, s26;
	s14 =	sadd.s32 s14, s26;
	s26 =	simm.s32 $0x1  }
.LBB2_1:
0x16: {  	s0 =	rddreg [dreg:$0x3]  }
0x17: {  	s1 =	rddreg [dreg:$0x4];
	s0 =	sshrl.u32 s0, $0x3  }
0x18: {  	[spmem:s0], [sflag:s8] =	dma.local [hbm:s1], $0x2700  }
0x19: {  	s1 =	rddreg [dreg:$0x5]  }
0x1a: {  	s31 =	sshrl.u32 @!p0 s1, $0x3  }
0x1b: {  	[spmem:s31], [sflag:s8] =	dma.local @!p0 [hbm:s10], $0x100  }
0x1c: {  	[tilespmem:s3], [sflag:$0x4] =	stream.linear.gather [hbm4b:s11+s3], $0x1400, $0x38;
	[tilespmem:$0x1E080] =	vst v63  }
0x1d: {  	_ =	swait.ge [sflag:s20], $0x1400  }
0x1e: {  	[sflag:s20] =	ssyncset.done $0x0  }
0x1f: {  	[sflag:s20] =	ssyncadd.s32 $0xFFFFEC00  }
0x20: {  	[tilespmem:s21], [sflag:$0x4] =	stream.linear.gather [hbm4b:s12+s3], $0x1400, $0x38;
	[tilespmem:$0x1E080] =	vst v63  }
0x21: {  	_ =	swait.ge [sflag:s20], $0x1400  }
0x22: {  	[sflag:s20] =	ssyncset.done $0x0  }
0x23: {  	[sflag:s20] =	ssyncadd.s32 $0xFFFFEC00  }
0x24: {  	[tilespmem:s23], [sflag:$0x1] =	stream.indirect.gather [hbm4b:s4+s22], $0x80, s3, s22, $0xb8;
	[tilespmem:$0x1E080] =	vst v63  }
0x25: {  	_ =	swait.ge [sflag:s24], $0x2700  }
0x26: {  	[sflag:s24] =	ssyncset.done $0x0  }
0x27: {  	s1 =	simm.s32 @!p0 $0x3;
	[sflag:s24] =	ssyncadd.s32 $0xFFFFD900  }
0x28: {  	_ =	swait.ge @!p0 [sflag:s1], $0x100  }
0x29: {  	[sflag:s1] =	ssyncset.done @!p0 $0x0  }
0x2a: {  	[sflag:s1] =	ssyncadd.s32 @!p0 $0xFFFFFF00  }
0x2b: {  	s9 =	simm.s32 $0x80;
	[bflag:$0x0] =	sbarrier.arrive $0xFFFF  }
0x2c: {  	[tilespmem:s25], [sflag:$0x2] =	stream.indirect.gather [hbm4b:s4+s22], $0x80, s9, s22, $0xb8;
	[tilespmem:$0x1E080] =	vst v63  }
0x2d: {  	_ =	swait.ge [sflag:s26], $0x4000  }
0x2e: {  	[sflag:s26] =	ssyncset.done $0x0  }
0x2f: {  	s5 =	simm.s32 $0x1400;
	[sflag:s26] =	ssyncadd.s32 $0xFFFFC000  }
0x30: {  	[spmem:s2] =	stream.indirect.scatter.add.f32 [tilespmem:s23], [sflag:$0x4], $0x80, s5, s22, $0xb8;
	[tilespmem:$0x1E080] =	vst v63  }
0x31: {  	_ =	swait.ge [sflag:s20], $0x4000  }
0x32: {  	[sflag:s20] =	ssyncset.done $0x0  }
0x33: {  	s6 =	simm.s32 $0x100;
	[sflag:s20] =	ssyncadd.s32 $0xFFFFC000  }
0x34: {  	[tilespmem:s23], [sflag:$0x1] =	stream.indirect.gather [hbm4b:s4+s22], $0x80, s6, s22, $0xb8;
	[tilespmem:$0x1E080] =	vst v63  }
0x35: {  	_ =	swait.ge [sflag:s28], $0x4000  }
0x36: {  	[sflag:s28] =	ssyncset.done $0x0  }
0x37: {  	s9 =	simm.s32 $0x1480;
	[sflag:s28] =	ssyncadd.s32 $0xFFFFC000  }
0x38: {  	[spmem:s2] =	stream.indirect.scatter.add.f32 [tilespmem:s25], [sflag:$0x4], $0x80, s9, s22, $0xb8;
	[tilespmem:$0x1E080] =	vst v63  }
0x39: {  	_ =	swait.ge [sflag:s20], $0x4000  }
0x3a: {  	s29 =	simm.s32 $0x800;
	s1 =	simm.s32 $0x100;
	[sflag:s20] =	ssyncset.done $0x0  }
.LBB2_2:
0x3b: {  	s5 =	sadd.s32 $0x80, s1  }
0x3c: {  	[sflag:s20] =	ssyncadd.s32 $0xFFFFC000;
	s6 =	smov.u32 s29;
	s9 =	sadd.s32 $0x400, s29  }
0x3d: {  	[tilespmem:s25], [sflag:$0x2] =	stream.indirect.gather [hbm4b:s4+s22], $0x80, s5, s22, $0xb8;
	[tilespmem:$0x1E080] =	vst v63  }
0x3e: {  	p2 =	sne.s32 s29, $0x4800;
	_ =	swait.ge [sflag:s26], $0x4000  }
0x3f: {  	[sflag:s26] =	ssyncset.done $0x0  }
0x40: {  	s5 =	sadd.s32 $0x1400, s1;
	[sflag:s26] =	ssyncadd.s32 $0xFFFFC000  }
0x41: {  	[spmem:s2] =	stream.indirect.scatter.add.f32 [tilespmem:s23], [sflag:$0x4], $0x80, s5, s22, $0xb8;
	[tilespmem:$0x1E080] =	vst v63  }
0x42: {  	_ =	swait.ge [sflag:s20], $0x4000  }
0x43: {  	[sflag:s20] =	ssyncset.done $0x0  }
0x44: {  	s5 =	sadd.s32 $0x100, s1;
	[sflag:s20] =	ssyncadd.s32 $0xFFFFC000  }
0x45: {  	[tilespmem:s23], [sflag:$0x1] =	stream.indirect.gather [hbm4b:s4+s22], $0x80, s5, s22, $0xb8;
	[tilespmem:$0x1E080] =	vst v63  }
0x46: {  	_ =	swait.ge [sflag:s28], $0x4000  }
.Ltmp0:
0x47: {  	[sflag:s28] =	ssyncset.done $0x0;
	(pc) =	sbr.rel @p2 .LBB2_2-.Ltmp0, $4  }
0x48: {  	s1 =	sadd.s32 $0x1480, s1;
	[sflag:s28] =	ssyncadd.s32 $0xFFFFC000  }
0x49: {  	[spmem:s2] =	stream.indirect.scatter.add.f32 [tilespmem:s25], [sflag:$0x4], $0x80, s1, s22, $0xb8;
	[tilespmem:$0x1E080] =	vst v63  }
0x4a: {  	_ =	swait.ge [sflag:s20], $0x4000  }
0x4b: {  	s29 =	smov.u32 s9;
	s1 =	sshra.s32 s6, $0x2;
	[sflag:s20] =	ssyncset.done $0x0  }
0x4c: {  	s5 =	sadd.s32 $0x80, s1;
	[sflag:s20] =	ssyncadd.s32 $0xFFFFC000  }
0x4d: {  	[tilespmem:s25], [sflag:$0x2] =	stream.indirect.gather [hbm4b:s4+s22], $0x80, s5, s22, $0xb8;
	[tilespmem:$0x1E080] =	vst v63  }
0x4e: {  	_ =	swait.ge [sflag:s26], $0x4000  }
0x4f: {  	[sflag:s26] =	ssyncset.done $0x0  }
0x50: {  	s6 =	sadd.s32 $0x1400, s1;
	[sflag:s26] =	ssyncadd.s32 $0xFFFFC000  }
0x51: {  	[spmem:s2] =	stream.indirect.scatter.add.f32 [tilespmem:s23], [sflag:$0x4], $0x80, s6, s22, $0xb8;
	[tilespmem:$0x1E080] =	vst v63  }
0x52: {  	_ =	swait.ge [sflag:s20], $0x4000  }
0x53: {  	[sflag:s20] =	ssyncset.done $0x0  }
0x54: {  	s9 =	sadd.s32 $0x100, s1;
	[sflag:s20] =	ssyncadd.s32 $0xFFFFC000  }
0x55: {  	[tilespmem:s23], [sflag:$0x1] =	stream.indirect.gather [hbm4b:s4+s22], $0x80, s9, s22, $0xb8;
	[tilespmem:$0x1E080] =	vst v63  }
0x56: {  	_ =	swait.ge [sflag:s28], $0x4000  }
0x57: {  	[sflag:s28] =	ssyncset.done $0x0  }
0x58: {  	s5 =	sadd.s32 $0x1480, s1;
	[sflag:s28] =	ssyncadd.s32 $0xFFFFC000  }
0x59: {  	[spmem:s2] =	stream.indirect.scatter.add.f32 [tilespmem:s25], [sflag:$0x4], $0x80, s5, s22, $0xb8;
	[tilespmem:$0x1E080] =	vst v63  }
0x5a: {  	_ =	swait.ge [sflag:s20], $0x4000  }
0x5b: {  	[sflag:s20] =	ssyncset.done $0x0  }
0x5c: {  	s6 =	simm.s32 $0x1380;
	[sflag:s20] =	ssyncadd.s32 $0xFFFFC000  }
0x5d: {  	[tilespmem:s25], [sflag:$0x2] =	stream.indirect.gather [hbm4b:s4+s22], $0x80, s6, s22, $0xb8;
	[tilespmem:$0x1E080] =	vst v63  }
0x5e: {  	_ =	swait.ge [sflag:s26], $0x4000  }
0x5f: {  	[sflag:s26] =	ssyncset.done $0x0  }
0x60: {  	s9 =	simm.s32 $0x2700;
	[sflag:s26] =	ssyncadd.s32 $0xFFFFC000  }
0x61: {  	[spmem:s2] =	stream.indirect.scatter.add.f32 [tilespmem:s23], [sflag:$0x4], $0x80, s9, s22, $0xb8;
	[tilespmem:$0x1E080] =	vst v63  }
0x62: {  	_ =	swait.ge [sflag:s20], $0x4000  }
0x63: {  	[sflag:s20] =	ssyncset.done $0x0  }
0x64: {  	[sflag:s20] =	ssyncadd.s32 $0xFFFFC000  }
0x65: {  	_ =	swait.ge [sflag:s28], $0x4000  }
0x66: {  	[sflag:s28] =	ssyncset.done $0x0  }
0x67: {  	s5 =	simm.s32 $0x2780;
	[sflag:s28] =	ssyncadd.s32 $0xFFFFC000  }
0x68: {  	[spmem:s2] =	stream.indirect.scatter.add.f32 [tilespmem:s25], [sflag:$0x4], $0x80, s5, s22, $0xb8;
	[tilespmem:$0x1E080] =	vst v63  }
0x69: {  	_ =	swait.ge [sflag:s20], $0x4000  }
0x6a: {  	[sflag:s20] =	ssyncset.done $0x0  }
0x6b: {  	s6 =	simm.s32 $0x0;
	[sflag:s20] =	ssyncadd.s32 $0xFFFFC000  }
0x6c: {  	[tilespmem:s6], [sflag:$0x4] =	stream.linear.gather [hbm4b:s13+s6], $0x1400, $0x38;
	[tilespmem:$0x1E080] =	vst v63  }
0x6d: {  	_ =	swait.ge [sflag:s20], $0x1400  }
0x6e: {  	[sflag:s20] =	ssyncset.done $0x0  }
0x6f: {  	[sflag:s20] =	ssyncadd.s32 $0xFFFFEC00  }
0x70: {  	[tilespmem:s21], [sflag:$0x4] =	stream.linear.gather [hbm4b:s14+s6], $0x1400, $0x38;
	[tilespmem:$0x1E080] =	vst v63  }
0x71: {  	_ =	swait.ge [sflag:s20], $0x1400  }
0x72: {  	[sflag:s20] =	ssyncset.done $0x0  }
0x73: {  	[sflag:s20] =	ssyncadd.s32 $0xFFFFEC00  }
0x74: {  	[tilespmem:s23], [sflag:$0x1] =	stream.indirect.gather [hbm4b:s4+s22], $0x80, s6, s22, $0xb8;
	[tilespmem:$0x1E080] =	vst v63  }
0x75: {  	s9 =	simm.s32 $0x80  }
0x76: {  	[tilespmem:s25], [sflag:$0x2] =	stream.indirect.gather [hbm4b:s4+s22], $0x80, s9, s22, $0xb8;
	[tilespmem:$0x1E080] =	vst v63  }
0x77: {  	_ =	swait.ge [sflag:s26], $0x4000  }
0x78: {  	[sflag:s26] =	ssyncset.done $0x0  }
0x79: {  	s5 =	simm.s32 $0x1400;
	[sflag:s26] =	ssyncadd.s32 $0xFFFFC000  }
0x7a: {  	[spmem:s2] =	stream.indirect.scatter.add.f32 [tilespmem:s23], [sflag:$0x4], $0x80, s5, s22, $0xb8;
	[tilespmem:$0x1E080] =	vst v63  }
0x7b: {  	_ =	swait.ge [sflag:s20], $0x4000  }
0x7c: {  	[sflag:s20] =	ssyncset.done $0x0  }
0x7d: {  	s6 =	simm.s32 $0x100;
	[sflag:s20] =	ssyncadd.s32 $0xFFFFC000  }
0x7e: {  	[tilespmem:s23], [sflag:$0x1] =	stream.indirect.gather [hbm4b:s4+s22], $0x80, s6, s22, $0xb8;
	[tilespmem:$0x1E080] =	vst v63  }
0x7f: {  	_ =	swait.ge [sflag:s28], $0x4000  }
0x80: {  	[sflag:s28] =	ssyncset.done $0x0  }
0x81: {  	s9 =	simm.s32 $0x1480;
	[sflag:s28] =	ssyncadd.s32 $0xFFFFC000  }
0x82: {  	[spmem:s2] =	stream.indirect.scatter.add.f32 [tilespmem:s25], [sflag:$0x4], $0x80, s9, s22, $0xb8;
	[tilespmem:$0x1E080] =	vst v63  }
0x83: {  	_ =	swait.ge [sflag:s20], $0x4000  }
0x84: {  	s29 =	simm.s32 $0x800;
	s1 =	simm.s32 $0x100;
	[sflag:s20] =	ssyncset.done $0x0  }
.LBB2_4:
0x85: {  	s5 =	sadd.s32 $0x80, s1  }
0x86: {  	[sflag:s20] =	ssyncadd.s32 $0xFFFFC000;
	s6 =	smov.u32 s29;
	s9 =	sadd.s32 $0x400, s29  }
0x87: {  	[tilespmem:s25], [sflag:$0x2] =	stream.indirect.gather [hbm4b:s4+s22], $0x80, s5, s22, $0xb8;
	[tilespmem:$0x1E080] =	vst v63  }
0x88: {  	p2 =	sne.s32 s29, $0x4400;
	_ =	swait.ge [sflag:s26], $0x4000  }
0x89: {  	[sflag:s26] =	ssyncset.done $0x0  }
0x8a: {  	s5 =	sadd.s32 $0x1400, s1;
	[sflag:s26] =	ssyncadd.s32 $0xFFFFC000  }
0x8b: {  	[spmem:s2] =	stream.indirect.scatter.add.f32 [tilespmem:s23], [sflag:$0x4], $0x80, s5, s22, $0xb8;
	[tilespmem:$0x1E080] =	vst v63  }
0x8c: {  	_ =	swait.ge [sflag:s20], $0x4000  }
0x8d: {  	[sflag:s20] =	ssyncset.done $0x0  }
0x8e: {  	s5 =	sadd.s32 $0x100, s1;
	[sflag:s20] =	ssyncadd.s32 $0xFFFFC000  }
0x8f: {  	[tilespmem:s23], [sflag:$0x1] =	stream.indirect.gather [hbm4b:s4+s22], $0x80, s5, s22, $0xb8;
	[tilespmem:$0x1E080] =	vst v63  }
0x90: {  	_ =	swait.ge [sflag:s28], $0x4000  }
.Ltmp1:
0x91: {  	[sflag:s28] =	ssyncset.done $0x0;
	(pc) =	sbr.rel @p2 .LBB2_4-.Ltmp1, $4  }
0x92: {  	s1 =	sadd.s32 $0x1480, s1;
	[sflag:s28] =	ssyncadd.s32 $0xFFFFC000  }
0x93: {  	[spmem:s2] =	stream.indirect.scatter.add.f32 [tilespmem:s25], [sflag:$0x4], $0x80, s1, s22, $0xb8;
	[tilespmem:$0x1E080] =	vst v63  }
0x94: {  	_ =	swait.ge [sflag:s20], $0x4000  }
0x95: {  	s29 =	smov.u32 s9;
	s1 =	sshra.s32 s6, $0x2;
	[sflag:s20] =	ssyncset.done $0x0  }
0x96: {  	s5 =	sadd.s32 $0x80, s1;
	[sflag:s20] =	ssyncadd.s32 $0xFFFFC000  }
0x97: {  	[tilespmem:s25], [sflag:$0x2] =	stream.indirect.gather [hbm4b:s4+s22], $0x80, s5, s22, $0xb8;
	[tilespmem:$0x1E080] =	vst v63  }
0x98: {  	_ =	swait.ge [sflag:s26], $0x4000  }
0x99: {  	[sflag:s26] =	ssyncset.done $0x0  }
0x9a: {  	s9 =	sadd.s32 $0x1400, s1;
	[sflag:s26] =	ssyncadd.s32 $0xFFFFC000  }
0x9b: {  	[spmem:s2] =	stream.indirect.scatter.add.f32 [tilespmem:s23], [sflag:$0x4], $0x80, s9, s22, $0xb8;
	[tilespmem:$0x1E080] =	vst v63  }
0x9c: {  	_ =	swait.ge [sflag:s20], $0x4000  }
0x9d: {  	[sflag:s20] =	ssyncset.done $0x0  }
0x9e: {  	s29 =	sadd.s32 $0x100, s1;
	[sflag:s20] =	ssyncadd.s32 $0xFFFFC000  }
0x9f: {  	[tilespmem:s23], [sflag:$0x1] =	stream.indirect.gather [hbm4b:s4+s22], $0x80, s29, s22, $0xb8;
	[tilespmem:$0x1E080] =	vst v63  }
0xa0: {  	_ =	swait.ge [sflag:s28], $0x4000  }
0xa1: {  	[sflag:s28] =	ssyncset.done $0x0  }
0xa2: {  	s5 =	sadd.s32 $0x1480, s1;
	[sflag:s28] =	ssyncadd.s32 $0xFFFFC000  }
0xa3: {  	[spmem:s2] =	stream.indirect.scatter.add.f32 [tilespmem:s25], [sflag:$0x4], $0x80, s5, s22, $0xb8;
	[tilespmem:$0x1E080] =	vst v63  }
0xa4: {  	_ =	swait.ge [sflag:s20], $0x4000  }
0xa5: {  	[sflag:s20] =	ssyncset.done $0x0  }
0xa6: {  	s6 =	simm.s32 $0x1280;
	[sflag:s20] =	ssyncadd.s32 $0xFFFFC000  }
0xa7: {  	[tilespmem:s25], [sflag:$0x2] =	stream.indirect.gather [hbm4b:s4+s22], $0x80, s6, s22, $0xb8;
	[tilespmem:$0x1E080] =	vst v63  }
0xa8: {  	_ =	swait.ge [sflag:s26], $0x4000  }
0xa9: {  	[sflag:s26] =	ssyncset.done $0x0  }
0xaa: {  	s9 =	simm.s32 $0x2600;
	[sflag:s26] =	ssyncadd.s32 $0xFFFFC000  }
0xab: {  	[spmem:s2] =	stream.indirect.scatter.add.f32 [tilespmem:s23], [sflag:$0x4], $0x80, s9, s22, $0xb8;
	[tilespmem:$0x1E080] =	vst v63  }
0xac: {  	_ =	swait.ge [sflag:s20], $0x4000  }
0xad: {  	[sflag:s20] =	ssyncset.done $0x0  }
0xae: {  	[sflag:s20] =	ssyncadd.s32 $0xFFFFC000  }
0xaf: {  	_ =	swait.ge [sflag:s28], $0x4000  }
0xb0: {  	[sflag:s28] =	ssyncset.done $0x0  }
0xb1: {  	s29 =	simm.s32 $0x2680;
	[sflag:s28] =	ssyncadd.s32 $0xFFFFC000  }
0xb2: {  	[spmem:s2] =	stream.indirect.scatter.add.f32 [tilespmem:s25], [sflag:$0x4], $0x80, s29, s22, $0xb8;
	[tilespmem:$0x1E080] =	vst v63  }
0xb3: {  	_ =	swait.ge [sflag:s20], $0x4000  }
0xb4: {  	[sflag:s20] =	ssyncset.done $0x0  }
0xb5: {  	s1 =	simm.s32 @!p1 $0x0;
	s5 =	simm.s32 @!p1 $0x4;
	[sflag:s20] =	ssyncadd.s32 $0xFFFFC000  }
0xb6: {  	[tilespmem:s1], [sflag:$0x4] =	stream.linear.gather @!p1 [hbm4b:s15+s1], $0x80, $0x38;
	[tilespmem:$0x1E080] =	vst v63  }
0xb7: {  	_ =	swait.ge @!p1 [sflag:s5], $0x80  }
0xb8: {  	[sflag:s5] =	ssyncset.done @!p1 $0x0  }
0xb9: {  	s6 =	simm.s32 @!p1 $0x1400;
	[sflag:s5] =	ssyncadd.s32 @!p1 $0xFFFFFF80  }
0xba: {  	[tilespmem:s6], [sflag:$0x4] =	stream.linear.gather @!p1 [hbm4b:s16+s1], $0x80, $0x38;
	[tilespmem:$0x1E080] =	vst v63  }
0xbb: {  	_ =	swait.ge @!p1 [sflag:s5], $0x80  }
0xbc: {  	[sflag:s5] =	ssyncset.done @!p1 $0x0  }
0xbd: {  	s9 =	simm.s32 @!p1 $0x80;
	s29 =	simm.s32 @!p1 $0x2800;
	[sflag:s5] =	ssyncadd.s32 @!p1 $0xFFFFFF80  }
0xbe: {  	[tilespmem:s29], [sflag:$0x1] =	stream.indirect.gather @!p1 [hbm4b:s4+s9], $0x80, s1, s9, $0xb8;
	[tilespmem:$0x1E080] =	vst v63  }
0xbf: {  	s1 =	simm.s32 @!p1 $0x1  }
0xc0: {  	_ =	swait.ge @!p1 [sflag:s1], $0x4000  }
0xc1: {  	[sflag:s1] =	ssyncset.done @!p1 $0x0  }
0xc2: {  	[sflag:s1] =	ssyncadd.s32 @!p1 $0xFFFFC000  }
0xc3: {  	[spmem:s2] =	stream.indirect.scatter.add.f32 @!p1 [tilespmem:s29], [sflag:$0x4], $0x80, s6, s9, $0xb8;
	[tilespmem:$0x1E080] =	vst v63  }
0xc4: {  	_ =	swait.ge @!p1 [sflag:s5], $0x4000  }
0xc5: {  	[sflag:s5] =	ssyncset.done @!p1 $0x0  }
0xc6: {  	[sflag:s5] =	ssyncadd.s32 @!p1 $0xFFFFC000  }
0xc7: {  	s1 =	sor.u32 $0x1C04, s7;
	[bflag:$0x0] =	sbarrier.arrive $0xFFFF  }
0xc8: {  	[hbm:s17], [sflag:s1] =	dma.local [spmem:s0], $0x2700  }
0xc9: {  	s30 =	sadd.s32 $0x1, s30;
	_ =	swait.ge [sflag:s20], $0x2700  }
0xca: {  	p2 =	sne.s32 s30, s19;
	[sflag:s20] =	ssyncset.done $0x0  }
.Ltmp2:
0xcb: {  	s0 =	simm.s32 @!p0 $0x4;
	[sflag:s20] =	ssyncadd.s32 $0xFFFFD900;
	(pc) =	sbr.rel @p2 .LBB2_1-.Ltmp2, $4  }
0xcc: {  	[hbm:s18], [sflag:s1] =	dma.local @!p0 [spmem:s31], $0x100  }
0xcd: {  	_ =	swait.ge @!p0 [sflag:s0], $0x100  }
0xce: {  	[sflag:s0] =	ssyncset.done @!p0 $0x0  }
0xcf: {  	[sflag:s0] =	ssyncadd.s32 @!p0 $0xFFFFFF00  }
0xd0: {  	_ =	sfence.sel $0x180000  }
0xd1: {  	[bflag:$0x0] =	sbarrier.arrive $0xFFFF  }
0xd2: {  	_ =	strace $0x90000047  }
0xd3: {  	s0 =	stileid.u32;
	[bflag:$0x2] =	sbarrier.arrive $0xFFFF  }
0xd4: {  	p0 =	sne.s32 s0, $0x0;
	s0 =	rddreg [dreg:$0x2]  }
0xd5: {  	s0 =	sadd.s32 @!p0 $0x100000, s0  }
0xd6: {  	[sflag:s0] =	ssyncadd.tile.s32 @!p0 $0x1;
	_ =	shalt  }
.Lfunc_end2:
_tile_overlayer_lowered:
.L_overlay_start_2:
0xd7: {  	(tag) =	ssettag $0x2  }
0xd8: {  	s0 =	rddreg [dreg:$0x0];
	s2 =	stileid.u32  }
0xd9: {  	s1 =	rddreg [dreg:$0x1];
	p0 =	sne.s32 s2, $0x0  }
0xda: {  	s3 =	rddreg [dreg:$0x2];
	[bflag:$0x3] =	sbarrier.arrive $0xFFFF;
	s2 =	simm.s32 @!p0 $0x1C04  }
0xdb: {  	[timem:s3], [sflag:s2] =	dma.local @!p0 [hbm:s0], s1  }
0xdc: {  	s0 =	simm.s32 @!p0 $0x4  }
0xdd: {  	_ =	swait.ge @!p0 [sflag:s0], s1  }
0xde: {  	s1 =	ssub.s32 @!p0 $0x0, s1;
	[sflag:s0] =	ssyncset.done @!p0 $0x0  }
0xdf: {  	[sflag:s0] =	ssyncadd.s32 @!p0 s1  }
0xe0: {  	[bflag:$0x3] =	sbarrier.arrive $0xFFFF  }
0xe1: {  	_ =	shalt  }

</sc_bundles>
